<compile_context>
chip_gen: v7x
topology: tpu7x:2x2x1
jax: 0.10.2.dev20260603
libtpu: 0.0.44.dev20260713+nightly
codegen_flags: <defaults>
</compile_context>

<pallas_src>
import functools

import jax
import jax.numpy as jnp
from jax import lax
from jax.experimental import pallas as pl
from jax.experimental.pallas import tpu as pltpu
from jax.experimental.pallas import tpu_sc as plsc

N = 10000
E = 320000
D = 128
T = 20

NC = 2
NS = 16
ROWS_PER_TILE = N // NS
OUT_TILES = 10
OUT_ROWS = N // OUT_TILES
K = 125
BLOCKS_A = E // (NC * NS) // K
BLOCKS_C = E // NS // K
CHUNK_C = 32

def _sc_degree_body(dst_hbm, zeros_hbm, ones_hbm, out_hbm, acc, onesv, dstv):
    c = lax.axis_index("c")
    s = lax.axis_index("s")
    r0 = s * ROWS_PER_TILE
    pltpu.sync_copy(zeros_hbm, acc.at[pl.ds(r0, ROWS_PER_TILE)])
    pltpu.sync_copy(ones_hbm, onesv)
    pltpu.sync_copy(dst_hbm.at[c, s], dstv)
    plsc.subcore_barrier()

    def step(j, carry):
        pltpu.sync_copy(onesv, acc.at[dstv.at[j]], add=True)
        return carry

    lax.fori_loop(0, BLOCKS_A, step, 0)
    plsc.subcore_barrier()

    @pl.when(s < OUT_TILES)
    def _():
        pltpu.sync_copy(acc.at[pl.ds(s * OUT_ROWS, OUT_ROWS)],
                        out_hbm.at[c, s])


def _sc_gather_scatter_body(g_hbm, src_hbm, dst_hbm, zeros_hbm, out_hbm,
                            acc, rows0, rows1, srcv, dstv,
                            gsem0, gsem1, ssem0, ssem1):
    c = lax.axis_index("c")
    s = lax.axis_index("s")
    r0 = s * ROWS_PER_TILE
    pltpu.sync_copy(zeros_hbm, acc.at[pl.ds(r0, ROWS_PER_TILE)])
    plsc.subcore_barrier()

    rows = (rows0, rows1)
    gsem = (gsem0, gsem1)
    ssem = (ssem0, ssem1)

    def chunk(q, carry):
        pltpu.sync_copy(src_hbm.at[c, s, pl.ds(q * CHUNK_C, CHUNK_C)], srcv)
        pltpu.sync_copy(dst_hbm.at[s, pl.ds(q * CHUNK_C, CHUNK_C)], dstv)
        hg = [None] * CHUNK_C
        hs = [None] * CHUNK_C
        hg[0] = pltpu.async_copy(g_hbm.at[srcv.at[0]], rows[0], gsem[0])
        for j in range(CHUNK_C):
            b = j % 2
            hg[j].wait()
            hs[j] = pltpu.async_copy(rows[b], acc.at[dstv.at[j]], ssem[b],
                                     add=True)
            if j + 1 < CHUNK_C:
                if j >= 1:
                    hs[j - 1].wait()
                hg[j + 1] = pltpu.async_copy(g_hbm.at[srcv.at[j + 1]],
                                             rows[1 - b], gsem[1 - b])
        hs[CHUNK_C - 2].wait()
        hs[CHUNK_C - 1].wait()
        return carry

    lax.fori_loop(0, BLOCKS_C // CHUNK_C, chunk, 0)
    plsc.subcore_barrier()

    @pl.when(s < OUT_TILES)
    def _():
        pltpu.sync_copy(acc.at[pl.ds(s * OUT_ROWS, OUT_ROWS)],
                        out_hbm.at[c, s])


@functools.lru_cache(maxsize=None)
def _sc_kernels():
    mesh = plsc.VectorSubcoreMesh(core_axis_name="c", subcore_axis_name="s")
    sc_degree = pl.kernel(
        _sc_degree_body,
        mesh=mesh,
        out_type=jax.ShapeDtypeStruct((NC, OUT_TILES, OUT_ROWS, D),
                                      jnp.float32),
        scratch_types=[
            pltpu.VMEM_SHARED((N, D), jnp.float32),
            pltpu.VMEM((K, D), jnp.float32),
            pltpu.VMEM((BLOCKS_A, K), jnp.int32),
        ],
    )
    sc_gather_scatter = pl.kernel(
        _sc_gather_scatter_body,
        mesh=mesh,
        out_type=jax.ShapeDtypeStruct((NC, OUT_TILES, OUT_ROWS, D),
                                      jnp.float32),
        scratch_types=[
            pltpu.VMEM_SHARED((N, D), jnp.float32),
            pltpu.VMEM((K, D), jnp.float32),
            pltpu.VMEM((K, D), jnp.float32),
            pltpu.VMEM((CHUNK_C, K), jnp.int32),
            pltpu.VMEM((CHUNK_C, K), jnp.int32),
            pltpu.SemaphoreType.DMA,
            pltpu.SemaphoreType.DMA,
            pltpu.SemaphoreType.DMA,
            pltpu.SemaphoreType.DMA,
        ],
    )
    return sc_degree, sc_gather_scatter


def _prep_body(xs_ref, xt_ref, w1_ref, w2_ref, degp_ref, g_ref):
    deg = degp_ref[0][:, 0:1] + degp_ref[1][:, 0:1] + 1.0
    dinv = lax.rsqrt(deg)
    x = xs_ref[...]
    h1 = lax.dot_general(x, w1_ref[...], (((1,), (1,)), ((), ())),
                         preferred_element_type=jnp.float32)
    h2 = lax.dot_general(x + xt_ref[...], w2_ref[...], (((1,), (1,)), ((), ())),
                         preferred_element_type=jnp.float32)
    g_ref[0] = h1 * dinv
    g_ref[1] = h2 * dinv


def _tc_prepare(xs, xt, W1, W2, degp):
    bn = 1000
    grid = (N // bn,)
    return pl.pallas_call(
        _prep_body,
        grid=grid,
        in_specs=[
            pl.BlockSpec((bn, D), lambda i: (i, 0)),
            pl.BlockSpec((bn, D), lambda i: (i, 0)),
            pl.BlockSpec((D, D), lambda i: (0, 0)),
            pl.BlockSpec((D, D), lambda i: (0, 0)),
            pl.BlockSpec((NC, bn, D), lambda i: (0, i, 0)),
        ],
        out_specs=pl.BlockSpec((NC, bn, D), lambda i: (0, i, 0)),
        out_shape=jax.ShapeDtypeStruct((NC, N, D), jnp.float32),
    )(xs, xt, W1, W2, degp)


def _final_body(acc_ref, g_ref, degp_ref, xs_ref, xto_ref, b1_ref, b2_ref,
                embs_ref, etf_ref, cs_ref, ct_ref, *, ngrid):
    deg = degp_ref[0][:, 0:1] + degp_ref[1][:, 0:1] + 1.0
    dinv = lax.rsqrt(deg)
    xs = xs_ref[...]
    emb_s = dinv * (acc_ref[0] + g_ref[0]) + b1_ref[...] + xs
    etn = dinv * (acc_ref[1] + g_ref[1]) + b2_ref[...] + xs
    embs_ref[...] = emb_s
    xto = xto_ref[...]
    etf_ref[...] = xto + etn[None, :, :]

    cs_part = jnp.sum(emb_s, axis=0, keepdims=True)
    ct_part = (jnp.sum(xto, axis=(0, 1))[None, :] * (1.0 / T)
               + jnp.sum(etn, axis=0, keepdims=True))
    i = pl.program_id(0)

    @pl.when(i == 0)
    def _():
        cs_ref[...] = jnp.zeros_like(cs_ref)
        ct_ref[...] = jnp.zeros_like(ct_ref)

    cs_ref[...] += cs_part
    ct_ref[...] += ct_part

    @pl.when(i == ngrid - 1)
    def _():
        cs_ref[...] *= 1.0 / N
        ct_ref[...] *= 1.0 / N


def _tc_finalize(acc, g, degp, xs, xto, b1, b2):
    bn = 400
    ngrid = N // bn
    return pl.pallas_call(
        functools.partial(_final_body, ngrid=ngrid),
        grid=(ngrid,),
        in_specs=[
            pl.BlockSpec((NC, bn, D), lambda i: (0, i, 0)),
            pl.BlockSpec((NC, bn, D), lambda i: (0, i, 0)),
            pl.BlockSpec((NC, bn, D), lambda i: (0, i, 0)),
            pl.BlockSpec((bn, D), lambda i: (i, 0)),
            pl.BlockSpec((T, bn, D), lambda i: (0, i, 0)),
            pl.BlockSpec((1, D), lambda i: (0, 0)),
            pl.BlockSpec((1, D), lambda i: (0, 0)),
        ],
        out_specs=[
            pl.BlockSpec((bn, D), lambda i: (i, 0)),
            pl.BlockSpec((T, bn, D), lambda i: (0, i, 0)),
            pl.BlockSpec((1, D), lambda i: (0, 0)),
            pl.BlockSpec((1, D), lambda i: (0, 0)),
        ],
        out_shape=[
            jax.ShapeDtypeStruct((N, D), jnp.float32),
            jax.ShapeDtypeStruct((T, N, D), jnp.float32),
            jax.ShapeDtypeStruct((1, D), jnp.float32),
            jax.ShapeDtypeStruct((1, D), jnp.float32),
        ],
    )(acc, g, degp, xs, xto, b1, b2)


def kernel(x_sentance, x_token, x_token_ori, edge_index, W1, b1, W2, b2):
    src = edge_index[0]
    dst = edge_index[1]

    dstA = dst.reshape(NC, NS, BLOCKS_A, K)
    dstC = dst.reshape(NS, BLOCKS_C, K)
    srcC = src.reshape(NS, BLOCKS_C, K)
    srcC2 = jnp.stack([srcC, srcC + N])

    zerosD = jnp.zeros((ROWS_PER_TILE, D), jnp.float32)
    onesD = jnp.ones((K, D), jnp.float32)

    sc_degree, sc_gather_scatter = _sc_kernels()
    degp = sc_degree(dstA, zerosD, onesD).reshape(NC, N, D)
    g = _tc_prepare(x_sentance, x_token, W1, W2, degp)
    acc = sc_gather_scatter(g.reshape(NC * N, D), srcC2, dstC,
                            zerosD).reshape(NC, N, D)

    emb_s, etf_t, cs, ct = _tc_finalize(
        acc, g, degp, x_sentance, jnp.transpose(x_token_ori, (1, 0, 2)),
        b1.reshape(1, D), b2.reshape(1, D))
    return (emb_s, jnp.transpose(etf_t, (1, 0, 2)),
            cs.reshape(D), ct.reshape(D))

# --- scband reference (transcript-rebuilt; emitter-appended) ---
"""Pipeline reference for scband-ours-method-87316685127959 (READ-ONLY COPY).

The authoritative reference and input builder live on the scoring server;
editing this copy changes nothing except your own understanding.
"""

import jax, jax.numpy as jnp
import numpy as np

N = 10000
E = 320000
D = 128
T = 20


def gcn_conv(x, src, dst, W, b, num_nodes):
    # PyG GCNConv, num_layers==1 path: x' = D^{-1/2}(A+I)D^{-1/2} X W^T + bias
    h = x @ W.T
    loop = jnp.arange(num_nodes, dtype=src.dtype)
    s = jnp.concatenate([src, loop])
    d = jnp.concatenate([dst, loop])
    deg = jnp.zeros((num_nodes,), dtype=h.dtype).at[d].add(1.0)
    dinv = jnp.where(deg > 0, deg ** -0.5, 0.0)
    norm = dinv[s] * dinv[d]
    msg = h[s] * norm[:, None]
    out = jnp.zeros_like(h).at[d].add(msg)
    return out + b


def setup_inputs(seed: int = 0) -> dict:
    key = jax.random.key(seed)
    ks = jax.random.split(key, 6)
    x_sentance = jax.random.normal(ks[0], (N, D), dtype=jnp.float32)
    x_token = jax.random.normal(ks[1], (N, D), dtype=jnp.float32)
    x_token_ori = jax.random.normal(ks[2], (N, T, D), dtype=jnp.float32)
    edge_index = jax.random.randint(ks[3], (2, E), 0, N, dtype=jnp.int32)
    # learned params: GCNConv lin weights init normal(0, 0.0005), bias zeros (PyG default)
    W1 = 0.0005 * jax.random.normal(ks[4], (D, D), dtype=jnp.float32)
    b1 = jnp.zeros((D,), dtype=jnp.float32)
    W2 = 0.0005 * jax.random.normal(ks[5], (D, D), dtype=jnp.float32)
    b2 = jnp.zeros((D,), dtype=jnp.float32)
    return {"x_sentance": x_sentance, "x_token": x_token, "x_token_ori": x_token_ori,
            "edge_index": edge_index, "W1": W1, "b1": b1, "W2": W2, "b2": b2}


def reference(x_sentance, x_token, x_token_ori, edge_index, W1, b1, W2, b2):
    src = edge_index[0]
    dst = edge_index[1]
    # encode()
    emb_sentance = gcn_conv(x_sentance, src, dst, W1, b1, N) + x_sentance
    emb_token = x_sentance + x_token
    emb_token_nei = gcn_conv(emb_token, src, dst, W2, b2, N) + x_sentance
    # forward(), batch is None branch
    context_sentance = emb_sentance.mean(axis=0)
    emb_token_full = x_token_ori + emb_token_nei[:, None, :]  # list of [T,D] per node, stacked
    context_token = emb_token_full.mean(axis=1).mean(axis=0)
    return (emb_sentance, emb_token_full, context_sentance, context_token)

if __name__ == "__main__":
    import jax
    _d = setup_inputs()
    print(jax.jit(kernel)(*tuple(_d.values())))

</pallas_src>

<mosaic_0001>
#map = affine_map<(d0, d1) -> (0, 0, 0, 0)>
#map1 = affine_map<(d0, d1) -> (0, 0)>
module attributes {stable_mosaic.version = 14 : i64} {
  func.func @_sc_degree_body(%arg0: i32, %arg1: i32, %arg2: memref<2x16x80x125xi32, #tpu.memory_space<hbm>>, %arg3: memref<625x128xf32, #tpu.memory_space<hbm>>, %arg4: memref<125x128xf32, #tpu.memory_space<hbm>>, %arg5: memref<2x10x1000x128xf32, #tpu.memory_space<hbm>>, %arg6: memref<10000x128xf32, #tpu.memory_space<vmem_shared>>, %arg7: memref<125x128xf32, #tpu.memory_space<vmem>>, %arg8: memref<80x125xi32, #tpu.memory_space<vmem>>) attributes {dimension_semantics = [#tpu.dimension_semantics<core_parallel>, #tpu.dimension_semantics<subcore_parallel>], iteration_bounds = array<i64: 2, 16>, scalar_prefetch = 0 : i64, scratch_operands = 3 : i64, tpu.core_type = #tpu.core_type<sc_vector_subcore>, window_params = [{transform_indices = #map}, {transform_indices = #map1}, {transform_indices = #map1}, {transform_indices = #map}]} {
    %mul3A = arith.constant 625 : i32
    %mul3A_0 = arith.muli %arg1, %mul3A : i32
    "tpu.region"() ({
      %run_scoped3A = tpu.sem_alloc : memref<!tpu.dma_semaphore, #tpu.memory_space<semaphore_mem>>
      %dma_start3A = arith.constant 0 : i32
      %dma_start3A_9 = tpu.memref_slice %arg6[%mul3A_0, %dma_start3A] : memref<10000x128xf32, #tpu.memory_space<vmem_shared>> -> memref<625x128xf32, #tpu.memory_space<vmem_shared>>
      tpu.enqueue_dma source(%arg3 : memref<625x128xf32, #tpu.memory_space<hbm>>) target(%dma_start3A_9 : memref<625x128xf32, #tpu.memory_space<vmem_shared>>) target_semaphore(%run_scoped3A : memref<!tpu.dma_semaphore, #tpu.memory_space<semaphore_mem>>)
      %dma_wait3A = arith.constant 0 : i32
      %dma_wait3A_10 = tpu.memref_slice %arg6[%mul3A_0, %dma_wait3A] : memref<10000x128xf32, #tpu.memory_space<vmem_shared>> -> memref<625x128xf32, #tpu.memory_space<vmem_shared>>
      tpu.wait_dma2 semaphore(%run_scoped3A : memref<!tpu.dma_semaphore, #tpu.memory_space<semaphore_mem>>) src(%arg3 : memref<625x128xf32, #tpu.memory_space<hbm>>) dst(%dma_wait3A_10 : memref<625x128xf32, #tpu.memory_space<vmem_shared>>)
      tpu.yield
    }) : () -> ()
    "tpu.region"() ({
      %run_scoped3A = tpu.sem_alloc : memref<!tpu.dma_semaphore, #tpu.memory_space<semaphore_mem>>
      tpu.enqueue_dma source(%arg4 : memref<125x128xf32, #tpu.memory_space<hbm>>) target(%arg7 : memref<125x128xf32, #tpu.memory_space<vmem>>) target_semaphore(%run_scoped3A : memref<!tpu.dma_semaphore, #tpu.memory_space<semaphore_mem>>)
      tpu.wait_dma2 semaphore(%run_scoped3A : memref<!tpu.dma_semaphore, #tpu.memory_space<semaphore_mem>>) src(%arg4 : memref<125x128xf32, #tpu.memory_space<hbm>>) dst(%arg7 : memref<125x128xf32, #tpu.memory_space<vmem>>)
      tpu.yield
    }) : () -> ()
    "tpu.region"() ({
      %run_scoped3A = tpu.sem_alloc : memref<!tpu.dma_semaphore, #tpu.memory_space<semaphore_mem>>
      %dma_start3A = arith.constant 0 : i32
      %dma_start3A_9 = arith.constant 0 : i32
      %dma_start3A_10 = tpu.memref_slice %arg2[%arg0, %arg1, %dma_start3A, %dma_start3A_9] : memref<2x16x80x125xi32, #tpu.memory_space<hbm>> -> memref<1x1x80x125xi32, #tpu.memory_space<hbm>>
      %dma_start3A_11 = tpu.memref_squeeze %dma_start3A_10 : memref<1x1x80x125xi32, #tpu.memory_space<hbm>> -> memref<80x125xi32, #tpu.memory_space<hbm>>
      %dma_start3A_12 = arith.constant 0 : i32
      %dma_start3A_13 = arith.constant 0 : i32
      %dma_start3A_14 = tpu.memref_slice %arg2[%arg0, %arg1, %dma_start3A_12, %dma_start3A_13] : memref<2x16x80x125xi32, #tpu.memory_space<hbm>> -> memref<1x1x80x125xi32, #tpu.memory_space<hbm>>
      %dma_start3A_15 = tpu.memref_squeeze %dma_start3A_14 : memref<1x1x80x125xi32, #tpu.memory_space<hbm>> -> memref<80x125xi32, #tpu.memory_space<hbm>>
      tpu.enqueue_dma source(%dma_start3A_15 : memref<80x125xi32, #tpu.memory_space<hbm>>) target(%arg8 : memref<80x125xi32, #tpu.memory_space<vmem>>) target_semaphore(%run_scoped3A : memref<!tpu.dma_semaphore, #tpu.memory_space<semaphore_mem>>)
      %dma_wait3A = arith.constant 0 : i32
      %dma_wait3A_16 = arith.constant 0 : i32
      %dma_wait3A_17 = tpu.memref_slice %arg2[%arg0, %arg1, %dma_wait3A, %dma_wait3A_16] : memref<2x16x80x125xi32, #tpu.memory_space<hbm>> -> memref<1x1x80x125xi32, #tpu.memory_space<hbm>>
      %dma_wait3A_18 = tpu.memref_squeeze %dma_wait3A_17 : memref<1x1x80x125xi32, #tpu.memory_space<hbm>> -> memref<80x125xi32, #tpu.memory_space<hbm>>
      %dma_wait3A_19 = arith.constant 0 : i32
      %dma_wait3A_20 = arith.constant 0 : i32
      %dma_wait3A_21 = tpu.memref_slice %arg2[%arg0, %arg1, %dma_wait3A_19, %dma_wait3A_20] : memref<2x16x80x125xi32, #tpu.memory_space<hbm>> -> memref<1x1x80x125xi32, #tpu.memory_space<hbm>>
      %dma_wait3A_22 = tpu.memref_squeeze %dma_wait3A_21 : memref<1x1x80x125xi32, #tpu.memory_space<hbm>> -> memref<80x125xi32, #tpu.memory_space<hbm>>
      tpu.wait_dma2 semaphore(%run_scoped3A : memref<!tpu.dma_semaphore, #tpu.memory_space<semaphore_mem>>) src(%dma_wait3A_22 : memref<80x125xi32, #tpu.memory_space<hbm>>) dst(%arg8 : memref<80x125xi32, #tpu.memory_space<vmem>>)
      tpu.yield
    }) : () -> ()
    %barrier3A = arith.constant 0 : index
    tpu.barrier barrier_id(%barrier3A)
    %scan3A = arith.constant 0 : i32
    %scan3A_1 = arith.constant 0 : i32
    %scan3A_2 = arith.constant 80 : i32
    %scan3A_3 = arith.addi %scan3A_1, %scan3A_2 : i32
    %scan3A_4 = arith.constant 1 : i32
    scf.for %scan3A_9 = %scan3A_1 to %scan3A_3 step %scan3A_4  : i32 {
      "tpu.region"() ({
        %run_scoped3A = tpu.sem_alloc : memref<!tpu.dma_semaphore, #tpu.memory_space<semaphore_mem>>
        %dma_start3A = arith.constant 0 : i32
        %dma_start3A_10 = tpu.memref_slice %arg8[%scan3A_9, %dma_start3A] : memref<80x125xi32, #tpu.memory_space<vmem>> -> memref<1x125xi32, #tpu.memory_space<vmem>>
        %dma_start3A_11 = tpu.memref_squeeze %dma_start3A_10 : memref<1x125xi32, #tpu.memory_space<vmem>> -> memref<125xi32, #tpu.memory_space<vmem>>
        %dma_start3A_12 = arith.constant 0 : i32
        %dma_start3A_13 = arith.constant 0 : i32
        %dma_start3A_14 = tpu.memref_slice %arg6[%dma_start3A_12, %dma_start3A_13] : memref<10000x128xf32, #tpu.memory_space<vmem_shared>> -> memref<10000x128xf32, #tpu.memory_space<vmem_shared>>
        tpu.enqueue_indirect_dma source(%arg7 : memref<125x128xf32, #tpu.memory_space<vmem>>) target(%dma_start3A_14 : memref<10000x128xf32, #tpu.memory_space<vmem_shared>>) offsets(%dma_start3A_11 : memref<125xi32, #tpu.memory_space<vmem>>) semaphore(%run_scoped3A : memref<!tpu.dma_semaphore, #tpu.memory_space<semaphore_mem>>) {add = true}
        %dma_wait3A = arith.constant 0 : i32
        %dma_wait3A_15 = tpu.memref_slice %arg8[%scan3A_9, %dma_wait3A] : memref<80x125xi32, #tpu.memory_space<vmem>> -> memref<1x125xi32, #tpu.memory_space<vmem>>
        %dma_wait3A_16 = tpu.memref_squeeze %dma_wait3A_15 : memref<1x125xi32, #tpu.memory_space<vmem>> -> memref<125xi32, #tpu.memory_space<vmem>>
        %dma_wait3A_17 = arith.constant 0 : i32
        %dma_wait3A_18 = arith.constant 0 : i32
        %dma_wait3A_19 = tpu.memref_slice %arg6[%dma_wait3A_17, %dma_wait3A_18] : memref<10000x128xf32, #tpu.memory_space<vmem_shared>> -> memref<10000x128xf32, #tpu.memory_space<vmem_shared>>
        tpu.wait_indirect_dma semaphore(%run_scoped3A : memref<!tpu.dma_semaphore, #tpu.memory_space<semaphore_mem>>) src(%arg7 : memref<125x128xf32, #tpu.memory_space<vmem>>) dst(%dma_wait3A_19 : memref<10000x128xf32, #tpu.memory_space<vmem_shared>>)
        tpu.yield
      }) : () -> ()
    }
    %scan3A_5 = arith.constant 80 : i32
    %barrier3A_6 = arith.constant 0 : index
    tpu.barrier barrier_id(%barrier3A_6)
    %lt3A = arith.constant 10 : i32
    %lt3A_7 = arith.cmpi slt, %arg1, %lt3A : i32
    %convert_element_type3A = arith.extui %lt3A_7 : i1 to i32
    %cond3A = arith.constant 0 : i32
    %cond3A_8 = arith.cmpi ne, %convert_element_type3A, %cond3A : i32
    scf.if %cond3A_8 {
      %mul3A_9 = arith.constant 1000 : i32
      %mul3A_10 = arith.muli %arg1, %mul3A_9 : i32
      "tpu.region"() ({
        %run_scoped3A = tpu.sem_alloc : memref<!tpu.dma_semaphore, #tpu.memory_space<semaphore_mem>>
        %dma_start3A = arith.constant 0 : i32
        %dma_start3A_11 = arith.constant 0 : i32
        %dma_start3A_12 = tpu.memref_slice %arg5[%arg0, %arg1, %dma_start3A, %dma_start3A_11] : memref<2x10x1000x128xf32, #tpu.memory_space<hbm>> -> memref<1x1x1000x128xf32, #tpu.memory_space<hbm>>
        %dma_start3A_13 = tpu.memref_squeeze %dma_start3A_12 : memref<1x1x1000x128xf32, #tpu.memory_space<hbm>> -> memref<1000x128xf32, #tpu.memory_space<hbm>>
        %dma_start3A_14 = arith.constant 0 : i32
        %dma_start3A_15 = tpu.memref_slice %arg6[%mul3A_10, %dma_start3A_14] : memref<10000x128xf32, #tpu.memory_space<vmem_shared>> -> memref<1000x128xf32, #tpu.memory_space<vmem_shared>>
        tpu.enqueue_dma source(%dma_start3A_15 : memref<1000x128xf32, #tpu.memory_space<vmem_shared>>) target(%dma_start3A_13 : memref<1000x128xf32, #tpu.memory_space<hbm>>) target_semaphore(%run_scoped3A : memref<!tpu.dma_semaphore, #tpu.memory_space<semaphore_mem>>)
        %dma_wait3A = arith.constant 0 : i32
        %dma_wait3A_16 = arith.constant 0 : i32
        %dma_wait3A_17 = tpu.memref_slice %arg5[%arg0, %arg1, %dma_wait3A, %dma_wait3A_16] : memref<2x10x1000x128xf32, #tpu.memory_space<hbm>> -> memref<1x1x1000x128xf32, #tpu.memory_space<hbm>>
        %dma_wait3A_18 = tpu.memref_squeeze %dma_wait3A_17 : memref<1x1x1000x128xf32, #tpu.memory_space<hbm>> -> memref<1000x128xf32, #tpu.memory_space<hbm>>
        %dma_wait3A_19 = arith.constant 0 : i32
        %dma_wait3A_20 = tpu.memref_slice %arg6[%mul3A_10, %dma_wait3A_19] : memref<10000x128xf32, #tpu.memory_space<vmem_shared>> -> memref<1000x128xf32, #tpu.memory_space<vmem_shared>>
        tpu.wait_dma2 semaphore(%run_scoped3A : memref<!tpu.dma_semaphore, #tpu.memory_space<semaphore_mem>>) src(%dma_wait3A_20 : memref<1000x128xf32, #tpu.memory_space<vmem_shared>>) dst(%dma_wait3A_18 : memref<1000x128xf32, #tpu.memory_space<hbm>>)
        tpu.yield
      }) : () -> ()
    } else {
    }
    return
  }
}

#map = affine_map<(d0, d1) -> (0, 0)>
#map1 = affine_map<(d0, d1) -> (0, 0, 0, 0)>
#map2 = affine_map<(d0, d1) -> (0, 0, 0)>
module attributes {stable_mosaic.version = 14 : i64} {
  func.func @_sc_gather_scatter_body(%arg0: i32, %arg1: i32, %arg2: memref<20000x128xf32, #tpu.memory_space<hbm>>, %arg3: memref<2x16x160x125xi32, #tpu.memory_space<hbm>>, %arg4: memref<16x160x125xi32, #tpu.memory_space<hbm>>, %arg5: memref<625x128xf32, #tpu.memory_space<hbm>>, %arg6: memref<2x10x1000x128xf32, #tpu.memory_space<hbm>>, %arg7: memref<10000x128xf32, #tpu.memory_space<vmem_shared>>, %arg8: memref<125x128xf32, #tpu.memory_space<vmem>>, %arg9: memref<125x128xf32, #tpu.memory_space<vmem>>, %arg10: memref<32x125xi32, #tpu.memory_space<vmem>>, %arg11: memref<32x125xi32, #tpu.memory_space<vmem>>, %arg12: memref<!tpu.dma_semaphore, #tpu.memory_space<semaphore_mem>>, %arg13: memref<!tpu.dma_semaphore, #tpu.memory_space<semaphore_mem>>, %arg14: memref<!tpu.dma_semaphore, #tpu.memory_space<semaphore_mem>>, %arg15: memref<!tpu.dma_semaphore, #tpu.memory_space<semaphore_mem>>) attributes {dimension_semantics = [#tpu.dimension_semantics<core_parallel>, #tpu.dimension_semantics<subcore_parallel>], iteration_bounds = array<i64: 2, 16>, scalar_prefetch = 0 : i64, scratch_operands = 9 : i64, tpu.core_type = #tpu.core_type<sc_vector_subcore>, window_params = [{transform_indices = #map}, {transform_indices = #map1}, {transform_indices = #map2}, {transform_indices = #map}, {transform_indices = #map1}]} {
    %mul3A = arith.constant 625 : i32
    %mul3A_0 = arith.muli %arg1, %mul3A : i32
    "tpu.region"() ({
      %run_scoped3A = tpu.sem_alloc : memref<!tpu.dma_semaphore, #tpu.memory_space<semaphore_mem>>
      %dma_start3A = arith.constant 0 : i32
      %dma_start3A_9 = tpu.memref_slice %arg7[%mul3A_0, %dma_start3A] : memref<10000x128xf32, #tpu.memory_space<vmem_shared>> -> memref<625x128xf32, #tpu.memory_space<vmem_shared>>
      tpu.enqueue_dma source(%arg5 : memref<625x128xf32, #tpu.memory_space<hbm>>) target(%dma_start3A_9 : memref<625x128xf32, #tpu.memory_space<vmem_shared>>) target_semaphore(%run_scoped3A : memref<!tpu.dma_semaphore, #tpu.memory_space<semaphore_mem>>)
      %dma_wait3A = arith.constant 0 : i32
      %dma_wait3A_10 = tpu.memref_slice %arg7[%mul3A_0, %dma_wait3A] : memref<10000x128xf32, #tpu.memory_space<vmem_shared>> -> memref<625x128xf32, #tpu.memory_space<vmem_shared>>
      tpu.wait_dma2 semaphore(%run_scoped3A : memref<!tpu.dma_semaphore, #tpu.memory_space<semaphore_mem>>) src(%arg5 : memref<625x128xf32, #tpu.memory_space<hbm>>) dst(%dma_wait3A_10 : memref<625x128xf32, #tpu.memory_space<vmem_shared>>)
      tpu.yield
    }) : () -> ()
    %barrier3A = arith.constant 0 : index
    tpu.barrier barrier_id(%barrier3A)
    %scan3A = arith.constant 0 : i32
    %scan3A_1 = arith.constant 0 : i32
    %scan3A_2 = arith.constant 5 : i32
    %scan3A_3 = arith.addi %scan3A_1, %scan3A_2 : i32
    %scan3A_4 = arith.constant 1 : i32
    scf.for %scan3A_9 = %scan3A_1 to %scan3A_3 step %scan3A_4  : i32 {
      %mul3A_10 = arith.constant 32 : i32
      %mul3A_11 = arith.muli %scan3A_9, %mul3A_10 : i32
      "tpu.region"() ({
        %run_scoped3A = tpu.sem_alloc : memref<!tpu.dma_semaphore, #tpu.memory_space<semaphore_mem>>
        %dma_start3A_908 = arith.constant 0 : i32
        %dma_start3A_909 = tpu.memref_slice %arg3[%arg0, %arg1, %mul3A_11, %dma_start3A_908] : memref<2x16x160x125xi32, #tpu.memory_space<hbm>> -> memref<1x1x32x125xi32, #tpu.memory_space<hbm>>
        %dma_start3A_910 = tpu.memref_squeeze %dma_start3A_909 : memref<1x1x32x125xi32, #tpu.memory_space<hbm>> -> memref<32x125xi32, #tpu.memory_space<hbm>>
        %dma_start3A_911 = arith.constant 0 : i32
        %dma_start3A_912 = tpu.memref_slice %arg3[%arg0, %arg1, %mul3A_11, %dma_start3A_911] : memref<2x16x160x125xi32, #tpu.memory_space<hbm>> -> memref<1x1x32x125xi32, #tpu.memory_space<hbm>>
        %dma_start3A_913 = tpu.memref_squeeze %dma_start3A_912 : memref<1x1x32x125xi32, #tpu.memory_space<hbm>> -> memref<32x125xi32, #tpu.memory_space<hbm>>
        tpu.enqueue_dma source(%dma_start3A_913 : memref<32x125xi32, #tpu.memory_space<hbm>>) target(%arg10 : memref<32x125xi32, #tpu.memory_space<vmem>>) target_semaphore(%run_scoped3A : memref<!tpu.dma_semaphore, #tpu.memory_space<semaphore_mem>>)
        %dma_wait3A_914 = arith.constant 0 : i32
        %dma_wait3A_915 = tpu.memref_slice %arg3[%arg0, %arg1, %mul3A_11, %dma_wait3A_914] : memref<2x16x160x125xi32, #tpu.memory_space<hbm>> -> memref<1x1x32x125xi32, #tpu.memory_space<hbm>>
        %dma_wait3A_916 = tpu.memref_squeeze %dma_wait3A_915 : memref<1x1x32x125xi32, #tpu.memory_space<hbm>> -> memref<32x125xi32, #tpu.memory_space<hbm>>
        %dma_wait3A_917 = arith.constant 0 : i32
        %dma_wait3A_918 = tpu.memref_slice %arg3[%arg0, %arg1, %mul3A_11, %dma_wait3A_917] : memref<2x16x160x125xi32, #tpu.memory_space<hbm>> -> memref<1x1x32x125xi32, #tpu.memory_space<hbm>>
        %dma_wait3A_919 = tpu.memref_squeeze %dma_wait3A_918 : memref<1x1x32x125xi32, #tpu.memory_space<hbm>> -> memref<32x125xi32, #tpu.memory_space<hbm>>
        tpu.wait_dma2 semaphore(%run_scoped3A : memref<!tpu.dma_semaphore, #tpu.memory_space<semaphore_mem>>) src(%dma_wait3A_919 : memref<32x125xi32, #tpu.memory_space<hbm>>) dst(%arg10 : memref<32x125xi32, #tpu.memory_space<vmem>>)
        tpu.yield
      }) : () -> ()
      %mul3A_12 = arith.constant 32 : i32
      %mul3A_13 = arith.muli %scan3A_9, %mul3A_12 : i32
      "tpu.region"() ({
        %run_scoped3A = tpu.sem_alloc : memref<!tpu.dma_semaphore, #tpu.memory_space<semaphore_mem>>
        %dma_start3A_908 = arith.constant 0 : i32
        %dma_start3A_909 = tpu.memref_slice %arg4[%arg1, %mul3A_13, %dma_start3A_908] : memref<16x160x125xi32, #tpu.memory_space<hbm>> -> memref<1x32x125xi32, #tpu.memory_space<hbm>>
        %dma_start3A_910 = tpu.memref_squeeze %dma_start3A_909 : memref<1x32x125xi32, #tpu.memory_space<hbm>> -> memref<32x125xi32, #tpu.memory_space<hbm>>
        %dma_start3A_911 = arith.constant 0 : i32
        %dma_start3A_912 = tpu.memref_slice %arg4[%arg1, %mul3A_13, %dma_start3A_911] : memref<16x160x125xi32, #tpu.memory_space<hbm>> -> memref<1x32x125xi32, #tpu.memory_space<hbm>>
        %dma_start3A_913 = tpu.memref_squeeze %dma_start3A_912 : memref<1x32x125xi32, #tpu.memory_space<hbm>> -> memref<32x125xi32, #tpu.memory_space<hbm>>
        tpu.enqueue_dma source(%dma_start3A_913 : memref<32x125xi32, #tpu.memory_space<hbm>>) target(%arg11 : memref<32x125xi32, #tpu.memory_space<vmem>>) target_semaphore(%run_scoped3A : memref<!tpu.dma_semaphore, #tpu.memory_space<semaphore_mem>>)
        %dma_wait3A_914 = arith.constant 0 : i32
        %dma_wait3A_915 = tpu.memref_slice %arg4[%arg1, %mul3A_13, %dma_wait3A_914] : memref<16x160x125xi32, #tpu.memory_space<hbm>> -> memref<1x32x125xi32, #tpu.memory_space<hbm>>
        %dma_wait3A_916 = tpu.memref_squeeze %dma_wait3A_915 : memref<1x32x125xi32, #tpu.memory_space<hbm>> -> memref<32x125xi32, #tpu.memory_space<hbm>>
        %dma_wait3A_917 = arith.constant 0 : i32
        %dma_wait3A_918 = tpu.memref_slice %arg4[%arg1, %mul3A_13, %dma_wait3A_917] : memref<16x160x125xi32, #tpu.memory_space<hbm>> -> memref<1x32x125xi32, #tpu.memory_space<hbm>>
        %dma_wait3A_919 = tpu.memref_squeeze %dma_wait3A_918 : memref<1x32x125xi32, #tpu.memory_space<hbm>> -> memref<32x125xi32, #tpu.memory_space<hbm>>
        tpu.wait_dma2 semaphore(%run_scoped3A : memref<!tpu.dma_semaphore, #tpu.memory_space<semaphore_mem>>) src(%dma_wait3A_919 : memref<32x125xi32, #tpu.memory_space<hbm>>) dst(%arg11 : memref<32x125xi32, #tpu.memory_space<vmem>>)
        tpu.yield
      }) : () -> ()
      %dma_start3A = arith.constant 0 : i32
      %dma_start3A_14 = arith.constant 0 : i32
      %dma_start3A_15 = tpu.memref_slice %arg10[%dma_start3A, %dma_start3A_14] : memref<32x125xi32, #tpu.memory_space<vmem>> -> memref<1x125xi32, #tpu.memory_space<vmem>>
      %dma_start3A_16 = tpu.memref_squeeze %dma_start3A_15 : memref<1x125xi32, #tpu.memory_space<vmem>> -> memref<125xi32, #tpu.memory_space<vmem>>
      %dma_start3A_17 = arith.constant 0 : i32
      %dma_start3A_18 = arith.constant 0 : i32
      %dma_start3A_19 = tpu.memref_slice %arg2[%dma_start3A_17, %dma_start3A_18] : memref<20000x128xf32, #tpu.memory_space<hbm>> -> memref<20000x128xf32, #tpu.memory_space<hbm>>
      tpu.enqueue_indirect_dma source(%dma_start3A_19 : memref<20000x128xf32, #tpu.memory_space<hbm>>) target(%arg8 : memref<125x128xf32, #tpu.memory_space<vmem>>) offsets(%dma_start3A_16 : memref<125xi32, #tpu.memory_space<vmem>>) semaphore(%arg12 : memref<!tpu.dma_semaphore, #tpu.memory_space<semaphore_mem>>)
      %dma_wait3A = arith.constant 0 : i32
      %dma_wait3A_20 = arith.constant 0 : i32
      %dma_wait3A_21 = tpu.memref_slice %arg10[%dma_wait3A, %dma_wait3A_20] : memref<32x125xi32, #tpu.memory_space<vmem>> -> memref<1x125xi32, #tpu.memory_space<vmem>>
      %dma_wait3A_22 = tpu.memref_squeeze %dma_wait3A_21 : memref<1x125xi32, #tpu.memory_space<vmem>> -> memref<125xi32, #tpu.memory_space<vmem>>
      %dma_wait3A_23 = arith.constant 0 : i32
      %dma_wait3A_24 = arith.constant 0 : i32
      %dma_wait3A_25 = tpu.memref_slice %arg2[%dma_wait3A_23, %dma_wait3A_24] : memref<20000x128xf32, #tpu.memory_space<hbm>> -> memref<20000x128xf32, #tpu.memory_space<hbm>>
      tpu.wait_indirect_dma semaphore(%arg12 : memref<!tpu.dma_semaphore, #tpu.memory_space<semaphore_mem>>) src(%dma_wait3A_25 : memref<20000x128xf32, #tpu.memory_space<hbm>>) dst(%arg8 : memref<125x128xf32, #tpu.memory_space<vmem>>)
      %dma_start3A_26 = arith.constant 0 : i32
      %dma_start3A_27 = arith.constant 0 : i32
      %dma_start3A_28 = tpu.memref_slice %arg11[%dma_start3A_26, %dma_start3A_27] : memref<32x125xi32, #tpu.memory_space<vmem>> -> memref<1x125xi32, #tpu.memory_space<vmem>>
      %dma_start3A_29 = tpu.memref_squeeze %dma_start3A_28 : memref<1x125xi32, #tpu.memory_space<vmem>> -> memref<125xi32, #tpu.memory_space<vmem>>
      %dma_start3A_30 = arith.constant 0 : i32
      %dma_start3A_31 = arith.constant 0 : i32
      %dma_start3A_32 = tpu.memref_slice %arg7[%dma_start3A_30, %dma_start3A_31] : memref<10000x128xf32, #tpu.memory_space<vmem_shared>> -> memref<10000x128xf32, #tpu.memory_space<vmem_shared>>
      tpu.enqueue_indirect_dma source(%arg8 : memref<125x128xf32, #tpu.memory_space<vmem>>) target(%dma_start3A_32 : memref<10000x128xf32, #tpu.memory_space<vmem_shared>>) offsets(%dma_start3A_29 : memref<125xi32, #tpu.memory_space<vmem>>) semaphore(%arg14 : memref<!tpu.dma_semaphore, #tpu.memory_space<semaphore_mem>>) {add = true}
      %dma_start3A_33 = arith.constant 1 : i32
      %dma_start3A_34 = arith.constant 0 : i32
      %dma_start3A_35 = tpu.memref_slice %arg10[%dma_start3A_33, %dma_start3A_34] : memref<32x125xi32, #tpu.memory_space<vmem>> -> memref<1x125xi32, #tpu.memory_space<vmem>>
      %dma_start3A_36 = tpu.memref_squeeze %dma_start3A_35 : memref<1x125xi32, #tpu.memory_space<vmem>> -> memref<125xi32, #tpu.memory_space<vmem>>
      %dma_start3A_37 = arith.constant 0 : i32
      %dma_start3A_38 = arith.constant 0 : i32
      %dma_start3A_39 = tpu.memref_slice %arg2[%dma_start3A_37, %dma_start3A_38] : memref<20000x128xf32, #tpu.memory_space<hbm>> -> memref<20000x128xf32, #tpu.memory_space<hbm>>
      tpu.enqueue_indirect_dma source(%dma_start3A_39 : memref<20000x128xf32, #tpu.memory_space<hbm>>) target(%arg9 : memref<125x128xf32, #tpu.memory_space<vmem>>) offsets(%dma_start3A_36 : memref<125xi32, #tpu.memory_space<vmem>>) semaphore(%arg13 : memref<!tpu.dma_semaphore, #tpu.memory_space<semaphore_mem>>)
      %dma_wait3A_40 = arith.constant 1 : i32
      %dma_wait3A_41 = arith.constant 0 : i32
      %dma_wait3A_42 = tpu.memref_slice %arg10[%dma_wait3A_40, %dma_wait3A_41] : memref<32x125xi32, #tpu.memory_space<vmem>> -> memref<1x125xi32, #tpu.memory_space<vmem>>
      %dma_wait3A_43 = tpu.memref_squeeze %dma_wait3A_42 : memref<1x125xi32, #tpu.memory_space<vmem>> -> memref<125xi32, #tpu.memory_space<vmem>>
      %dma_wait3A_44 = arith.constant 0 : i32
      %dma_wait3A_45 = arith.constant 0 : i32
      %dma_wait3A_46 = tpu.memref_slice %arg2[%dma_wait3A_44, %dma_wait3A_45] : memref<20000x128xf32, #tpu.memory_space<hbm>> -> memref<20000x128xf32, #tpu.memory_space<hbm>>
      tpu.wait_indirect_dma semaphore(%arg13 : memref<!tpu.dma_semaphore, #tpu.memory_space<semaphore_mem>>) src(%dma_wait3A_46 : memref<20000x128xf32, #tpu.memory_space<hbm>>) dst(%arg9 : memref<125x128xf32, #tpu.memory_space<vmem>>)
      %dma_start3A_47 = arith.constant 1 : i32
      %dma_start3A_48 = arith.constant 0 : i32
      %dma_start3A_49 = tpu.memref_slice %arg11[%dma_start3A_47, %dma_start3A_48] : memref<32x125xi32, #tpu.memory_space<vmem>> -> memref<1x125xi32, #tpu.memory_space<vmem>>
      %dma_start3A_50 = tpu.memref_squeeze %dma_start3A_49 : memref<1x125xi32, #tpu.memory_space<vmem>> -> memref<125xi32, #tpu.memory_space<vmem>>
      %dma_start3A_51 = arith.constant 0 : i32
      %dma_start3A_52 = arith.constant 0 : i32
      %dma_start3A_53 = tpu.memref_slice %arg7[%dma_start3A_51, %dma_start3A_52] : memref<10000x128xf32, #tpu.memory_space<vmem_shared>> -> memref<10000x128xf32, #tpu.memory_space<vmem_shared>>
      tpu.enqueue_indirect_dma source(%arg9 : memref<125x128xf32, #tpu.memory_space<vmem>>) target(%dma_start3A_53 : memref<10000x128xf32, #tpu.memory_space<vmem_shared>>) offsets(%dma_start3A_50 : memref<125xi32, #tpu.memory_space<vmem>>) semaphore(%arg15 : memref<!tpu.dma_semaphore, #tpu.memory_space<semaphore_mem>>) {add = true}
      %dma_wait3A_54 = arith.constant 0 : i32
      %dma_wait3A_55 = arith.constant 0 : i32
      %dma_wait3A_56 = tpu.memref_slice %arg11[%dma_wait3A_54, %dma_wait3A_55] : memref<32x125xi32, #tpu.memory_space<vmem>> -> memref<1x125xi32, #tpu.memory_space<vmem>>
      %dma_wait3A_57 = tpu.memref_squeeze %dma_wait3A_56 : memref<1x125xi32, #tpu.memory_space<vmem>> -> memref<125xi32, #tpu.memory_space<vmem>>
      %dma_wait3A_58 = arith.constant 0 : i32
      %dma_wait3A_59 = arith.constant 0 : i32
      %dma_wait3A_60 = tpu.memref_slice %arg7[%dma_wait3A_58, %dma_wait3A_59] : memref<10000x128xf32, #tpu.memory_space<vmem_shared>> -> memref<10000x128xf32, #tpu.memory_space<vmem_shared>>
      tpu.wait_indirect_dma semaphore(%arg14 : memref<!tpu.dma_semaphore, #tpu.memory_space<semaphore_mem>>) src(%arg8 : memref<125x128xf32, #tpu.memory_space<vmem>>) dst(%dma_wait3A_60 : memref<10000x128xf32, #tpu.memory_space<vmem_shared>>)
      %dma_start3A_61 = arith.constant 2 : i32
      %dma_start3A_62 = arith.constant 0 : i32
      %dma_start3A_63 = tpu.memref_slice %arg10[%dma_start3A_61, %dma_start3A_62] : memref<32x125xi32, #tpu.memory_space<vmem>> -> memref<1x125xi32, #tpu.memory_space<vmem>>
      %dma_start3A_64 = tpu.memref_squeeze %dma_start3A_63 : memref<1x125xi32, #tpu.memory_space<vmem>> -> memref<125xi32, #tpu.memory_space<vmem>>
      %dma_start3A_65 = arith.constant 0 : i32
      %dma_start3A_66 = arith.constant 0 : i32
      %dma_start3A_67 = tpu.memref_slice %arg2[%dma_start3A_65, %dma_start3A_66] : memref<20000x128xf32, #tpu.memory_space<hbm>> -> memref<20000x128xf32, #tpu.memory_space<hbm>>
      tpu.enqueue_indirect_dma source(%dma_start3A_67 : memref<20000x128xf32, #tpu.memory_space<hbm>>) target(%arg8 : memref<125x128xf32, #tpu.memory_space<vmem>>) offsets(%dma_start3A_64 : memref<125xi32, #tpu.memory_space<vmem>>) semaphore(%arg12 : memref<!tpu.dma_semaphore, #tpu.memory_space<semaphore_mem>>)
      %dma_wait3A_68 = arith.constant 2 : i32
      %dma_wait3A_69 = arith.constant 0 : i32
      %dma_wait3A_70 = tpu.memref_slice %arg10[%dma_wait3A_68, %dma_wait3A_69] : memref<32x125xi32, #tpu.memory_space<vmem>> -> memref<1x125xi32, #tpu.memory_space<vmem>>
      %dma_wait3A_71 = tpu.memref_squeeze %dma_wait3A_70 : memref<1x125xi32, #tpu.memory_space<vmem>> -> memref<125xi32, #tpu.memory_space<vmem>>
      %dma_wait3A_72 = arith.constant 0 : i32
      %dma_wait3A_73 = arith.constant 0 : i32
      %dma_wait3A_74 = tpu.memref_slice %arg2[%dma_wait3A_72, %dma_wait3A_73] : memref<20000x128xf32, #tpu.memory_space<hbm>> -> memref<20000x128xf32, #tpu.memory_space<hbm>>
      tpu.wait_indirect_dma semaphore(%arg12 : memref<!tpu.dma_semaphore, #tpu.memory_space<semaphore_mem>>) src(%dma_wait3A_74 : memref<20000x128xf32, #tpu.memory_space<hbm>>) dst(%arg8 : memref<125x128xf32, #tpu.memory_space<vmem>>)
      %dma_start3A_75 = arith.constant 2 : i32
      %dma_start3A_76 = arith.constant 0 : i32
      %dma_start3A_77 = tpu.memref_slice %arg11[%dma_start3A_75, %dma_start3A_76] : memref<32x125xi32, #tpu.memory_space<vmem>> -> memref<1x125xi32, #tpu.memory_space<vmem>>
      %dma_start3A_78 = tpu.memref_squeeze %dma_start3A_77 : memref<1x125xi32, #tpu.memory_space<vmem>> -> memref<125xi32, #tpu.memory_space<vmem>>
      %dma_start3A_79 = arith.constant 0 : i32
      %dma_start3A_80 = arith.constant 0 : i32
      %dma_start3A_81 = tpu.memref_slice %arg7[%dma_start3A_79, %dma_start3A_80] : memref<10000x128xf32, #tpu.memory_space<vmem_shared>> -> memref<10000x128xf32, #tpu.memory_space<vmem_shared>>
      tpu.enqueue_indirect_dma source(%arg8 : memref<125x128xf32, #tpu.memory_space<vmem>>) target(%dma_start3A_81 : memref<10000x128xf32, #tpu.memory_space<vmem_shared>>) offsets(%dma_start3A_78 : memref<125xi32, #tpu.memory_space<vmem>>) semaphore(%arg14 : memref<!tpu.dma_semaphore, #tpu.memory_space<semaphore_mem>>) {add = true}
      %dma_wait3A_82 = arith.constant 1 : i32
      %dma_wait3A_83 = arith.constant 0 : i32
      %dma_wait3A_84 = tpu.memref_slice %arg11[%dma_wait3A_82, %dma_wait3A_83] : memref<32x125xi32, #tpu.memory_space<vmem>> -> memref<1x125xi32, #tpu.memory_space<vmem>>
      %dma_wait3A_85 = tpu.memref_squeeze %dma_wait3A_84 : memref<1x125xi32, #tpu.memory_space<vmem>> -> memref<125xi32, #tpu.memory_space<vmem>>
      %dma_wait3A_86 = arith.constant 0 : i32
      %dma_wait3A_87 = arith.constant 0 : i32
      %dma_wait3A_88 = tpu.memref_slice %arg7[%dma_wait3A_86, %dma_wait3A_87] : memref<10000x128xf32, #tpu.memory_space<vmem_shared>> -> memref<10000x128xf32, #tpu.memory_space<vmem_shared>>
      tpu.wait_indirect_dma semaphore(%arg15 : memref<!tpu.dma_semaphore, #tpu.memory_space<semaphore_mem>>) src(%arg9 : memref<125x128xf32, #tpu.memory_space<vmem>>) dst(%dma_wait3A_88 : memref<10000x128xf32, #tpu.memory_space<vmem_shared>>)
      %dma_start3A_89 = arith.constant 3 : i32
      %dma_start3A_90 = arith.constant 0 : i32
      %dma_start3A_91 = tpu.memref_slice %arg10[%dma_start3A_89, %dma_start3A_90] : memref<32x125xi32, #tpu.memory_space<vmem>> -> memref<1x125xi32, #tpu.memory_space<vmem>>
      %dma_start3A_92 = tpu.memref_squeeze %dma_start3A_91 : memref<1x125xi32, #tpu.memory_space<vmem>> -> memref<125xi32, #tpu.memory_space<vmem>>
      %dma_start3A_93 = arith.constant 0 : i32
      %dma_start3A_94 = arith.constant 0 : i32
      %dma_start3A_95 = tpu.memref_slice %arg2[%dma_start3A_93, %dma_start3A_94] : memref<20000x128xf32, #tpu.memory_space<hbm>> -> memref<20000x128xf32, #tpu.memory_space<hbm>>
      tpu.enqueue_indirect_dma source(%dma_start3A_95 : memref<20000x128xf32, #tpu.memory_space<hbm>>) target(%arg9 : memref<125x128xf32, #tpu.memory_space<vmem>>) offsets(%dma_start3A_92 : memref<125xi32, #tpu.memory_space<vmem>>) semaphore(%arg13 : memref<!tpu.dma_semaphore, #tpu.memory_space<semaphore_mem>>)
      %dma_wait3A_96 = arith.constant 3 : i32
      %dma_wait3A_97 = arith.constant 0 : i32
      %dma_wait3A_98 = tpu.memref_slice %arg10[%dma_wait3A_96, %dma_wait3A_97] : memref<32x125xi32, #tpu.memory_space<vmem>> -> memref<1x125xi32, #tpu.memory_space<vmem>>
      %dma_wait3A_99 = tpu.memref_squeeze %dma_wait3A_98 : memref<1x125xi32, #tpu.memory_space<vmem>> -> memref<125xi32, #tpu.memory_space<vmem>>
      %dma_wait3A_100 = arith.constant 0 : i32
      %dma_wait3A_101 = arith.constant 0 : i32
      %dma_wait3A_102 = tpu.memref_slice %arg2[%dma_wait3A_100, %dma_wait3A_101] : memref<20000x128xf32, #tpu.memory_space<hbm>> -> memref<20000x128xf32, #tpu.memory_space<hbm>>
      tpu.wait_indirect_dma semaphore(%arg13 : memref<!tpu.dma_semaphore, #tpu.memory_space<semaphore_mem>>) src(%dma_wait3A_102 : memref<20000x128xf32, #tpu.memory_space<hbm>>) dst(%arg9 : memref<125x128xf32, #tpu.memory_space<vmem>>)
      %dma_start3A_103 = arith.constant 3 : i32
      %dma_start3A_104 = arith.constant 0 : i32
      %dma_start3A_105 = tpu.memref_slice %arg11[%dma_start3A_103, %dma_start3A_104] : memref<32x125xi32, #tpu.memory_space<vmem>> -> memref<1x125xi32, #tpu.memory_space<vmem>>
      %dma_start3A_106 = tpu.memref_squeeze %dma_start3A_105 : memref<1x125xi32, #tpu.memory_space<vmem>> -> memref<125xi32, #tpu.memory_space<vmem>>
      %dma_start3A_107 = arith.constant 0 : i32
      %dma_start3A_108 = arith.constant 0 : i32
      %dma_start3A_109 = tpu.memref_slice %arg7[%dma_start3A_107, %dma_start3A_108] : memref<10000x128xf32, #tpu.memory_space<vmem_shared>> -> memref<10000x128xf32, #tpu.memory_space<vmem_shared>>
      tpu.enqueue_indirect_dma source(%arg9 : memref<125x128xf32, #tpu.memory_space<vmem>>) target(%dma_start3A_109 : memref<10000x128xf32, #tpu.memory_space<vmem_shared>>) offsets(%dma_start3A_106 : memref<125xi32, #tpu.memory_space<vmem>>) semaphore(%arg15 : memref<!tpu.dma_semaphore, #tpu.memory_space<semaphore_mem>>) {add = true}
      %dma_wait3A_110 = arith.constant 2 : i32
      %dma_wait3A_111 = arith.constant 0 : i32
      %dma_wait3A_112 = tpu.memref_slice %arg11[%dma_wait3A_110, %dma_wait3A_111] : memref<32x125xi32, #tpu.memory_space<vmem>> -> memref<1x125xi32, #tpu.memory_space<vmem>>
      %dma_wait3A_113 = tpu.memref_squeeze %dma_wait3A_112 : memref<1x125xi32, #tpu.memory_space<vmem>> -> memref<125xi32, #tpu.memory_space<vmem>>
      %dma_wait3A_114 = arith.constant 0 : i32
      %dma_wait3A_115 = arith.constant 0 : i32
      %dma_wait3A_116 = tpu.memref_slice %arg7[%dma_wait3A_114, %dma_wait3A_115] : memref<10000x128xf32, #tpu.memory_space<vmem_shared>> -> memref<10000x128xf32, #tpu.memory_space<vmem_shared>>
      tpu.wait_indirect_dma semaphore(%arg14 : memref<!tpu.dma_semaphore, #tpu.memory_space<semaphore_mem>>) src(%arg8 : memref<125x128xf32, #tpu.memory_space<vmem>>) dst(%dma_wait3A_116 : memref<10000x128xf32, #tpu.memory_space<vmem_shared>>)
      %dma_start3A_117 = arith.constant 4 : i32
      %dma_start3A_118 = arith.constant 0 : i32
      %dma_start3A_119 = tpu.memref_slice %arg10[%dma_start3A_117, %dma_start3A_118] : memref<32x125xi32, #tpu.memory_space<vmem>> -> memref<1x125xi32, #tpu.memory_space<vmem>>
      %dma_start3A_120 = tpu.memref_squeeze %dma_start3A_119 : memref<1x125xi32, #tpu.memory_space<vmem>> -> memref<125xi32, #tpu.memory_space<vmem>>
      %dma_start3A_121 = arith.constant 0 : i32
      %dma_start3A_122 = arith.constant 0 : i32
      %dma_start3A_123 = tpu.memref_slice %arg2[%dma_start3A_121, %dma_start3A_122] : memref<20000x128xf32, #tpu.memory_space<hbm>> -> memref<20000x128xf32, #tpu.memory_space<hbm>>
      tpu.enqueue_indirect_dma source(%dma_start3A_123 : memref<20000x128xf32, #tpu.memory_space<hbm>>) target(%arg8 : memref<125x128xf32, #tpu.memory_space<vmem>>) offsets(%dma_start3A_120 : memref<125xi32, #tpu.memory_space<vmem>>) semaphore(%arg12 : memref<!tpu.dma_semaphore, #tpu.memory_space<semaphore_mem>>)
      %dma_wait3A_124 = arith.constant 4 : i32
      %dma_wait3A_125 = arith.constant 0 : i32
      %dma_wait3A_126 = tpu.memref_slice %arg10[%dma_wait3A_124, %dma_wait3A_125] : memref<32x125xi32, #tpu.memory_space<vmem>> -> memref<1x125xi32, #tpu.memory_space<vmem>>
      %dma_wait3A_127 = tpu.memref_squeeze %dma_wait3A_126 : memref<1x125xi32, #tpu.memory_space<vmem>> -> memref<125xi32, #tpu.memory_space<vmem>>
      %dma_wait3A_128 = arith.constant 0 : i32
      %dma_wait3A_129 = arith.constant 0 : i32
      %dma_wait3A_130 = tpu.memref_slice %arg2[%dma_wait3A_128, %dma_wait3A_129] : memref<20000x128xf32, #tpu.memory_space<hbm>> -> memref<20000x128xf32, #tpu.memory_space<hbm>>
      tpu.wait_indirect_dma semaphore(%arg12 : memref<!tpu.dma_semaphore, #tpu.memory_space<semaphore_mem>>) src(%dma_wait3A_130 : memref<20000x128xf32, #tpu.memory_space<hbm>>) dst(%arg8 : memref<125x128xf32, #tpu.memory_space<vmem>>)
      %dma_start3A_131 = arith.constant 4 : i32
      %dma_start3A_132 = arith.constant 0 : i32
      %dma_start3A_133 = tpu.memref_slice %arg11[%dma_start3A_131, %dma_start3A_132] : memref<32x125xi32, #tpu.memory_space<vmem>> -> memref<1x125xi32, #tpu.memory_space<vmem>>
      %dma_start3A_134 = tpu.memref_squeeze %dma_start3A_133 : memref<1x125xi32, #tpu.memory_space<vmem>> -> memref<125xi32, #tpu.memory_space<vmem>>
      %dma_start3A_135 = arith.constant 0 : i32
      %dma_start3A_136 = arith.constant 0 : i32
      %dma_start3A_137 = tpu.memref_slice %arg7[%dma_start3A_135, %dma_start3A_136] : memref<10000x128xf32, #tpu.memory_space<vmem_shared>> -> memref<10000x128xf32, #tpu.memory_space<vmem_shared>>
      tpu.enqueue_indirect_dma source(%arg8 : memref<125x128xf32, #tpu.memory_space<vmem>>) target(%dma_start3A_137 : memref<10000x128xf32, #tpu.memory_space<vmem_shared>>) offsets(%dma_start3A_134 : memref<125xi32, #tpu.memory_space<vmem>>) semaphore(%arg14 : memref<!tpu.dma_semaphore, #tpu.memory_space<semaphore_mem>>) {add = true}
      %dma_wait3A_138 = arith.constant 3 : i32
      %dma_wait3A_139 = arith.constant 0 : i32
      %dma_wait3A_140 = tpu.memref_slice %arg11[%dma_wait3A_138, %dma_wait3A_139] : memref<32x125xi32, #tpu.memory_space<vmem>> -> memref<1x125xi32, #tpu.memory_space<vmem>>
      %dma_wait3A_141 = tpu.memref_squeeze %dma_wait3A_140 : memref<1x125xi32, #tpu.memory_space<vmem>> -> memref<125xi32, #tpu.memory_space<vmem>>
      %dma_wait3A_142 = arith.constant 0 : i32
      %dma_wait3A_143 = arith.constant 0 : i32
      %dma_wait3A_144 = tpu.memref_slice %arg7[%dma_wait3A_142, %dma_wait3A_143] : memref<10000x128xf32, #tpu.memory_space<vmem_shared>> -> memref<10000x128xf32, #tpu.memory_space<vmem_shared>>
      tpu.wait_indirect_dma semaphore(%arg15 : memref<!tpu.dma_semaphore, #tpu.memory_space<semaphore_mem>>) src(%arg9 : memref<125x128xf32, #tpu.memory_space<vmem>>) dst(%dma_wait3A_144 : memref<10000x128xf32, #tpu.memory_space<vmem_shared>>)
      %dma_start3A_145 = arith.constant 5 : i32
      %dma_start3A_146 = arith.constant 0 : i32
      %dma_start3A_147 = tpu.memref_slice %arg10[%dma_start3A_145, %dma_start3A_146] : memref<32x125xi32, #tpu.memory_space<vmem>> -> memref<1x125xi32, #tpu.memory_space<vmem>>
      %dma_start3A_148 = tpu.memref_squeeze %dma_start3A_147 : memref<1x125xi32, #tpu.memory_space<vmem>> -> memref<125xi32, #tpu.memory_space<vmem>>
      %dma_start3A_149 = arith.constant 0 : i32
      %dma_start3A_150 = arith.constant 0 : i32
      %dma_start3A_151 = tpu.memref_slice %arg2[%dma_start3A_149, %dma_start3A_150] : memref<20000x128xf32, #tpu.memory_space<hbm>> -> memref<20000x128xf32, #tpu.memory_space<hbm>>
      tpu.enqueue_indirect_dma source(%dma_start3A_151 : memref<20000x128xf32, #tpu.memory_space<hbm>>) target(%arg9 : memref<125x128xf32, #tpu.memory_space<vmem>>) offsets(%dma_start3A_148 : memref<125xi32, #tpu.memory_space<vmem>>) semaphore(%arg13 : memref<!tpu.dma_semaphore, #tpu.memory_space<semaphore_mem>>)
      %dma_wait3A_152 = arith.constant 5 : i32
      %dma_wait3A_153 = arith.constant 0 : i32
      %dma_wait3A_154 = tpu.memref_slice %arg10[%dma_wait3A_152, %dma_wait3A_153] : memref<32x125xi32, #tpu.memory_space<vmem>> -> memref<1x125xi32, #tpu.memory_space<vmem>>
      %dma_wait3A_155 = tpu.memref_squeeze %dma_wait3A_154 : memref<1x125xi32, #tpu.memory_space<vmem>> -> memref<125xi32, #tpu.memory_space<vmem>>
      %dma_wait3A_156 = arith.constant 0 : i32
      %dma_wait3A_157 = arith.constant 0 : i32
      %dma_wait3A_158 = tpu.memref_slice %arg2[%dma_wait3A_156, %dma_wait3A_157] : memref<20000x128xf32, #tpu.memory_space<hbm>> -> memref<20000x128xf32, #tpu.memory_space<hbm>>
      tpu.wait_indirect_dma semaphore(%arg13 : memref<!tpu.dma_semaphore, #tpu.memory_space<semaphore_mem>>) src(%dma_wait3A_158 : memref<20000x128xf32, #tpu.memory_space<hbm>>) dst(%arg9 : memref<125x128xf32, #tpu.memory_space<vmem>>)
      %dma_start3A_159 = arith.constant 5 : i32
      %dma_start3A_160 = arith.constant 0 : i32
      %dma_start3A_161 = tpu.memref_slice %arg11[%dma_start3A_159, %dma_start3A_160] : memref<32x125xi32, #tpu.memory_space<vmem>> -> memref<1x125xi32, #tpu.memory_space<vmem>>
      %dma_start3A_162 = tpu.memref_squeeze %dma_start3A_161 : memref<1x125xi32, #tpu.memory_space<vmem>> -> memref<125xi32, #tpu.memory_space<vmem>>
      %dma_start3A_163 = arith.constant 0 : i32
      %dma_start3A_164 = arith.constant 0 : i32
      %dma_start3A_165 = tpu.memref_slice %arg7[%dma_start3A_163, %dma_start3A_164] : memref<10000x128xf32, #tpu.memory_space<vmem_shared>> -> memref<10000x128xf32, #tpu.memory_space<vmem_shared>>
      tpu.enqueue_indirect_dma source(%arg9 : memref<125x128xf32, #tpu.memory_space<vmem>>) target(%dma_start3A_165 : memref<10000x128xf32, #tpu.memory_space<vmem_shared>>) offsets(%dma_start3A_162 : memref<125xi32, #tpu.memory_space<vmem>>) semaphore(%arg15 : memref<!tpu.dma_semaphore, #tpu.memory_space<semaphore_mem>>) {add = true}
      %dma_wait3A_166 = arith.constant 4 : i32
      %dma_wait3A_167 = arith.constant 0 : i32
      %dma_wait3A_168 = tpu.memref_slice %arg11[%dma_wait3A_166, %dma_wait3A_167] : memref<32x125xi32, #tpu.memory_space<vmem>> -> memref<1x125xi32, #tpu.memory_space<vmem>>
      %dma_wait3A_169 = tpu.memref_squeeze %dma_wait3A_168 : memref<1x125xi32, #tpu.memory_space<vmem>> -> memref<125xi32, #tpu.memory_space<vmem>>
      %dma_wait3A_170 = arith.constant 0 : i32
      %dma_wait3A_171 = arith.constant 0 : i32
      %dma_wait3A_172 = tpu.memref_slice %arg7[%dma_wait3A_170, %dma_wait3A_171] : memref<10000x128xf32, #tpu.memory_space<vmem_shared>> -> memref<10000x128xf32, #tpu.memory_space<vmem_shared>>
      tpu.wait_indirect_dma semaphore(%arg14 : memref<!tpu.dma_semaphore, #tpu.memory_space<semaphore_mem>>) src(%arg8 : memref<125x128xf32, #tpu.memory_space<vmem>>) dst(%dma_wait3A_172 : memref<10000x128xf32, #tpu.memory_space<vmem_shared>>)
      %dma_start3A_173 = arith.constant 6 : i32
      %dma_start3A_174 = arith.constant 0 : i32
      %dma_start3A_175 = tpu.memref_slice %arg10[%dma_start3A_173, %dma_start3A_174] : memref<32x125xi32, #tpu.memory_space<vmem>> -> memref<1x125xi32, #tpu.memory_space<vmem>>
      %dma_start3A_176 = tpu.memref_squeeze %dma_start3A_175 : memref<1x125xi32, #tpu.memory_space<vmem>> -> memref<125xi32, #tpu.memory_space<vmem>>
      %dma_start3A_177 = arith.constant 0 : i32
      %dma_start3A_178 = arith.constant 0 : i32
      %dma_start3A_179 = tpu.memref_slice %arg2[%dma_start3A_177, %dma_start3A_178] : memref<20000x128xf32, #tpu.memory_space<hbm>> -> memref<20000x128xf32, #tpu.memory_space<hbm>>
      tpu.enqueue_indirect_dma source(%dma_start3A_179 : memref<20000x128xf32, #tpu.memory_space<hbm>>) target(%arg8 : memref<125x128xf32, #tpu.memory_space<vmem>>) offsets(%dma_start3A_176 : memref<125xi32, #tpu.memory_space<vmem>>) semaphore(%arg12 : memref<!tpu.dma_semaphore, #tpu.memory_space<semaphore_mem>>)
      %dma_wait3A_180 = arith.constant 6 : i32
      %dma_wait3A_181 = arith.constant 0 : i32
      %dma_wait3A_182 = tpu.memref_slice %arg10[%dma_wait3A_180, %dma_wait3A_181] : memref<32x125xi32, #tpu.memory_space<vmem>> -> memref<1x125xi32, #tpu.memory_space<vmem>>
      %dma_wait3A_183 = tpu.memref_squeeze %dma_wait3A_182 : memref<1x125xi32, #tpu.memory_space<vmem>> -> memref<125xi32, #tpu.memory_space<vmem>>
      %dma_wait3A_184 = arith.constant 0 : i32
      %dma_wait3A_185 = arith.constant 0 : i32
      %dma_wait3A_186 = tpu.memref_slice %arg2[%dma_wait3A_184, %dma_wait3A_185] : memref<20000x128xf32, #tpu.memory_space<hbm>> -> memref<20000x128xf32, #tpu.memory_space<hbm>>
      tpu.wait_indirect_dma semaphore(%arg12 : memref<!tpu.dma_semaphore, #tpu.memory_space<semaphore_mem>>) src(%dma_wait3A_186 : memref<20000x128xf32, #tpu.memory_space<hbm>>) dst(%arg8 : memref<125x128xf32, #tpu.memory_space<vmem>>)
      %dma_start3A_187 = arith.constant 6 : i32
      %dma_start3A_188 = arith.constant 0 : i32
      %dma_start3A_189 = tpu.memref_slice %arg11[%dma_start3A_187, %dma_start3A_188] : memref<32x125xi32, #tpu.memory_space<vmem>> -> memref<1x125xi32, #tpu.memory_space<vmem>>
      %dma_start3A_190 = tpu.memref_squeeze %dma_start3A_189 : memref<1x125xi32, #tpu.memory_space<vmem>> -> memref<125xi32, #tpu.memory_space<vmem>>
      %dma_start3A_191 = arith.constant 0 : i32
      %dma_start3A_192 = arith.constant 0 : i32
      %dma_start3A_193 = tpu.memref_slice %arg7[%dma_start3A_191, %dma_start3A_192] : memref<10000x128xf32, #tpu.memory_space<vmem_shared>> -> memref<10000x128xf32, #tpu.memory_space<vmem_shared>>
      tpu.enqueue_indirect_dma source(%arg8 : memref<125x128xf32, #tpu.memory_space<vmem>>) target(%dma_start3A_193 : memref<10000x128xf32, #tpu.memory_space<vmem_shared>>) offsets(%dma_start3A_190 : memref<125xi32, #tpu.memory_space<vmem>>) semaphore(%arg14 : memref<!tpu.dma_semaphore, #tpu.memory_space<semaphore_mem>>) {add = true}
      %dma_wait3A_194 = arith.constant 5 : i32
      %dma_wait3A_195 = arith.constant 0 : i32
      %dma_wait3A_196 = tpu.memref_slice %arg11[%dma_wait3A_194, %dma_wait3A_195] : memref<32x125xi32, #tpu.memory_space<vmem>> -> memref<1x125xi32, #tpu.memory_space<vmem>>
      %dma_wait3A_197 = tpu.memref_squeeze %dma_wait3A_196 : memref<1x125xi32, #tpu.memory_space<vmem>> -> memref<125xi32, #tpu.memory_space<vmem>>
      %dma_wait3A_198 = arith.constant 0 : i32
      %dma_wait3A_199 = arith.constant 0 : i32
      %dma_wait3A_200 = tpu.memref_slice %arg7[%dma_wait3A_198, %dma_wait3A_199] : memref<10000x128xf32, #tpu.memory_space<vmem_shared>> -> memref<10000x128xf32, #tpu.memory_space<vmem_shared>>
      tpu.wait_indirect_dma semaphore(%arg15 : memref<!tpu.dma_semaphore, #tpu.memory_space<semaphore_mem>>) src(%arg9 : memref<125x128xf32, #tpu.memory_space<vmem>>) dst(%dma_wait3A_200 : memref<10000x128xf32, #tpu.memory_space<vmem_shared>>)
      %dma_start3A_201 = arith.constant 7 : i32
      %dma_start3A_202 = arith.constant 0 : i32
      %dma_start3A_203 = tpu.memref_slice %arg10[%dma_start3A_201, %dma_start3A_202] : memref<32x125xi32, #tpu.memory_space<vmem>> -> memref<1x125xi32, #tpu.memory_space<vmem>>
      %dma_start3A_204 = tpu.memref_squeeze %dma_start3A_203 : memref<1x125xi32, #tpu.memory_space<vmem>> -> memref<125xi32, #tpu.memory_space<vmem>>
      %dma_start3A_205 = arith.constant 0 : i32
      %dma_start3A_206 = arith.constant 0 : i32
      %dma_start3A_207 = tpu.memref_slice %arg2[%dma_start3A_205, %dma_start3A_206] : memref<20000x128xf32, #tpu.memory_space<hbm>> -> memref<20000x128xf32, #tpu.memory_space<hbm>>
      tpu.enqueue_indirect_dma source(%dma_start3A_207 : memref<20000x128xf32, #tpu.memory_space<hbm>>) target(%arg9 : memref<125x128xf32, #tpu.memory_space<vmem>>) offsets(%dma_start3A_204 : memref<125xi32, #tpu.memory_space<vmem>>) semaphore(%arg13 : memref<!tpu.dma_semaphore, #tpu.memory_space<semaphore_mem>>)
      %dma_wait3A_208 = arith.constant 7 : i32
      %dma_wait3A_209 = arith.constant 0 : i32
      %dma_wait3A_210 = tpu.memref_slice %arg10[%dma_wait3A_208, %dma_wait3A_209] : memref<32x125xi32, #tpu.memory_space<vmem>> -> memref<1x125xi32, #tpu.memory_space<vmem>>
      %dma_wait3A_211 = tpu.memref_squeeze %dma_wait3A_210 : memref<1x125xi32, #tpu.memory_space<vmem>> -> memref<125xi32, #tpu.memory_space<vmem>>
      %dma_wait3A_212 = arith.constant 0 : i32
      %dma_wait3A_213 = arith.constant 0 : i32
      %dma_wait3A_214 = tpu.memref_slice %arg2[%dma_wait3A_212, %dma_wait3A_213] : memref<20000x128xf32, #tpu.memory_space<hbm>> -> memref<20000x128xf32, #tpu.memory_space<hbm>>
      tpu.wait_indirect_dma semaphore(%arg13 : memref<!tpu.dma_semaphore, #tpu.memory_space<semaphore_mem>>) src(%dma_wait3A_214 : memref<20000x128xf32, #tpu.memory_space<hbm>>) dst(%arg9 : memref<125x128xf32, #tpu.memory_space<vmem>>)
      %dma_start3A_215 = arith.constant 7 : i32
      %dma_start3A_216 = arith.constant 0 : i32
      %dma_start3A_217 = tpu.memref_slice %arg11[%dma_start3A_215, %dma_start3A_216] : memref<32x125xi32, #tpu.memory_space<vmem>> -> memref<1x125xi32, #tpu.memory_space<vmem>>
      %dma_start3A_218 = tpu.memref_squeeze %dma_start3A_217 : memref<1x125xi32, #tpu.memory_space<vmem>> -> memref<125xi32, #tpu.memory_space<vmem>>
      %dma_start3A_219 = arith.constant 0 : i32
      %dma_start3A_220 = arith.constant 0 : i32
      %dma_start3A_221 = tpu.memref_slice %arg7[%dma_start3A_219, %dma_start3A_220] : memref<10000x128xf32, #tpu.memory_space<vmem_shared>> -> memref<10000x128xf32, #tpu.memory_space<vmem_shared>>
      tpu.enqueue_indirect_dma source(%arg9 : memref<125x128xf32, #tpu.memory_space<vmem>>) target(%dma_start3A_221 : memref<10000x128xf32, #tpu.memory_space<vmem_shared>>) offsets(%dma_start3A_218 : memref<125xi32, #tpu.memory_space<vmem>>) semaphore(%arg15 : memref<!tpu.dma_semaphore, #tpu.memory_space<semaphore_mem>>) {add = true}
      %dma_wait3A_222 = arith.constant 6 : i32
      %dma_wait3A_223 = arith.constant 0 : i32
      %dma_wait3A_224 = tpu.memref_slice %arg11[%dma_wait3A_222, %dma_wait3A_223] : memref<32x125xi32, #tpu.memory_space<vmem>> -> memref<1x125xi32, #tpu.memory_space<vmem>>
      %dma_wait3A_225 = tpu.memref_squeeze %dma_wait3A_224 : memref<1x125xi32, #tpu.memory_space<vmem>> -> memref<125xi32, #tpu.memory_space<vmem>>
      %dma_wait3A_226 = arith.constant 0 : i32
      %dma_wait3A_227 = arith.constant 0 : i32
      %dma_wait3A_228 = tpu.memref_slice %arg7[%dma_wait3A_226, %dma_wait3A_227] : memref<10000x128xf32, #tpu.memory_space<vmem_shared>> -> memref<10000x128xf32, #tpu.memory_space<vmem_shared>>
      tpu.wait_indirect_dma semaphore(%arg14 : memref<!tpu.dma_semaphore, #tpu.memory_space<semaphore_mem>>) src(%arg8 : memref<125x128xf32, #tpu.memory_space<vmem>>) dst(%dma_wait3A_228 : memref<10000x128xf32, #tpu.memory_space<vmem_shared>>)
      %dma_start3A_229 = arith.constant 8 : i32
      %dma_start3A_230 = arith.constant 0 : i32
      %dma_start3A_231 = tpu.memref_slice %arg10[%dma_start3A_229, %dma_start3A_230] : memref<32x125xi32, #tpu.memory_space<vmem>> -> memref<1x125xi32, #tpu.memory_space<vmem>>
      %dma_start3A_232 = tpu.memref_squeeze %dma_start3A_231 : memref<1x125xi32, #tpu.memory_space<vmem>> -> memref<125xi32, #tpu.memory_space<vmem>>
      %dma_start3A_233 = arith.constant 0 : i32
      %dma_start3A_234 = arith.constant 0 : i32
      %dma_start3A_235 = tpu.memref_slice %arg2[%dma_start3A_233, %dma_start3A_234] : memref<20000x128xf32, #tpu.memory_space<hbm>> -> memref<20000x128xf32, #tpu.memory_space<hbm>>
      tpu.enqueue_indirect_dma source(%dma_start3A_235 : memref<20000x128xf32, #tpu.memory_space<hbm>>) target(%arg8 : memref<125x128xf32, #tpu.memory_space<vmem>>) offsets(%dma_start3A_232 : memref<125xi32, #tpu.memory_space<vmem>>) semaphore(%arg12 : memref<!tpu.dma_semaphore, #tpu.memory_space<semaphore_mem>>)
      %dma_wait3A_236 = arith.constant 8 : i32
      %dma_wait3A_237 = arith.constant 0 : i32
      %dma_wait3A_238 = tpu.memref_slice %arg10[%dma_wait3A_236, %dma_wait3A_237] : memref<32x125xi32, #tpu.memory_space<vmem>> -> memref<1x125xi32, #tpu.memory_space<vmem>>
      %dma_wait3A_239 = tpu.memref_squeeze %dma_wait3A_238 : memref<1x125xi32, #tpu.memory_space<vmem>> -> memref<125xi32, #tpu.memory_space<vmem>>
      %dma_wait3A_240 = arith.constant 0 : i32
      %dma_wait3A_241 = arith.constant 0 : i32
      %dma_wait3A_242 = tpu.memref_slice %arg2[%dma_wait3A_240, %dma_wait3A_241] : memref<20000x128xf32, #tpu.memory_space<hbm>> -> memref<20000x128xf32, #tpu.memory_space<hbm>>
      tpu.wait_indirect_dma semaphore(%arg12 : memref<!tpu.dma_semaphore, #tpu.memory_space<semaphore_mem>>) src(%dma_wait3A_242 : memref<20000x128xf32, #tpu.memory_space<hbm>>) dst(%arg8 : memref<125x128xf32, #tpu.memory_space<vmem>>)
      %dma_start3A_243 = arith.constant 8 : i32
      %dma_start3A_244 = arith.constant 0 : i32
      %dma_start3A_245 = tpu.memref_slice %arg11[%dma_start3A_243, %dma_start3A_244] : memref<32x125xi32, #tpu.memory_space<vmem>> -> memref<1x125xi32, #tpu.memory_space<vmem>>
      %dma_start3A_246 = tpu.memref_squeeze %dma_start3A_245 : memref<1x125xi32, #tpu.memory_space<vmem>> -> memref<125xi32, #tpu.memory_space<vmem>>
      %dma_start3A_247 = arith.constant 0 : i32
      %dma_start3A_248 = arith.constant 0 : i32
      %dma_start3A_249 = tpu.memref_slice %arg7[%dma_start3A_247, %dma_start3A_248] : memref<10000x128xf32, #tpu.memory_space<vmem_shared>> -> memref<10000x128xf32, #tpu.memory_space<vmem_shared>>
      tpu.enqueue_indirect_dma source(%arg8 : memref<125x128xf32, #tpu.memory_space<vmem>>) target(%dma_start3A_249 : memref<10000x128xf32, #tpu.memory_space<vmem_shared>>) offsets(%dma_start3A_246 : memref<125xi32, #tpu.memory_space<vmem>>) semaphore(%arg14 : memref<!tpu.dma_semaphore, #tpu.memory_space<semaphore_mem>>) {add = true}
      %dma_wait3A_250 = arith.constant 7 : i32
      %dma_wait3A_251 = arith.constant 0 : i32
      %dma_wait3A_252 = tpu.memref_slice %arg11[%dma_wait3A_250, %dma_wait3A_251] : memref<32x125xi32, #tpu.memory_space<vmem>> -> memref<1x125xi32, #tpu.memory_space<vmem>>
      %dma_wait3A_253 = tpu.memref_squeeze %dma_wait3A_252 : memref<1x125xi32, #tpu.memory_space<vmem>> -> memref<125xi32, #tpu.memory_space<vmem>>
      %dma_wait3A_254 = arith.constant 0 : i32
      %dma_wait3A_255 = arith.constant 0 : i32
      %dma_wait3A_256 = tpu.memref_slice %arg7[%dma_wait3A_254, %dma_wait3A_255] : memref<10000x128xf32, #tpu.memory_space<vmem_shared>> -> memref<10000x128xf32, #tpu.memory_space<vmem_shared>>
      tpu.wait_indirect_dma semaphore(%arg15 : memref<!tpu.dma_semaphore, #tpu.memory_space<semaphore_mem>>) src(%arg9 : memref<125x128xf32, #tpu.memory_space<vmem>>) dst(%dma_wait3A_256 : memref<10000x128xf32, #tpu.memory_space<vmem_shared>>)
      %dma_start3A_257 = arith.constant 9 : i32
      %dma_start3A_258 = arith.constant 0 : i32
      %dma_start3A_259 = tpu.memref_slice %arg10[%dma_start3A_257, %dma_start3A_258] : memref<32x125xi32, #tpu.memory_space<vmem>> -> memref<1x125xi32, #tpu.memory_space<vmem>>
      %dma_start3A_260 = tpu.memref_squeeze %dma_start3A_259 : memref<1x125xi32, #tpu.memory_space<vmem>> -> memref<125xi32, #tpu.memory_space<vmem>>
      %dma_start3A_261 = arith.constant 0 : i32
      %dma_start3A_262 = arith.constant 0 : i32
      %dma_start3A_263 = tpu.memref_slice %arg2[%dma_start3A_261, %dma_start3A_262] : memref<20000x128xf32, #tpu.memory_space<hbm>> -> memref<20000x128xf32, #tpu.memory_space<hbm>>
      tpu.enqueue_indirect_dma source(%dma_start3A_263 : memref<20000x128xf32, #tpu.memory_space<hbm>>) target(%arg9 : memref<125x128xf32, #tpu.memory_space<vmem>>) offsets(%dma_start3A_260 : memref<125xi32, #tpu.memory_space<vmem>>) semaphore(%arg13 : memref<!tpu.dma_semaphore, #tpu.memory_space<semaphore_mem>>)
      %dma_wait3A_264 = arith.constant 9 : i32
      %dma_wait3A_265 = arith.constant 0 : i32
      %dma_wait3A_266 = tpu.memref_slice %arg10[%dma_wait3A_264, %dma_wait3A_265] : memref<32x125xi32, #tpu.memory_space<vmem>> -> memref<1x125xi32, #tpu.memory_space<vmem>>
      %dma_wait3A_267 = tpu.memref_squeeze %dma_wait3A_266 : memref<1x125xi32, #tpu.memory_space<vmem>> -> memref<125xi32, #tpu.memory_space<vmem>>
      %dma_wait3A_268 = arith.constant 0 : i32
      %dma_wait3A_269 = arith.constant 0 : i32
      %dma_wait3A_270 = tpu.memref_slice %arg2[%dma_wait3A_268, %dma_wait3A_269] : memref<20000x128xf32, #tpu.memory_space<hbm>> -> memref<20000x128xf32, #tpu.memory_space<hbm>>
      tpu.wait_indirect_dma semaphore(%arg13 : memref<!tpu.dma_semaphore, #tpu.memory_space<semaphore_mem>>) src(%dma_wait3A_270 : memref<20000x128xf32, #tpu.memory_space<hbm>>) dst(%arg9 : memref<125x128xf32, #tpu.memory_space<vmem>>)
      %dma_start3A_271 = arith.constant 9 : i32
      %dma_start3A_272 = arith.constant 0 : i32
      %dma_start3A_273 = tpu.memref_slice %arg11[%dma_start3A_271, %dma_start3A_272] : memref<32x125xi32, #tpu.memory_space<vmem>> -> memref<1x125xi32, #tpu.memory_space<vmem>>
      %dma_start3A_274 = tpu.memref_squeeze %dma_start3A_273 : memref<1x125xi32, #tpu.memory_space<vmem>> -> memref<125xi32, #tpu.memory_space<vmem>>
      %dma_start3A_275 = arith.constant 0 : i32
      %dma_start3A_276 = arith.constant 0 : i32
      %dma_start3A_277 = tpu.memref_slice %arg7[%dma_start3A_275, %dma_start3A_276] : memref<10000x128xf32, #tpu.memory_space<vmem_shared>> -> memref<10000x128xf32, #tpu.memory_space<vmem_shared>>
      tpu.enqueue_indirect_dma source(%arg9 : memref<125x128xf32, #tpu.memory_space<vmem>>) target(%dma_start3A_277 : memref<10000x128xf32, #tpu.memory_space<vmem_shared>>) offsets(%dma_start3A_274 : memref<125xi32, #tpu.memory_space<vmem>>) semaphore(%arg15 : memref<!tpu.dma_semaphore, #tpu.memory_space<semaphore_mem>>) {add = true}
      %dma_wait3A_278 = arith.constant 8 : i32
      %dma_wait3A_279 = arith.constant 0 : i32
      %dma_wait3A_280 = tpu.memref_slice %arg11[%dma_wait3A_278, %dma_wait3A_279] : memref<32x125xi32, #tpu.memory_space<vmem>> -> memref<1x125xi32, #tpu.memory_space<vmem>>
      %dma_wait3A_281 = tpu.memref_squeeze %dma_wait3A_280 : memref<1x125xi32, #tpu.memory_space<vmem>> -> memref<125xi32, #tpu.memory_space<vmem>>
      %dma_wait3A_282 = arith.constant 0 : i32
      %dma_wait3A_283 = arith.constant 0 : i32
      %dma_wait3A_284 = tpu.memref_slice %arg7[%dma_wait3A_282, %dma_wait3A_283] : memref<10000x128xf32, #tpu.memory_space<vmem_shared>> -> memref<10000x128xf32, #tpu.memory_space<vmem_shared>>
      tpu.wait_indirect_dma semaphore(%arg14 : memref<!tpu.dma_semaphore, #tpu.memory_space<semaphore_mem>>) src(%arg8 : memref<125x128xf32, #tpu.memory_space<vmem>>) dst(%dma_wait3A_284 : memref<10000x128xf32, #tpu.memory_space<vmem_shared>>)
      %dma_start3A_285 = arith.constant 10 : i32
      %dma_start3A_286 = arith.constant 0 : i32
      %dma_start3A_287 = tpu.memref_slice %arg10[%dma_start3A_285, %dma_start3A_286] : memref<32x125xi32, #tpu.memory_space<vmem>> -> memref<1x125xi32, #tpu.memory_space<vmem>>
      %dma_start3A_288 = tpu.memref_squeeze %dma_start3A_287 : memref<1x125xi32, #tpu.memory_space<vmem>> -> memref<125xi32, #tpu.memory_space<vmem>>
      %dma_start3A_289 = arith.constant 0 : i32
      %dma_start3A_290 = arith.constant 0 : i32
      %dma_start3A_291 = tpu.memref_slice %arg2[%dma_start3A_289, %dma_start3A_290] : memref<20000x128xf32, #tpu.memory_space<hbm>> -> memref<20000x128xf32, #tpu.memory_space<hbm>>
      tpu.enqueue_indirect_dma source(%dma_start3A_291 : memref<20000x128xf32, #tpu.memory_space<hbm>>) target(%arg8 : memref<125x128xf32, #tpu.memory_space<vmem>>) offsets(%dma_start3A_288 : memref<125xi32, #tpu.memory_space<vmem>>) semaphore(%arg12 : memref<!tpu.dma_semaphore, #tpu.memory_space<semaphore_mem>>)
      %dma_wait3A_292 = arith.constant 10 : i32
      %dma_wait3A_293 = arith.constant 0 : i32
      %dma_wait3A_294 = tpu.memref_slice %arg10[%dma_wait3A_292, %dma_wait3A_293] : memref<32x125xi32, #tpu.memory_space<vmem>> -> memref<1x125xi32, #tpu.memory_space<vmem>>
      %dma_wait3A_295 = tpu.memref_squeeze %dma_wait3A_294 : memref<1x125xi32, #tpu.memory_space<vmem>> -> memref<125xi32, #tpu.memory_space<vmem>>
      %dma_wait3A_296 = arith.constant 0 : i32
      %dma_wait3A_297 = arith.constant 0 : i32
      %dma_wait3A_298 = tpu.memref_slice %arg2[%dma_wait3A_296, %dma_wait3A_297] : memref<20000x128xf32, #tpu.memory_space<hbm>> -> memref<20000x128xf32, #tpu.memory_space<hbm>>
      tpu.wait_indirect_dma semaphore(%arg12 : memref<!tpu.dma_semaphore, #tpu.memory_space<semaphore_mem>>) src(%dma_wait3A_298 : memref<20000x128xf32, #tpu.memory_space<hbm>>) dst(%arg8 : memref<125x128xf32, #tpu.memory_space<vmem>>)
      %dma_start3A_299 = arith.constant 10 : i32
      %dma_start3A_300 = arith.constant 0 : i32
      %dma_start3A_301 = tpu.memref_slice %arg11[%dma_start3A_299, %dma_start3A_300] : memref<32x125xi32, #tpu.memory_space<vmem>> -> memref<1x125xi32, #tpu.memory_space<vmem>>
      %dma_start3A_302 = tpu.memref_squeeze %dma_start3A_301 : memref<1x125xi32, #tpu.memory_space<vmem>> -> memref<125xi32, #tpu.memory_space<vmem>>
      %dma_start3A_303 = arith.constant 0 : i32
      %dma_start3A_304 = arith.constant 0 : i32
      %dma_start3A_305 = tpu.memref_slice %arg7[%dma_start3A_303, %dma_start3A_304] : memref<10000x128xf32, #tpu.memory_space<vmem_shared>> -> memref<10000x128xf32, #tpu.memory_space<vmem_shared>>
      tpu.enqueue_indirect_dma source(%arg8 : memref<125x128xf32, #tpu.memory_space<vmem>>) target(%dma_start3A_305 : memref<10000x128xf32, #tpu.memory_space<vmem_shared>>) offsets(%dma_start3A_302 : memref<125xi32, #tpu.memory_space<vmem>>) semaphore(%arg14 : memref<!tpu.dma_semaphore, #tpu.memory_space<semaphore_mem>>) {add = true}
      %dma_wait3A_306 = arith.constant 9 : i32
      %dma_wait3A_307 = arith.constant 0 : i32
      %dma_wait3A_308 = tpu.memref_slice %arg11[%dma_wait3A_306, %dma_wait3A_307] : memref<32x125xi32, #tpu.memory_space<vmem>> -> memref<1x125xi32, #tpu.memory_space<vmem>>
      %dma_wait3A_309 = tpu.memref_squeeze %dma_wait3A_308 : memref<1x125xi32, #tpu.memory_space<vmem>> -> memref<125xi32, #tpu.memory_space<vmem>>
      %dma_wait3A_310 = arith.constant 0 : i32
      %dma_wait3A_311 = arith.constant 0 : i32
      %dma_wait3A_312 = tpu.memref_slice %arg7[%dma_wait3A_310, %dma_wait3A_311] : memref<10000x128xf32, #tpu.memory_space<vmem_shared>> -> memref<10000x128xf32, #tpu.memory_space<vmem_shared>>
      tpu.wait_indirect_dma semaphore(%arg15 : memref<!tpu.dma_semaphore, #tpu.memory_space<semaphore_mem>>) src(%arg9 : memref<125x128xf32, #tpu.memory_space<vmem>>) dst(%dma_wait3A_312 : memref<10000x128xf32, #tpu.memory_space<vmem_shared>>)
      %dma_start3A_313 = arith.constant 11 : i32
      %dma_start3A_314 = arith.constant 0 : i32
      %dma_start3A_315 = tpu.memref_slice %arg10[%dma_start3A_313, %dma_start3A_314] : memref<32x125xi32, #tpu.memory_space<vmem>> -> memref<1x125xi32, #tpu.memory_space<vmem>>
      %dma_start3A_316 = tpu.memref_squeeze %dma_start3A_315 : memref<1x125xi32, #tpu.memory_space<vmem>> -> memref<125xi32, #tpu.memory_space<vmem>>
      %dma_start3A_317 = arith.constant 0 : i32
      %dma_start3A_318 = arith.constant 0 : i32
      %dma_start3A_319 = tpu.memref_slice %arg2[%dma_start3A_317, %dma_start3A_318] : memref<20000x128xf32, #tpu.memory_space<hbm>> -> memref<20000x128xf32, #tpu.memory_space<hbm>>
      tpu.enqueue_indirect_dma source(%dma_start3A_319 : memref<20000x128xf32, #tpu.memory_space<hbm>>) target(%arg9 : memref<125x128xf32, #tpu.memory_space<vmem>>) offsets(%dma_start3A_316 : memref<125xi32, #tpu.memory_space<vmem>>) semaphore(%arg13 : memref<!tpu.dma_semaphore, #tpu.memory_space<semaphore_mem>>)
      %dma_wait3A_320 = arith.constant 11 : i32
      %dma_wait3A_321 = arith.constant 0 : i32
      %dma_wait3A_322 = tpu.memref_slice %arg10[%dma_wait3A_320, %dma_wait3A_321] : memref<32x125xi32, #tpu.memory_space<vmem>> -> memref<1x125xi32, #tpu.memory_space<vmem>>
      %dma_wait3A_323 = tpu.memref_squeeze %dma_wait3A_322 : memref<1x125xi32, #tpu.memory_space<vmem>> -> memref<125xi32, #tpu.memory_space<vmem>>
      %dma_wait3A_324 = arith.constant 0 : i32
      %dma_wait3A_325 = arith.constant 0 : i32
      %dma_wait3A_326 = tpu.memref_slice %arg2[%dma_wait3A_324, %dma_wait3A_325] : memref<20000x128xf32, #tpu.memory_space<hbm>> -> memref<20000x128xf32, #tpu.memory_space<hbm>>
      tpu.wait_indirect_dma semaphore(%arg13 : memref<!tpu.dma_semaphore, #tpu.memory_space<semaphore_mem>>) src(%dma_wait3A_326 : memref<20000x128xf32, #tpu.memory_space<hbm>>) dst(%arg9 : memref<125x128xf32, #tpu.memory_space<vmem>>)
      %dma_start3A_327 = arith.constant 11 : i32
      %dma_start3A_328 = arith.constant 0 : i32
      %dma_start3A_329 = tpu.memref_slice %arg11[%dma_start3A_327, %dma_start3A_328] : memref<32x125xi32, #tpu.memory_space<vmem>> -> memref<1x125xi32, #tpu.memory_space<vmem>>
      %dma_start3A_330 = tpu.memref_squeeze %dma_start3A_329 : memref<1x125xi32, #tpu.memory_space<vmem>> -> memref<125xi32, #tpu.memory_space<vmem>>
      %dma_start3A_331 = arith.constant 0 : i32
      %dma_start3A_332 = arith.constant 0 : i32
      %dma_start3A_333 = tpu.memref_slice %arg7[%dma_start3A_331, %dma_start3A_332] : memref<10000x128xf32, #tpu.memory_space<vmem_shared>> -> memref<10000x128xf32, #tpu.memory_space<vmem_shared>>
      tpu.enqueue_indirect_dma source(%arg9 : memref<125x128xf32, #tpu.memory_space<vmem>>) target(%dma_start3A_333 : memref<10000x128xf32, #tpu.memory_space<vmem_shared>>) offsets(%dma_start3A_330 : memref<125xi32, #tpu.memory_space<vmem>>) semaphore(%arg15 : memref<!tpu.dma_semaphore, #tpu.memory_space<semaphore_mem>>) {add = true}
      %dma_wait3A_334 = arith.constant 10 : i32
      %dma_wait3A_335 = arith.constant 0 : i32
      %dma_wait3A_336 = tpu.memref_slice %arg11[%dma_wait3A_334, %dma_wait3A_335] : memref<32x125xi32, #tpu.memory_space<vmem>> -> memref<1x125xi32, #tpu.memory_space<vmem>>
      %dma_wait3A_337 = tpu.memref_squeeze %dma_wait3A_336 : memref<1x125xi32, #tpu.memory_space<vmem>> -> memref<125xi32, #tpu.memory_space<vmem>>
      %dma_wait3A_338 = arith.constant 0 : i32
      %dma_wait3A_339 = arith.constant 0 : i32
      %dma_wait3A_340 = tpu.memref_slice %arg7[%dma_wait3A_338, %dma_wait3A_339] : memref<10000x128xf32, #tpu.memory_space<vmem_shared>> -> memref<10000x128xf32, #tpu.memory_space<vmem_shared>>
      tpu.wait_indirect_dma semaphore(%arg14 : memref<!tpu.dma_semaphore, #tpu.memory_space<semaphore_mem>>) src(%arg8 : memref<125x128xf32, #tpu.memory_space<vmem>>) dst(%dma_wait3A_340 : memref<10000x128xf32, #tpu.memory_space<vmem_shared>>)
      %dma_start3A_341 = arith.constant 12 : i32
      %dma_start3A_342 = arith.constant 0 : i32
      %dma_start3A_343 = tpu.memref_slice %arg10[%dma_start3A_341, %dma_start3A_342] : memref<32x125xi32, #tpu.memory_space<vmem>> -> memref<1x125xi32, #tpu.memory_space<vmem>>
      %dma_start3A_344 = tpu.memref_squeeze %dma_start3A_343 : memref<1x125xi32, #tpu.memory_space<vmem>> -> memref<125xi32, #tpu.memory_space<vmem>>
      %dma_start3A_345 = arith.constant 0 : i32
      %dma_start3A_346 = arith.constant 0 : i32
      %dma_start3A_347 = tpu.memref_slice %arg2[%dma_start3A_345, %dma_start3A_346] : memref<20000x128xf32, #tpu.memory_space<hbm>> -> memref<20000x128xf32, #tpu.memory_space<hbm>>
      tpu.enqueue_indirect_dma source(%dma_start3A_347 : memref<20000x128xf32, #tpu.memory_space<hbm>>) target(%arg8 : memref<125x128xf32, #tpu.memory_space<vmem>>) offsets(%dma_start3A_344 : memref<125xi32, #tpu.memory_space<vmem>>) semaphore(%arg12 : memref<!tpu.dma_semaphore, #tpu.memory_space<semaphore_mem>>)
      %dma_wait3A_348 = arith.constant 12 : i32
      %dma_wait3A_349 = arith.constant 0 : i32
      %dma_wait3A_350 = tpu.memref_slice %arg10[%dma_wait3A_348, %dma_wait3A_349] : memref<32x125xi32, #tpu.memory_space<vmem>> -> memref<1x125xi32, #tpu.memory_space<vmem>>
      %dma_wait3A_351 = tpu.memref_squeeze %dma_wait3A_350 : memref<1x125xi32, #tpu.memory_space<vmem>> -> memref<125xi32, #tpu.memory_space<vmem>>
      %dma_wait3A_352 = arith.constant 0 : i32
      %dma_wait3A_353 = arith.constant 0 : i32
      %dma_wait3A_354 = tpu.memref_slice %arg2[%dma_wait3A_352, %dma_wait3A_353] : memref<20000x128xf32, #tpu.memory_space<hbm>> -> memref<20000x128xf32, #tpu.memory_space<hbm>>
      tpu.wait_indirect_dma semaphore(%arg12 : memref<!tpu.dma_semaphore, #tpu.memory_space<semaphore_mem>>) src(%dma_wait3A_354 : memref<20000x128xf32, #tpu.memory_space<hbm>>) dst(%arg8 : memref<125x128xf32, #tpu.memory_space<vmem>>)
      %dma_start3A_355 = arith.constant 12 : i32
      %dma_start3A_356 = arith.constant 0 : i32
      %dma_start3A_357 = tpu.memref_slice %arg11[%dma_start3A_355, %dma_start3A_356] : memref<32x125xi32, #tpu.memory_space<vmem>> -> memref<1x125xi32, #tpu.memory_space<vmem>>
      %dma_start3A_358 = tpu.memref_squeeze %dma_start3A_357 : memref<1x125xi32, #tpu.memory_space<vmem>> -> memref<125xi32, #tpu.memory_space<vmem>>
      %dma_start3A_359 = arith.constant 0 : i32
      %dma_start3A_360 = arith.constant 0 : i32
      %dma_start3A_361 = tpu.memref_slice %arg7[%dma_start3A_359, %dma_start3A_360] : memref<10000x128xf32, #tpu.memory_space<vmem_shared>> -> memref<10000x128xf32, #tpu.memory_space<vmem_shared>>
      tpu.enqueue_indirect_dma source(%arg8 : memref<125x128xf32, #tpu.memory_space<vmem>>) target(%dma_start3A_361 : memref<10000x128xf32, #tpu.memory_space<vmem_shared>>) offsets(%dma_start3A_358 : memref<125xi32, #tpu.memory_space<vmem>>) semaphore(%arg14 : memref<!tpu.dma_semaphore, #tpu.memory_space<semaphore_mem>>) {add = true}
      %dma_wait3A_362 = arith.constant 11 : i32
      %dma_wait3A_363 = arith.constant 0 : i32
      %dma_wait3A_364 = tpu.memref_slice %arg11[%dma_wait3A_362, %dma_wait3A_363] : memref<32x125xi32, #tpu.memory_space<vmem>> -> memref<1x125xi32, #tpu.memory_space<vmem>>
      %dma_wait3A_365 = tpu.memref_squeeze %dma_wait3A_364 : memref<1x125xi32, #tpu.memory_space<vmem>> -> memref<125xi32, #tpu.memory_space<vmem>>
      %dma_wait3A_366 = arith.constant 0 : i32
      %dma_wait3A_367 = arith.constant 0 : i32
      %dma_wait3A_368 = tpu.memref_slice %arg7[%dma_wait3A_366, %dma_wait3A_367] : memref<10000x128xf32, #tpu.memory_space<vmem_shared>> -> memref<10000x128xf32, #tpu.memory_space<vmem_shared>>
      tpu.wait_indirect_dma semaphore(%arg15 : memref<!tpu.dma_semaphore, #tpu.memory_space<semaphore_mem>>) src(%arg9 : memref<125x128xf32, #tpu.memory_space<vmem>>) dst(%dma_wait3A_368 : memref<10000x128xf32, #tpu.memory_space<vmem_shared>>)
      %dma_start3A_369 = arith.constant 13 : i32
      %dma_start3A_370 = arith.constant 0 : i32
      %dma_start3A_371 = tpu.memref_slice %arg10[%dma_start3A_369, %dma_start3A_370] : memref<32x125xi32, #tpu.memory_space<vmem>> -> memref<1x125xi32, #tpu.memory_space<vmem>>
      %dma_start3A_372 = tpu.memref_squeeze %dma_start3A_371 : memref<1x125xi32, #tpu.memory_space<vmem>> -> memref<125xi32, #tpu.memory_space<vmem>>
      %dma_start3A_373 = arith.constant 0 : i32
      %dma_start3A_374 = arith.constant 0 : i32
      %dma_start3A_375 = tpu.memref_slice %arg2[%dma_start3A_373, %dma_start3A_374] : memref<20000x128xf32, #tpu.memory_space<hbm>> -> memref<20000x128xf32, #tpu.memory_space<hbm>>
      tpu.enqueue_indirect_dma source(%dma_start3A_375 : memref<20000x128xf32, #tpu.memory_space<hbm>>) target(%arg9 : memref<125x128xf32, #tpu.memory_space<vmem>>) offsets(%dma_start3A_372 : memref<125xi32, #tpu.memory_space<vmem>>) semaphore(%arg13 : memref<!tpu.dma_semaphore, #tpu.memory_space<semaphore_mem>>)
      %dma_wait3A_376 = arith.constant 13 : i32
      %dma_wait3A_377 = arith.constant 0 : i32
      %dma_wait3A_378 = tpu.memref_slice %arg10[%dma_wait3A_376, %dma_wait3A_377] : memref<32x125xi32, #tpu.memory_space<vmem>> -> memref<1x125xi32, #tpu.memory_space<vmem>>
      %dma_wait3A_379 = tpu.memref_squeeze %dma_wait3A_378 : memref<1x125xi32, #tpu.memory_space<vmem>> -> memref<125xi32, #tpu.memory_space<vmem>>
      %dma_wait3A_380 = arith.constant 0 : i32
      %dma_wait3A_381 = arith.constant 0 : i32
      %dma_wait3A_382 = tpu.memref_slice %arg2[%dma_wait3A_380, %dma_wait3A_381] : memref<20000x128xf32, #tpu.memory_space<hbm>> -> memref<20000x128xf32, #tpu.memory_space<hbm>>
      tpu.wait_indirect_dma semaphore(%arg13 : memref<!tpu.dma_semaphore, #tpu.memory_space<semaphore_mem>>) src(%dma_wait3A_382 : memref<20000x128xf32, #tpu.memory_space<hbm>>) dst(%arg9 : memref<125x128xf32, #tpu.memory_space<vmem>>)
      %dma_start3A_383 = arith.constant 13 : i32
      %dma_start3A_384 = arith.constant 0 : i32
      %dma_start3A_385 = tpu.memref_slice %arg11[%dma_start3A_383, %dma_start3A_384] : memref<32x125xi32, #tpu.memory_space<vmem>> -> memref<1x125xi32, #tpu.memory_space<vmem>>
      %dma_start3A_386 = tpu.memref_squeeze %dma_start3A_385 : memref<1x125xi32, #tpu.memory_space<vmem>> -> memref<125xi32, #tpu.memory_space<vmem>>
      %dma_start3A_387 = arith.constant 0 : i32
      %dma_start3A_388 = arith.constant 0 : i32
      %dma_start3A_389 = tpu.memref_slice %arg7[%dma_start3A_387, %dma_start3A_388] : memref<10000x128xf32, #tpu.memory_space<vmem_shared>> -> memref<10000x128xf32, #tpu.memory_space<vmem_shared>>
      tpu.enqueue_indirect_dma source(%arg9 : memref<125x128xf32, #tpu.memory_space<vmem>>) target(%dma_start3A_389 : memref<10000x128xf32, #tpu.memory_space<vmem_shared>>) offsets(%dma_start3A_386 : memref<125xi32, #tpu.memory_space<vmem>>) semaphore(%arg15 : memref<!tpu.dma_semaphore, #tpu.memory_space<semaphore_mem>>) {add = true}
      %dma_wait3A_390 = arith.constant 12 : i32
      %dma_wait3A_391 = arith.constant 0 : i32
      %dma_wait3A_392 = tpu.memref_slice %arg11[%dma_wait3A_390, %dma_wait3A_391] : memref<32x125xi32, #tpu.memory_space<vmem>> -> memref<1x125xi32, #tpu.memory_space<vmem>>
      %dma_wait3A_393 = tpu.memref_squeeze %dma_wait3A_392 : memref<1x125xi32, #tpu.memory_space<vmem>> -> memref<125xi32, #tpu.memory_space<vmem>>
      %dma_wait3A_394 = arith.constant 0 : i32
      %dma_wait3A_395 = arith.constant 0 : i32
      %dma_wait3A_396 = tpu.memref_slice %arg7[%dma_wait3A_394, %dma_wait3A_395] : memref<10000x128xf32, #tpu.memory_space<vmem_shared>> -> memref<10000x128xf32, #tpu.memory_space<vmem_shared>>
      tpu.wait_indirect_dma semaphore(%arg14 : memref<!tpu.dma_semaphore, #tpu.memory_space<semaphore_mem>>) src(%arg8 : memref<125x128xf32, #tpu.memory_space<vmem>>) dst(%dma_wait3A_396 : memref<10000x128xf32, #tpu.memory_space<vmem_shared>>)
      %dma_start3A_397 = arith.constant 14 : i32
      %dma_start3A_398 = arith.constant 0 : i32
      %dma_start3A_399 = tpu.memref_slice %arg10[%dma_start3A_397, %dma_start3A_398] : memref<32x125xi32, #tpu.memory_space<vmem>> -> memref<1x125xi32, #tpu.memory_space<vmem>>
      %dma_start3A_400 = tpu.memref_squeeze %dma_start3A_399 : memref<1x125xi32, #tpu.memory_space<vmem>> -> memref<125xi32, #tpu.memory_space<vmem>>
      %dma_start3A_401 = arith.constant 0 : i32
      %dma_start3A_402 = arith.constant 0 : i32
      %dma_start3A_403 = tpu.memref_slice %arg2[%dma_start3A_401, %dma_start3A_402] : memref<20000x128xf32, #tpu.memory_space<hbm>> -> memref<20000x128xf32, #tpu.memory_space<hbm>>
      tpu.enqueue_indirect_dma source(%dma_start3A_403 : memref<20000x128xf32, #tpu.memory_space<hbm>>) target(%arg8 : memref<125x128xf32, #tpu.memory_space<vmem>>) offsets(%dma_start3A_400 : memref<125xi32, #tpu.memory_space<vmem>>) semaphore(%arg12 : memref<!tpu.dma_semaphore, #tpu.memory_space<semaphore_mem>>)
      %dma_wait3A_404 = arith.constant 14 : i32
      %dma_wait3A_405 = arith.constant 0 : i32
      %dma_wait3A_406 = tpu.memref_slice %arg10[%dma_wait3A_404, %dma_wait3A_405] : memref<32x125xi32, #tpu.memory_space<vmem>> -> memref<1x125xi32, #tpu.memory_space<vmem>>
      %dma_wait3A_407 = tpu.memref_squeeze %dma_wait3A_406 : memref<1x125xi32, #tpu.memory_space<vmem>> -> memref<125xi32, #tpu.memory_space<vmem>>
      %dma_wait3A_408 = arith.constant 0 : i32
      %dma_wait3A_409 = arith.constant 0 : i32
      %dma_wait3A_410 = tpu.memref_slice %arg2[%dma_wait3A_408, %dma_wait3A_409] : memref<20000x128xf32, #tpu.memory_space<hbm>> -> memref<20000x128xf32, #tpu.memory_space<hbm>>
      tpu.wait_indirect_dma semaphore(%arg12 : memref<!tpu.dma_semaphore, #tpu.memory_space<semaphore_mem>>) src(%dma_wait3A_410 : memref<20000x128xf32, #tpu.memory_space<hbm>>) dst(%arg8 : memref<125x128xf32, #tpu.memory_space<vmem>>)
      %dma_start3A_411 = arith.constant 14 : i32
      %dma_start3A_412 = arith.constant 0 : i32
      %dma_start3A_413 = tpu.memref_slice %arg11[%dma_start3A_411, %dma_start3A_412] : memref<32x125xi32, #tpu.memory_space<vmem>> -> memref<1x125xi32, #tpu.memory_space<vmem>>
      %dma_start3A_414 = tpu.memref_squeeze %dma_start3A_413 : memref<1x125xi32, #tpu.memory_space<vmem>> -> memref<125xi32, #tpu.memory_space<vmem>>
      %dma_start3A_415 = arith.constant 0 : i32
      %dma_start3A_416 = arith.constant 0 : i32
      %dma_start3A_417 = tpu.memref_slice %arg7[%dma_start3A_415, %dma_start3A_416] : memref<10000x128xf32, #tpu.memory_space<vmem_shared>> -> memref<10000x128xf32, #tpu.memory_space<vmem_shared>>
      tpu.enqueue_indirect_dma source(%arg8 : memref<125x128xf32, #tpu.memory_space<vmem>>) target(%dma_start3A_417 : memref<10000x128xf32, #tpu.memory_space<vmem_shared>>) offsets(%dma_start3A_414 : memref<125xi32, #tpu.memory_space<vmem>>) semaphore(%arg14 : memref<!tpu.dma_semaphore, #tpu.memory_space<semaphore_mem>>) {add = true}
      %dma_wait3A_418 = arith.constant 13 : i32
      %dma_wait3A_419 = arith.constant 0 : i32
      %dma_wait3A_420 = tpu.memref_slice %arg11[%dma_wait3A_418, %dma_wait3A_419] : memref<32x125xi32, #tpu.memory_space<vmem>> -> memref<1x125xi32, #tpu.memory_space<vmem>>
      %dma_wait3A_421 = tpu.memref_squeeze %dma_wait3A_420 : memref<1x125xi32, #tpu.memory_space<vmem>> -> memref<125xi32, #tpu.memory_space<vmem>>
      %dma_wait3A_422 = arith.constant 0 : i32
      %dma_wait3A_423 = arith.constant 0 : i32
      %dma_wait3A_424 = tpu.memref_slice %arg7[%dma_wait3A_422, %dma_wait3A_423] : memref<10000x128xf32, #tpu.memory_space<vmem_shared>> -> memref<10000x128xf32, #tpu.memory_space<vmem_shared>>
      tpu.wait_indirect_dma semaphore(%arg15 : memref<!tpu.dma_semaphore, #tpu.memory_space<semaphore_mem>>) src(%arg9 : memref<125x128xf32, #tpu.memory_space<vmem>>) dst(%dma_wait3A_424 : memref<10000x128xf32, #tpu.memory_space<vmem_shared>>)
      %dma_start3A_425 = arith.constant 15 : i32
      %dma_start3A_426 = arith.constant 0 : i32
      %dma_start3A_427 = tpu.memref_slice %arg10[%dma_start3A_425, %dma_start3A_426] : memref<32x125xi32, #tpu.memory_space<vmem>> -> memref<1x125xi32, #tpu.memory_space<vmem>>
      %dma_start3A_428 = tpu.memref_squeeze %dma_start3A_427 : memref<1x125xi32, #tpu.memory_space<vmem>> -> memref<125xi32, #tpu.memory_space<vmem>>
      %dma_start3A_429 = arith.constant 0 : i32
      %dma_start3A_430 = arith.constant 0 : i32
      %dma_start3A_431 = tpu.memref_slice %arg2[%dma_start3A_429, %dma_start3A_430] : memref<20000x128xf32, #tpu.memory_space<hbm>> -> memref<20000x128xf32, #tpu.memory_space<hbm>>
      tpu.enqueue_indirect_dma source(%dma_start3A_431 : memref<20000x128xf32, #tpu.memory_space<hbm>>) target(%arg9 : memref<125x128xf32, #tpu.memory_space<vmem>>) offsets(%dma_start3A_428 : memref<125xi32, #tpu.memory_space<vmem>>) semaphore(%arg13 : memref<!tpu.dma_semaphore, #tpu.memory_space<semaphore_mem>>)
      %dma_wait3A_432 = arith.constant 15 : i32
      %dma_wait3A_433 = arith.constant 0 : i32
      %dma_wait3A_434 = tpu.memref_slice %arg10[%dma_wait3A_432, %dma_wait3A_433] : memref<32x125xi32, #tpu.memory_space<vmem>> -> memref<1x125xi32, #tpu.memory_space<vmem>>
      %dma_wait3A_435 = tpu.memref_squeeze %dma_wait3A_434 : memref<1x125xi32, #tpu.memory_space<vmem>> -> memref<125xi32, #tpu.memory_space<vmem>>
      %dma_wait3A_436 = arith.constant 0 : i32
      %dma_wait3A_437 = arith.constant 0 : i32
      %dma_wait3A_438 = tpu.memref_slice %arg2[%dma_wait3A_436, %dma_wait3A_437] : memref<20000x128xf32, #tpu.memory_space<hbm>> -> memref<20000x128xf32, #tpu.memory_space<hbm>>
      tpu.wait_indirect_dma semaphore(%arg13 : memref<!tpu.dma_semaphore, #tpu.memory_space<semaphore_mem>>) src(%dma_wait3A_438 : memref<20000x128xf32, #tpu.memory_space<hbm>>) dst(%arg9 : memref<125x128xf32, #tpu.memory_space<vmem>>)
      %dma_start3A_439 = arith.constant 15 : i32
      %dma_start3A_440 = arith.constant 0 : i32
      %dma_start3A_441 = tpu.memref_slice %arg11[%dma_start3A_439, %dma_start3A_440] : memref<32x125xi32, #tpu.memory_space<vmem>> -> memref<1x125xi32, #tpu.memory_space<vmem>>
      %dma_start3A_442 = tpu.memref_squeeze %dma_start3A_441 : memref<1x125xi32, #tpu.memory_space<vmem>> -> memref<125xi32, #tpu.memory_space<vmem>>
      %dma_start3A_443 = arith.constant 0 : i32
      %dma_start3A_444 = arith.constant 0 : i32
      %dma_start3A_445 = tpu.memref_slice %arg7[%dma_start3A_443, %dma_start3A_444] : memref<10000x128xf32, #tpu.memory_space<vmem_shared>> -> memref<10000x128xf32, #tpu.memory_space<vmem_shared>>
      tpu.enqueue_indirect_dma source(%arg9 : memref<125x128xf32, #tpu.memory_space<vmem>>) target(%dma_start3A_445 : memref<10000x128xf32, #tpu.memory_space<vmem_shared>>) offsets(%dma_start3A_442 : memref<125xi32, #tpu.memory_space<vmem>>) semaphore(%arg15 : memref<!tpu.dma_semaphore, #tpu.memory_space<semaphore_mem>>) {add = true}
      %dma_wait3A_446 = arith.constant 14 : i32
      %dma_wait3A_447 = arith.constant 0 : i32
      %dma_wait3A_448 = tpu.memref_slice %arg11[%dma_wait3A_446, %dma_wait3A_447] : memref<32x125xi32, #tpu.memory_space<vmem>> -> memref<1x125xi32, #tpu.memory_space<vmem>>
      %dma_wait3A_449 = tpu.memref_squeeze %dma_wait3A_448 : memref<1x125xi32, #tpu.memory_space<vmem>> -> memref<125xi32, #tpu.memory_space<vmem>>
      %dma_wait3A_450 = arith.constant 0 : i32
      %dma_wait3A_451 = arith.constant 0 : i32
      %dma_wait3A_452 = tpu.memref_slice %arg7[%dma_wait3A_450, %dma_wait3A_451] : memref<10000x128xf32, #tpu.memory_space<vmem_shared>> -> memref<10000x128xf32, #tpu.memory_space<vmem_shared>>
      tpu.wait_indirect_dma semaphore(%arg14 : memref<!tpu.dma_semaphore, #tpu.memory_space<semaphore_mem>>) src(%arg8 : memref<125x128xf32, #tpu.memory_space<vmem>>) dst(%dma_wait3A_452 : memref<10000x128xf32, #tpu.memory_space<vmem_shared>>)
      %dma_start3A_453 = arith.constant 16 : i32
      %dma_start3A_454 = arith.constant 0 : i32
      %dma_start3A_455 = tpu.memref_slice %arg10[%dma_start3A_453, %dma_start3A_454] : memref<32x125xi32, #tpu.memory_space<vmem>> -> memref<1x125xi32, #tpu.memory_space<vmem>>
      %dma_start3A_456 = tpu.memref_squeeze %dma_start3A_455 : memref<1x125xi32, #tpu.memory_space<vmem>> -> memref<125xi32, #tpu.memory_space<vmem>>
      %dma_start3A_457 = arith.constant 0 : i32
      %dma_start3A_458 = arith.constant 0 : i32
      %dma_start3A_459 = tpu.memref_slice %arg2[%dma_start3A_457, %dma_start3A_458] : memref<20000x128xf32, #tpu.memory_space<hbm>> -> memref<20000x128xf32, #tpu.memory_space<hbm>>
      tpu.enqueue_indirect_dma source(%dma_start3A_459 : memref<20000x128xf32, #tpu.memory_space<hbm>>) target(%arg8 : memref<125x128xf32, #tpu.memory_space<vmem>>) offsets(%dma_start3A_456 : memref<125xi32, #tpu.memory_space<vmem>>) semaphore(%arg12 : memref<!tpu.dma_semaphore, #tpu.memory_space<semaphore_mem>>)
      %dma_wait3A_460 = arith.constant 16 : i32
      %dma_wait3A_461 = arith.constant 0 : i32
      %dma_wait3A_462 = tpu.memref_slice %arg10[%dma_wait3A_460, %dma_wait3A_461] : memref<32x125xi32, #tpu.memory_space<vmem>> -> memref<1x125xi32, #tpu.memory_space<vmem>>
      %dma_wait3A_463 = tpu.memref_squeeze %dma_wait3A_462 : memref<1x125xi32, #tpu.memory_space<vmem>> -> memref<125xi32, #tpu.memory_space<vmem>>
      %dma_wait3A_464 = arith.constant 0 : i32
      %dma_wait3A_465 = arith.constant 0 : i32
      %dma_wait3A_466 = tpu.memref_slice %arg2[%dma_wait3A_464, %dma_wait3A_465] : memref<20000x128xf32, #tpu.memory_space<hbm>> -> memref<20000x128xf32, #tpu.memory_space<hbm>>
      tpu.wait_indirect_dma semaphore(%arg12 : memref<!tpu.dma_semaphore, #tpu.memory_space<semaphore_mem>>) src(%dma_wait3A_466 : memref<20000x128xf32, #tpu.memory_space<hbm>>) dst(%arg8 : memref<125x128xf32, #tpu.memory_space<vmem>>)
      %dma_start3A_467 = arith.constant 16 : i32
      %dma_start3A_468 = arith.constant 0 : i32
      %dma_start3A_469 = tpu.memref_slice %arg11[%dma_start3A_467, %dma_start3A_468] : memref<32x125xi32, #tpu.memory_space<vmem>> -> memref<1x125xi32, #tpu.memory_space<vmem>>
      %dma_start3A_470 = tpu.memref_squeeze %dma_start3A_469 : memref<1x125xi32, #tpu.memory_space<vmem>> -> memref<125xi32, #tpu.memory_space<vmem>>
      %dma_start3A_471 = arith.constant 0 : i32
      %dma_start3A_472 = arith.constant 0 : i32
      %dma_start3A_473 = tpu.memref_slice %arg7[%dma_start3A_471, %dma_start3A_472] : memref<10000x128xf32, #tpu.memory_space<vmem_shared>> -> memref<10000x128xf32, #tpu.memory_space<vmem_shared>>
      tpu.enqueue_indirect_dma source(%arg8 : memref<125x128xf32, #tpu.memory_space<vmem>>) target(%dma_start3A_473 : memref<10000x128xf32, #tpu.memory_space<vmem_shared>>) offsets(%dma_start3A_470 : memref<125xi32, #tpu.memory_space<vmem>>) semaphore(%arg14 : memref<!tpu.dma_semaphore, #tpu.memory_space<semaphore_mem>>) {add = true}
      %dma_wait3A_474 = arith.constant 15 : i32
      %dma_wait3A_475 = arith.constant 0 : i32
      %dma_wait3A_476 = tpu.memref_slice %arg11[%dma_wait3A_474, %dma_wait3A_475] : memref<32x125xi32, #tpu.memory_space<vmem>> -> memref<1x125xi32, #tpu.memory_space<vmem>>
      %dma_wait3A_477 = tpu.memref_squeeze %dma_wait3A_476 : memref<1x125xi32, #tpu.memory_space<vmem>> -> memref<125xi32, #tpu.memory_space<vmem>>
      %dma_wait3A_478 = arith.constant 0 : i32
      %dma_wait3A_479 = arith.constant 0 : i32
      %dma_wait3A_480 = tpu.memref_slice %arg7[%dma_wait3A_478, %dma_wait3A_479] : memref<10000x128xf32, #tpu.memory_space<vmem_shared>> -> memref<10000x128xf32, #tpu.memory_space<vmem_shared>>
      tpu.wait_indirect_dma semaphore(%arg15 : memref<!tpu.dma_semaphore, #tpu.memory_space<semaphore_mem>>) src(%arg9 : memref<125x128xf32, #tpu.memory_space<vmem>>) dst(%dma_wait3A_480 : memref<10000x128xf32, #tpu.memory_space<vmem_shared>>)
      %dma_start3A_481 = arith.constant 17 : i32
      %dma_start3A_482 = arith.constant 0 : i32
      %dma_start3A_483 = tpu.memref_slice %arg10[%dma_start3A_481, %dma_start3A_482] : memref<32x125xi32, #tpu.memory_space<vmem>> -> memref<1x125xi32, #tpu.memory_space<vmem>>
      %dma_start3A_484 = tpu.memref_squeeze %dma_start3A_483 : memref<1x125xi32, #tpu.memory_space<vmem>> -> memref<125xi32, #tpu.memory_space<vmem>>
      %dma_start3A_485 = arith.constant 0 : i32
      %dma_start3A_486 = arith.constant 0 : i32
      %dma_start3A_487 = tpu.memref_slice %arg2[%dma_start3A_485, %dma_start3A_486] : memref<20000x128xf32, #tpu.memory_space<hbm>> -> memref<20000x128xf32, #tpu.memory_space<hbm>>
      tpu.enqueue_indirect_dma source(%dma_start3A_487 : memref<20000x128xf32, #tpu.memory_space<hbm>>) target(%arg9 : memref<125x128xf32, #tpu.memory_space<vmem>>) offsets(%dma_start3A_484 : memref<125xi32, #tpu.memory_space<vmem>>) semaphore(%arg13 : memref<!tpu.dma_semaphore, #tpu.memory_space<semaphore_mem>>)
      %dma_wait3A_488 = arith.constant 17 : i32
      %dma_wait3A_489 = arith.constant 0 : i32
      %dma_wait3A_490 = tpu.memref_slice %arg10[%dma_wait3A_488, %dma_wait3A_489] : memref<32x125xi32, #tpu.memory_space<vmem>> -> memref<1x125xi32, #tpu.memory_space<vmem>>
      %dma_wait3A_491 = tpu.memref_squeeze %dma_wait3A_490 : memref<1x125xi32, #tpu.memory_space<vmem>> -> memref<125xi32, #tpu.memory_space<vmem>>
      %dma_wait3A_492 = arith.constant 0 : i32
      %dma_wait3A_493 = arith.constant 0 : i32
      %dma_wait3A_494 = tpu.memref_slice %arg2[%dma_wait3A_492, %dma_wait3A_493] : memref<20000x128xf32, #tpu.memory_space<hbm>> -> memref<20000x128xf32, #tpu.memory_space<hbm>>
      tpu.wait_indirect_dma semaphore(%arg13 : memref<!tpu.dma_semaphore, #tpu.memory_space<semaphore_mem>>) src(%dma_wait3A_494 : memref<20000x128xf32, #tpu.memory_space<hbm>>) dst(%arg9 : memref<125x128xf32, #tpu.memory_space<vmem>>)
      %dma_start3A_495 = arith.constant 17 : i32
      %dma_start3A_496 = arith.constant 0 : i32
      %dma_start3A_497 = tpu.memref_slice %arg11[%dma_start3A_495, %dma_start3A_496] : memref<32x125xi32, #tpu.memory_space<vmem>> -> memref<1x125xi32, #tpu.memory_space<vmem>>
      %dma_start3A_498 = tpu.memref_squeeze %dma_start3A_497 : memref<1x125xi32, #tpu.memory_space<vmem>> -> memref<125xi32, #tpu.memory_space<vmem>>
      %dma_start3A_499 = arith.constant 0 : i32
      %dma_start3A_500 = arith.constant 0 : i32
      %dma_start3A_501 = tpu.memref_slice %arg7[%dma_start3A_499, %dma_start3A_500] : memref<10000x128xf32, #tpu.memory_space<vmem_shared>> -> memref<10000x128xf32, #tpu.memory_space<vmem_shared>>
      tpu.enqueue_indirect_dma source(%arg9 : memref<125x128xf32, #tpu.memory_space<vmem>>) target(%dma_start3A_501 : memref<10000x128xf32, #tpu.memory_space<vmem_shared>>) offsets(%dma_start3A_498 : memref<125xi32, #tpu.memory_space<vmem>>) semaphore(%arg15 : memref<!tpu.dma_semaphore, #tpu.memory_space<semaphore_mem>>) {add = true}
      %dma_wait3A_502 = arith.constant 16 : i32
      %dma_wait3A_503 = arith.constant 0 : i32
      %dma_wait3A_504 = tpu.memref_slice %arg11[%dma_wait3A_502, %dma_wait3A_503] : memref<32x125xi32, #tpu.memory_space<vmem>> -> memref<1x125xi32, #tpu.memory_space<vmem>>
      %dma_wait3A_505 = tpu.memref_squeeze %dma_wait3A_504 : memref<1x125xi32, #tpu.memory_space<vmem>> -> memref<125xi32, #tpu.memory_space<vmem>>
      %dma_wait3A_506 = arith.constant 0 : i32
      %dma_wait3A_507 = arith.constant 0 : i32
      %dma_wait3A_508 = tpu.memref_slice %arg7[%dma_wait3A_506, %dma_wait3A_507] : memref<10000x128xf32, #tpu.memory_space<vmem_shared>> -> memref<10000x128xf32, #tpu.memory_space<vmem_shared>>
      tpu.wait_indirect_dma semaphore(%arg14 : memref<!tpu.dma_semaphore, #tpu.memory_space<semaphore_mem>>) src(%arg8 : memref<125x128xf32, #tpu.memory_space<vmem>>) dst(%dma_wait3A_508 : memref<10000x128xf32, #tpu.memory_space<vmem_shared>>)
      %dma_start3A_509 = arith.constant 18 : i32
      %dma_start3A_510 = arith.constant 0 : i32
      %dma_start3A_511 = tpu.memref_slice %arg10[%dma_start3A_509, %dma_start3A_510] : memref<32x125xi32, #tpu.memory_space<vmem>> -> memref<1x125xi32, #tpu.memory_space<vmem>>
      %dma_start3A_512 = tpu.memref_squeeze %dma_start3A_511 : memref<1x125xi32, #tpu.memory_space<vmem>> -> memref<125xi32, #tpu.memory_space<vmem>>
      %dma_start3A_513 = arith.constant 0 : i32
      %dma_start3A_514 = arith.constant 0 : i32
      %dma_start3A_515 = tpu.memref_slice %arg2[%dma_start3A_513, %dma_start3A_514] : memref<20000x128xf32, #tpu.memory_space<hbm>> -> memref<20000x128xf32, #tpu.memory_space<hbm>>
      tpu.enqueue_indirect_dma source(%dma_start3A_515 : memref<20000x128xf32, #tpu.memory_space<hbm>>) target(%arg8 : memref<125x128xf32, #tpu.memory_space<vmem>>) offsets(%dma_start3A_512 : memref<125xi32, #tpu.memory_space<vmem>>) semaphore(%arg12 : memref<!tpu.dma_semaphore, #tpu.memory_space<semaphore_mem>>)
      %dma_wait3A_516 = arith.constant 18 : i32
      %dma_wait3A_517 = arith.constant 0 : i32
      %dma_wait3A_518 = tpu.memref_slice %arg10[%dma_wait3A_516, %dma_wait3A_517] : memref<32x125xi32, #tpu.memory_space<vmem>> -> memref<1x125xi32, #tpu.memory_space<vmem>>
      %dma_wait3A_519 = tpu.memref_squeeze %dma_wait3A_518 : memref<1x125xi32, #tpu.memory_space<vmem>> -> memref<125xi32, #tpu.memory_space<vmem>>
      %dma_wait3A_520 = arith.constant 0 : i32
      %dma_wait3A_521 = arith.constant 0 : i32
      %dma_wait3A_522 = tpu.memref_slice %arg2[%dma_wait3A_520, %dma_wait3A_521] : memref<20000x128xf32, #tpu.memory_space<hbm>> -> memref<20000x128xf32, #tpu.memory_space<hbm>>
      tpu.wait_indirect_dma semaphore(%arg12 : memref<!tpu.dma_semaphore, #tpu.memory_space<semaphore_mem>>) src(%dma_wait3A_522 : memref<20000x128xf32, #tpu.memory_space<hbm>>) dst(%arg8 : memref<125x128xf32, #tpu.memory_space<vmem>>)
      %dma_start3A_523 = arith.constant 18 : i32
      %dma_start3A_524 = arith.constant 0 : i32
      %dma_start3A_525 = tpu.memref_slice %arg11[%dma_start3A_523, %dma_start3A_524] : memref<32x125xi32, #tpu.memory_space<vmem>> -> memref<1x125xi32, #tpu.memory_space<vmem>>
      %dma_start3A_526 = tpu.memref_squeeze %dma_start3A_525 : memref<1x125xi32, #tpu.memory_space<vmem>> -> memref<125xi32, #tpu.memory_space<vmem>>
      %dma_start3A_527 = arith.constant 0 : i32
      %dma_start3A_528 = arith.constant 0 : i32
      %dma_start3A_529 = tpu.memref_slice %arg7[%dma_start3A_527, %dma_start3A_528] : memref<10000x128xf32, #tpu.memory_space<vmem_shared>> -> memref<10000x128xf32, #tpu.memory_space<vmem_shared>>
      tpu.enqueue_indirect_dma source(%arg8 : memref<125x128xf32, #tpu.memory_space<vmem>>) target(%dma_start3A_529 : memref<10000x128xf32, #tpu.memory_space<vmem_shared>>) offsets(%dma_start3A_526 : memref<125xi32, #tpu.memory_space<vmem>>) semaphore(%arg14 : memref<!tpu.dma_semaphore, #tpu.memory_space<semaphore_mem>>) {add = true}
      %dma_wait3A_530 = arith.constant 17 : i32
      %dma_wait3A_531 = arith.constant 0 : i32
      %dma_wait3A_532 = tpu.memref_slice %arg11[%dma_wait3A_530, %dma_wait3A_531] : memref<32x125xi32, #tpu.memory_space<vmem>> -> memref<1x125xi32, #tpu.memory_space<vmem>>
      %dma_wait3A_533 = tpu.memref_squeeze %dma_wait3A_532 : memref<1x125xi32, #tpu.memory_space<vmem>> -> memref<125xi32, #tpu.memory_space<vmem>>
      %dma_wait3A_534 = arith.constant 0 : i32
      %dma_wait3A_535 = arith.constant 0 : i32
      %dma_wait3A_536 = tpu.memref_slice %arg7[%dma_wait3A_534, %dma_wait3A_535] : memref<10000x128xf32, #tpu.memory_space<vmem_shared>> -> memref<10000x128xf32, #tpu.memory_space<vmem_shared>>
      tpu.wait_indirect_dma semaphore(%arg15 : memref<!tpu.dma_semaphore, #tpu.memory_space<semaphore_mem>>) src(%arg9 : memref<125x128xf32, #tpu.memory_space<vmem>>) dst(%dma_wait3A_536 : memref<10000x128xf32, #tpu.memory_space<vmem_shared>>)
      %dma_start3A_537 = arith.constant 19 : i32
      %dma_start3A_538 = arith.constant 0 : i32
      %dma_start3A_539 = tpu.memref_slice %arg10[%dma_start3A_537, %dma_start3A_538] : memref<32x125xi32, #tpu.memory_space<vmem>> -> memref<1x125xi32, #tpu.memory_space<vmem>>
      %dma_start3A_540 = tpu.memref_squeeze %dma_start3A_539 : memref<1x125xi32, #tpu.memory_space<vmem>> -> memref<125xi32, #tpu.memory_space<vmem>>
      %dma_start3A_541 = arith.constant 0 : i32
      %dma_start3A_542 = arith.constant 0 : i32
      %dma_start3A_543 = tpu.memref_slice %arg2[%dma_start3A_541, %dma_start3A_542] : memref<20000x128xf32, #tpu.memory_space<hbm>> -> memref<20000x128xf32, #tpu.memory_space<hbm>>
      tpu.enqueue_indirect_dma source(%dma_start3A_543 : memref<20000x128xf32, #tpu.memory_space<hbm>>) target(%arg9 : memref<125x128xf32, #tpu.memory_space<vmem>>) offsets(%dma_start3A_540 : memref<125xi32, #tpu.memory_space<vmem>>) semaphore(%arg13 : memref<!tpu.dma_semaphore, #tpu.memory_space<semaphore_mem>>)
      %dma_wait3A_544 = arith.constant 19 : i32
      %dma_wait3A_545 = arith.constant 0 : i32
      %dma_wait3A_546 = tpu.memref_slice %arg10[%dma_wait3A_544, %dma_wait3A_545] : memref<32x125xi32, #tpu.memory_space<vmem>> -> memref<1x125xi32, #tpu.memory_space<vmem>>
      %dma_wait3A_547 = tpu.memref_squeeze %dma_wait3A_546 : memref<1x125xi32, #tpu.memory_space<vmem>> -> memref<125xi32, #tpu.memory_space<vmem>>
      %dma_wait3A_548 = arith.constant 0 : i32
      %dma_wait3A_549 = arith.constant 0 : i32
      %dma_wait3A_550 = tpu.memref_slice %arg2[%dma_wait3A_548, %dma_wait3A_549] : memref<20000x128xf32, #tpu.memory_space<hbm>> -> memref<20000x128xf32, #tpu.memory_space<hbm>>
      tpu.wait_indirect_dma semaphore(%arg13 : memref<!tpu.dma_semaphore, #tpu.memory_space<semaphore_mem>>) src(%dma_wait3A_550 : memref<20000x128xf32, #tpu.memory_space<hbm>>) dst(%arg9 : memref<125x128xf32, #tpu.memory_space<vmem>>)
      %dma_start3A_551 = arith.constant 19 : i32
      %dma_start3A_552 = arith.constant 0 : i32
      %dma_start3A_553 = tpu.memref_slice %arg11[%dma_start3A_551, %dma_start3A_552] : memref<32x125xi32, #tpu.memory_space<vmem>> -> memref<1x125xi32, #tpu.memory_space<vmem>>
      %dma_start3A_554 = tpu.memref_squeeze %dma_start3A_553 : memref<1x125xi32, #tpu.memory_space<vmem>> -> memref<125xi32, #tpu.memory_space<vmem>>
      %dma_start3A_555 = arith.constant 0 : i32
      %dma_start3A_556 = arith.constant 0 : i32
      %dma_start3A_557 = tpu.memref_slice %arg7[%dma_start3A_555, %dma_start3A_556] : memref<10000x128xf32, #tpu.memory_space<vmem_shared>> -> memref<10000x128xf32, #tpu.memory_space<vmem_shared>>
      tpu.enqueue_indirect_dma source(%arg9 : memref<125x128xf32, #tpu.memory_space<vmem>>) target(%dma_start3A_557 : memref<10000x128xf32, #tpu.memory_space<vmem_shared>>) offsets(%dma_start3A_554 : memref<125xi32, #tpu.memory_space<vmem>>) semaphore(%arg15 : memref<!tpu.dma_semaphore, #tpu.memory_space<semaphore_mem>>) {add = true}
      %dma_wait3A_558 = arith.constant 18 : i32
      %dma_wait3A_559 = arith.constant 0 : i32
      %dma_wait3A_560 = tpu.memref_slice %arg11[%dma_wait3A_558, %dma_wait3A_559] : memref<32x125xi32, #tpu.memory_space<vmem>> -> memref<1x125xi32, #tpu.memory_space<vmem>>
      %dma_wait3A_561 = tpu.memref_squeeze %dma_wait3A_560 : memref<1x125xi32, #tpu.memory_space<vmem>> -> memref<125xi32, #tpu.memory_space<vmem>>
      %dma_wait3A_562 = arith.constant 0 : i32
      %dma_wait3A_563 = arith.constant 0 : i32
      %dma_wait3A_564 = tpu.memref_slice %arg7[%dma_wait3A_562, %dma_wait3A_563] : memref<10000x128xf32, #tpu.memory_space<vmem_shared>> -> memref<10000x128xf32, #tpu.memory_space<vmem_shared>>
      tpu.wait_indirect_dma semaphore(%arg14 : memref<!tpu.dma_semaphore, #tpu.memory_space<semaphore_mem>>) src(%arg8 : memref<125x128xf32, #tpu.memory_space<vmem>>) dst(%dma_wait3A_564 : memref<10000x128xf32, #tpu.memory_space<vmem_shared>>)
      %dma_start3A_565 = arith.constant 20 : i32
      %dma_start3A_566 = arith.constant 0 : i32
      %dma_start3A_567 = tpu.memref_slice %arg10[%dma_start3A_565, %dma_start3A_566] : memref<32x125xi32, #tpu.memory_space<vmem>> -> memref<1x125xi32, #tpu.memory_space<vmem>>
      %dma_start3A_568 = tpu.memref_squeeze %dma_start3A_567 : memref<1x125xi32, #tpu.memory_space<vmem>> -> memref<125xi32, #tpu.memory_space<vmem>>
      %dma_start3A_569 = arith.constant 0 : i32
      %dma_start3A_570 = arith.constant 0 : i32
      %dma_start3A_571 = tpu.memref_slice %arg2[%dma_start3A_569, %dma_start3A_570] : memref<20000x128xf32, #tpu.memory_space<hbm>> -> memref<20000x128xf32, #tpu.memory_space<hbm>>
      tpu.enqueue_indirect_dma source(%dma_start3A_571 : memref<20000x128xf32, #tpu.memory_space<hbm>>) target(%arg8 : memref<125x128xf32, #tpu.memory_space<vmem>>) offsets(%dma_start3A_568 : memref<125xi32, #tpu.memory_space<vmem>>) semaphore(%arg12 : memref<!tpu.dma_semaphore, #tpu.memory_space<semaphore_mem>>)
      %dma_wait3A_572 = arith.constant 20 : i32
      %dma_wait3A_573 = arith.constant 0 : i32
      %dma_wait3A_574 = tpu.memref_slice %arg10[%dma_wait3A_572, %dma_wait3A_573] : memref<32x125xi32, #tpu.memory_space<vmem>> -> memref<1x125xi32, #tpu.memory_space<vmem>>
      %dma_wait3A_575 = tpu.memref_squeeze %dma_wait3A_574 : memref<1x125xi32, #tpu.memory_space<vmem>> -> memref<125xi32, #tpu.memory_space<vmem>>
      %dma_wait3A_576 = arith.constant 0 : i32
      %dma_wait3A_577 = arith.constant 0 : i32
      %dma_wait3A_578 = tpu.memref_slice %arg2[%dma_wait3A_576, %dma_wait3A_577] : memref<20000x128xf32, #tpu.memory_space<hbm>> -> memref<20000x128xf32, #tpu.memory_space<hbm>>
      tpu.wait_indirect_dma semaphore(%arg12 : memref<!tpu.dma_semaphore, #tpu.memory_space<semaphore_mem>>) src(%dma_wait3A_578 : memref<20000x128xf32, #tpu.memory_space<hbm>>) dst(%arg8 : memref<125x128xf32, #tpu.memory_space<vmem>>)
      %dma_start3A_579 = arith.constant 20 : i32
      %dma_start3A_580 = arith.constant 0 : i32
      %dma_start3A_581 = tpu.memref_slice %arg11[%dma_start3A_579, %dma_start3A_580] : memref<32x125xi32, #tpu.memory_space<vmem>> -> memref<1x125xi32, #tpu.memory_space<vmem>>
      %dma_start3A_582 = tpu.memref_squeeze %dma_start3A_581 : memref<1x125xi32, #tpu.memory_space<vmem>> -> memref<125xi32, #tpu.memory_space<vmem>>
      %dma_start3A_583 = arith.constant 0 : i32
      %dma_start3A_584 = arith.constant 0 : i32
      %dma_start3A_585 = tpu.memref_slice %arg7[%dma_start3A_583, %dma_start3A_584] : memref<10000x128xf32, #tpu.memory_space<vmem_shared>> -> memref<10000x128xf32, #tpu.memory_space<vmem_shared>>
      tpu.enqueue_indirect_dma source(%arg8 : memref<125x128xf32, #tpu.memory_space<vmem>>) target(%dma_start3A_585 : memref<10000x128xf32, #tpu.memory_space<vmem_shared>>) offsets(%dma_start3A_582 : memref<125xi32, #tpu.memory_space<vmem>>) semaphore(%arg14 : memref<!tpu.dma_semaphore, #tpu.memory_space<semaphore_mem>>) {add = true}
      %dma_wait3A_586 = arith.constant 19 : i32
      %dma_wait3A_587 = arith.constant 0 : i32
      %dma_wait3A_588 = tpu.memref_slice %arg11[%dma_wait3A_586, %dma_wait3A_587] : memref<32x125xi32, #tpu.memory_space<vmem>> -> memref<1x125xi32, #tpu.memory_space<vmem>>
      %dma_wait3A_589 = tpu.memref_squeeze %dma_wait3A_588 : memref<1x125xi32, #tpu.memory_space<vmem>> -> memref<125xi32, #tpu.memory_space<vmem>>
      %dma_wait3A_590 = arith.constant 0 : i32
      %dma_wait3A_591 = arith.constant 0 : i32
      %dma_wait3A_592 = tpu.memref_slice %arg7[%dma_wait3A_590, %dma_wait3A_591] : memref<10000x128xf32, #tpu.memory_space<vmem_shared>> -> memref<10000x128xf32, #tpu.memory_space<vmem_shared>>
      tpu.wait_indirect_dma semaphore(%arg15 : memref<!tpu.dma_semaphore, #tpu.memory_space<semaphore_mem>>) src(%arg9 : memref<125x128xf32, #tpu.memory_space<vmem>>) dst(%dma_wait3A_592 : memref<10000x128xf32, #tpu.memory_space<vmem_shared>>)
      %dma_start3A_593 = arith.constant 21 : i32
      %dma_start3A_594 = arith.constant 0 : i32
      %dma_start3A_595 = tpu.memref_slice %arg10[%dma_start3A_593, %dma_start3A_594] : memref<32x125xi32, #tpu.memory_space<vmem>> -> memref<1x125xi32, #tpu.memory_space<vmem>>
      %dma_start3A_596 = tpu.memref_squeeze %dma_start3A_595 : memref<1x125xi32, #tpu.memory_space<vmem>> -> memref<125xi32, #tpu.memory_space<vmem>>
      %dma_start3A_597 = arith.constant 0 : i32
      %dma_start3A_598 = arith.constant 0 : i32
      %dma_start3A_599 = tpu.memref_slice %arg2[%dma_start3A_597, %dma_start3A_598] : memref<20000x128xf32, #tpu.memory_space<hbm>> -> memref<20000x128xf32, #tpu.memory_space<hbm>>
      tpu.enqueue_indirect_dma source(%dma_start3A_599 : memref<20000x128xf32, #tpu.memory_space<hbm>>) target(%arg9 : memref<125x128xf32, #tpu.memory_space<vmem>>) offsets(%dma_start3A_596 : memref<125xi32, #tpu.memory_space<vmem>>) semaphore(%arg13 : memref<!tpu.dma_semaphore, #tpu.memory_space<semaphore_mem>>)
      %dma_wait3A_600 = arith.constant 21 : i32
      %dma_wait3A_601 = arith.constant 0 : i32
      %dma_wait3A_602 = tpu.memref_slice %arg10[%dma_wait3A_600, %dma_wait3A_601] : memref<32x125xi32, #tpu.memory_space<vmem>> -> memref<1x125xi32, #tpu.memory_space<vmem>>
      %dma_wait3A_603 = tpu.memref_squeeze %dma_wait3A_602 : memref<1x125xi32, #tpu.memory_space<vmem>> -> memref<125xi32, #tpu.memory_space<vmem>>
      %dma_wait3A_604 = arith.constant 0 : i32
      %dma_wait3A_605 = arith.constant 0 : i32
      %dma_wait3A_606 = tpu.memref_slice %arg2[%dma_wait3A_604, %dma_wait3A_605] : memref<20000x128xf32, #tpu.memory_space<hbm>> -> memref<20000x128xf32, #tpu.memory_space<hbm>>
      tpu.wait_indirect_dma semaphore(%arg13 : memref<!tpu.dma_semaphore, #tpu.memory_space<semaphore_mem>>) src(%dma_wait3A_606 : memref<20000x128xf32, #tpu.memory_space<hbm>>) dst(%arg9 : memref<125x128xf32, #tpu.memory_space<vmem>>)
      %dma_start3A_607 = arith.constant 21 : i32
      %dma_start3A_608 = arith.constant 0 : i32
      %dma_start3A_609 = tpu.memref_slice %arg11[%dma_start3A_607, %dma_start3A_608] : memref<32x125xi32, #tpu.memory_space<vmem>> -> memref<1x125xi32, #tpu.memory_space<vmem>>
      %dma_start3A_610 = tpu.memref_squeeze %dma_start3A_609 : memref<1x125xi32, #tpu.memory_space<vmem>> -> memref<125xi32, #tpu.memory_space<vmem>>
      %dma_start3A_611 = arith.constant 0 : i32
      %dma_start3A_612 = arith.constant 0 : i32
      %dma_start3A_613 = tpu.memref_slice %arg7[%dma_start3A_611, %dma_start3A_612] : memref<10000x128xf32, #tpu.memory_space<vmem_shared>> -> memref<10000x128xf32, #tpu.memory_space<vmem_shared>>
      tpu.enqueue_indirect_dma source(%arg9 : memref<125x128xf32, #tpu.memory_space<vmem>>) target(%dma_start3A_613 : memref<10000x128xf32, #tpu.memory_space<vmem_shared>>) offsets(%dma_start3A_610 : memref<125xi32, #tpu.memory_space<vmem>>) semaphore(%arg15 : memref<!tpu.dma_semaphore, #tpu.memory_space<semaphore_mem>>) {add = true}
      %dma_wait3A_614 = arith.constant 20 : i32
      %dma_wait3A_615 = arith.constant 0 : i32
      %dma_wait3A_616 = tpu.memref_slice %arg11[%dma_wait3A_614, %dma_wait3A_615] : memref<32x125xi32, #tpu.memory_space<vmem>> -> memref<1x125xi32, #tpu.memory_space<vmem>>
      %dma_wait3A_617 = tpu.memref_squeeze %dma_wait3A_616 : memref<1x125xi32, #tpu.memory_space<vmem>> -> memref<125xi32, #tpu.memory_space<vmem>>
      %dma_wait3A_618 = arith.constant 0 : i32
      %dma_wait3A_619 = arith.constant 0 : i32
      %dma_wait3A_620 = tpu.memref_slice %arg7[%dma_wait3A_618, %dma_wait3A_619] : memref<10000x128xf32, #tpu.memory_space<vmem_shared>> -> memref<10000x128xf32, #tpu.memory_space<vmem_shared>>
      tpu.wait_indirect_dma semaphore(%arg14 : memref<!tpu.dma_semaphore, #tpu.memory_space<semaphore_mem>>) src(%arg8 : memref<125x128xf32, #tpu.memory_space<vmem>>) dst(%dma_wait3A_620 : memref<10000x128xf32, #tpu.memory_space<vmem_shared>>)
      %dma_start3A_621 = arith.constant 22 : i32
      %dma_start3A_622 = arith.constant 0 : i32
      %dma_start3A_623 = tpu.memref_slice %arg10[%dma_start3A_621, %dma_start3A_622] : memref<32x125xi32, #tpu.memory_space<vmem>> -> memref<1x125xi32, #tpu.memory_space<vmem>>
      %dma_start3A_624 = tpu.memref_squeeze %dma_start3A_623 : memref<1x125xi32, #tpu.memory_space<vmem>> -> memref<125xi32, #tpu.memory_space<vmem>>
      %dma_start3A_625 = arith.constant 0 : i32
      %dma_start3A_626 = arith.constant 0 : i32
      %dma_start3A_627 = tpu.memref_slice %arg2[%dma_start3A_625, %dma_start3A_626] : memref<20000x128xf32, #tpu.memory_space<hbm>> -> memref<20000x128xf32, #tpu.memory_space<hbm>>
      tpu.enqueue_indirect_dma source(%dma_start3A_627 : memref<20000x128xf32, #tpu.memory_space<hbm>>) target(%arg8 : memref<125x128xf32, #tpu.memory_space<vmem>>) offsets(%dma_start3A_624 : memref<125xi32, #tpu.memory_space<vmem>>) semaphore(%arg12 : memref<!tpu.dma_semaphore, #tpu.memory_space<semaphore_mem>>)
      %dma_wait3A_628 = arith.constant 22 : i32
      %dma_wait3A_629 = arith.constant 0 : i32
      %dma_wait3A_630 = tpu.memref_slice %arg10[%dma_wait3A_628, %dma_wait3A_629] : memref<32x125xi32, #tpu.memory_space<vmem>> -> memref<1x125xi32, #tpu.memory_space<vmem>>
      %dma_wait3A_631 = tpu.memref_squeeze %dma_wait3A_630 : memref<1x125xi32, #tpu.memory_space<vmem>> -> memref<125xi32, #tpu.memory_space<vmem>>
      %dma_wait3A_632 = arith.constant 0 : i32
      %dma_wait3A_633 = arith.constant 0 : i32
      %dma_wait3A_634 = tpu.memref_slice %arg2[%dma_wait3A_632, %dma_wait3A_633] : memref<20000x128xf32, #tpu.memory_space<hbm>> -> memref<20000x128xf32, #tpu.memory_space<hbm>>
      tpu.wait_indirect_dma semaphore(%arg12 : memref<!tpu.dma_semaphore, #tpu.memory_space<semaphore_mem>>) src(%dma_wait3A_634 : memref<20000x128xf32, #tpu.memory_space<hbm>>) dst(%arg8 : memref<125x128xf32, #tpu.memory_space<vmem>>)
      %dma_start3A_635 = arith.constant 22 : i32
      %dma_start3A_636 = arith.constant 0 : i32
      %dma_start3A_637 = tpu.memref_slice %arg11[%dma_start3A_635, %dma_start3A_636] : memref<32x125xi32, #tpu.memory_space<vmem>> -> memref<1x125xi32, #tpu.memory_space<vmem>>
      %dma_start3A_638 = tpu.memref_squeeze %dma_start3A_637 : memref<1x125xi32, #tpu.memory_space<vmem>> -> memref<125xi32, #tpu.memory_space<vmem>>
      %dma_start3A_639 = arith.constant 0 : i32
      %dma_start3A_640 = arith.constant 0 : i32
      %dma_start3A_641 = tpu.memref_slice %arg7[%dma_start3A_639, %dma_start3A_640] : memref<10000x128xf32, #tpu.memory_space<vmem_shared>> -> memref<10000x128xf32, #tpu.memory_space<vmem_shared>>
      tpu.enqueue_indirect_dma source(%arg8 : memref<125x128xf32, #tpu.memory_space<vmem>>) target(%dma_start3A_641 : memref<10000x128xf32, #tpu.memory_space<vmem_shared>>) offsets(%dma_start3A_638 : memref<125xi32, #tpu.memory_space<vmem>>) semaphore(%arg14 : memref<!tpu.dma_semaphore, #tpu.memory_space<semaphore_mem>>) {add = true}
      %dma_wait3A_642 = arith.constant 21 : i32
      %dma_wait3A_643 = arith.constant 0 : i32
      %dma_wait3A_644 = tpu.memref_slice %arg11[%dma_wait3A_642, %dma_wait3A_643] : memref<32x125xi32, #tpu.memory_space<vmem>> -> memref<1x125xi32, #tpu.memory_space<vmem>>
      %dma_wait3A_645 = tpu.memref_squeeze %dma_wait3A_644 : memref<1x125xi32, #tpu.memory_space<vmem>> -> memref<125xi32, #tpu.memory_space<vmem>>
      %dma_wait3A_646 = arith.constant 0 : i32
      %dma_wait3A_647 = arith.constant 0 : i32
      %dma_wait3A_648 = tpu.memref_slice %arg7[%dma_wait3A_646, %dma_wait3A_647] : memref<10000x128xf32, #tpu.memory_space<vmem_shared>> -> memref<10000x128xf32, #tpu.memory_space<vmem_shared>>
      tpu.wait_indirect_dma semaphore(%arg15 : memref<!tpu.dma_semaphore, #tpu.memory_space<semaphore_mem>>) src(%arg9 : memref<125x128xf32, #tpu.memory_space<vmem>>) dst(%dma_wait3A_648 : memref<10000x128xf32, #tpu.memory_space<vmem_shared>>)
      %dma_start3A_649 = arith.constant 23 : i32
      %dma_start3A_650 = arith.constant 0 : i32
      %dma_start3A_651 = tpu.memref_slice %arg10[%dma_start3A_649, %dma_start3A_650] : memref<32x125xi32, #tpu.memory_space<vmem>> -> memref<1x125xi32, #tpu.memory_space<vmem>>
      %dma_start3A_652 = tpu.memref_squeeze %dma_start3A_651 : memref<1x125xi32, #tpu.memory_space<vmem>> -> memref<125xi32, #tpu.memory_space<vmem>>
      %dma_start3A_653 = arith.constant 0 : i32
      %dma_start3A_654 = arith.constant 0 : i32
      %dma_start3A_655 = tpu.memref_slice %arg2[%dma_start3A_653, %dma_start3A_654] : memref<20000x128xf32, #tpu.memory_space<hbm>> -> memref<20000x128xf32, #tpu.memory_space<hbm>>
      tpu.enqueue_indirect_dma source(%dma_start3A_655 : memref<20000x128xf32, #tpu.memory_space<hbm>>) target(%arg9 : memref<125x128xf32, #tpu.memory_space<vmem>>) offsets(%dma_start3A_652 : memref<125xi32, #tpu.memory_space<vmem>>) semaphore(%arg13 : memref<!tpu.dma_semaphore, #tpu.memory_space<semaphore_mem>>)
      %dma_wait3A_656 = arith.constant 23 : i32
      %dma_wait3A_657 = arith.constant 0 : i32
      %dma_wait3A_658 = tpu.memref_slice %arg10[%dma_wait3A_656, %dma_wait3A_657] : memref<32x125xi32, #tpu.memory_space<vmem>> -> memref<1x125xi32, #tpu.memory_space<vmem>>
      %dma_wait3A_659 = tpu.memref_squeeze %dma_wait3A_658 : memref<1x125xi32, #tpu.memory_space<vmem>> -> memref<125xi32, #tpu.memory_space<vmem>>
      %dma_wait3A_660 = arith.constant 0 : i32
      %dma_wait3A_661 = arith.constant 0 : i32
      %dma_wait3A_662 = tpu.memref_slice %arg2[%dma_wait3A_660, %dma_wait3A_661] : memref<20000x128xf32, #tpu.memory_space<hbm>> -> memref<20000x128xf32, #tpu.memory_space<hbm>>
      tpu.wait_indirect_dma semaphore(%arg13 : memref<!tpu.dma_semaphore, #tpu.memory_space<semaphore_mem>>) src(%dma_wait3A_662 : memref<20000x128xf32, #tpu.memory_space<hbm>>) dst(%arg9 : memref<125x128xf32, #tpu.memory_space<vmem>>)
      %dma_start3A_663 = arith.constant 23 : i32
      %dma_start3A_664 = arith.constant 0 : i32
      %dma_start3A_665 = tpu.memref_slice %arg11[%dma_start3A_663, %dma_start3A_664] : memref<32x125xi32, #tpu.memory_space<vmem>> -> memref<1x125xi32, #tpu.memory_space<vmem>>
      %dma_start3A_666 = tpu.memref_squeeze %dma_start3A_665 : memref<1x125xi32, #tpu.memory_space<vmem>> -> memref<125xi32, #tpu.memory_space<vmem>>
      %dma_start3A_667 = arith.constant 0 : i32
      %dma_start3A_668 = arith.constant 0 : i32
      %dma_start3A_669 = tpu.memref_slice %arg7[%dma_start3A_667, %dma_start3A_668] : memref<10000x128xf32, #tpu.memory_space<vmem_shared>> -> memref<10000x128xf32, #tpu.memory_space<vmem_shared>>
      tpu.enqueue_indirect_dma source(%arg9 : memref<125x128xf32, #tpu.memory_space<vmem>>) target(%dma_start3A_669 : memref<10000x128xf32, #tpu.memory_space<vmem_shared>>) offsets(%dma_start3A_666 : memref<125xi32, #tpu.memory_space<vmem>>) semaphore(%arg15 : memref<!tpu.dma_semaphore, #tpu.memory_space<semaphore_mem>>) {add = true}
      %dma_wait3A_670 = arith.constant 22 : i32
      %dma_wait3A_671 = arith.constant 0 : i32
      %dma_wait3A_672 = tpu.memref_slice %arg11[%dma_wait3A_670, %dma_wait3A_671] : memref<32x125xi32, #tpu.memory_space<vmem>> -> memref<1x125xi32, #tpu.memory_space<vmem>>
      %dma_wait3A_673 = tpu.memref_squeeze %dma_wait3A_672 : memref<1x125xi32, #tpu.memory_space<vmem>> -> memref<125xi32, #tpu.memory_space<vmem>>
      %dma_wait3A_674 = arith.constant 0 : i32
      %dma_wait3A_675 = arith.constant 0 : i32
      %dma_wait3A_676 = tpu.memref_slice %arg7[%dma_wait3A_674, %dma_wait3A_675] : memref<10000x128xf32, #tpu.memory_space<vmem_shared>> -> memref<10000x128xf32, #tpu.memory_space<vmem_shared>>
      tpu.wait_indirect_dma semaphore(%arg14 : memref<!tpu.dma_semaphore, #tpu.memory_space<semaphore_mem>>) src(%arg8 : memref<125x128xf32, #tpu.memory_space<vmem>>) dst(%dma_wait3A_676 : memref<10000x128xf32, #tpu.memory_space<vmem_shared>>)
      %dma_start3A_677 = arith.constant 24 : i32
      %dma_start3A_678 = arith.constant 0 : i32
      %dma_start3A_679 = tpu.memref_slice %arg10[%dma_start3A_677, %dma_start3A_678] : memref<32x125xi32, #tpu.memory_space<vmem>> -> memref<1x125xi32, #tpu.memory_space<vmem>>
      %dma_start3A_680 = tpu.memref_squeeze %dma_start3A_679 : memref<1x125xi32, #tpu.memory_space<vmem>> -> memref<125xi32, #tpu.memory_space<vmem>>
      %dma_start3A_681 = arith.constant 0 : i32
      %dma_start3A_682 = arith.constant 0 : i32
      %dma_start3A_683 = tpu.memref_slice %arg2[%dma_start3A_681, %dma_start3A_682] : memref<20000x128xf32, #tpu.memory_space<hbm>> -> memref<20000x128xf32, #tpu.memory_space<hbm>>
      tpu.enqueue_indirect_dma source(%dma_start3A_683 : memref<20000x128xf32, #tpu.memory_space<hbm>>) target(%arg8 : memref<125x128xf32, #tpu.memory_space<vmem>>) offsets(%dma_start3A_680 : memref<125xi32, #tpu.memory_space<vmem>>) semaphore(%arg12 : memref<!tpu.dma_semaphore, #tpu.memory_space<semaphore_mem>>)
      %dma_wait3A_684 = arith.constant 24 : i32
      %dma_wait3A_685 = arith.constant 0 : i32
      %dma_wait3A_686 = tpu.memref_slice %arg10[%dma_wait3A_684, %dma_wait3A_685] : memref<32x125xi32, #tpu.memory_space<vmem>> -> memref<1x125xi32, #tpu.memory_space<vmem>>
      %dma_wait3A_687 = tpu.memref_squeeze %dma_wait3A_686 : memref<1x125xi32, #tpu.memory_space<vmem>> -> memref<125xi32, #tpu.memory_space<vmem>>
      %dma_wait3A_688 = arith.constant 0 : i32
      %dma_wait3A_689 = arith.constant 0 : i32
      %dma_wait3A_690 = tpu.memref_slice %arg2[%dma_wait3A_688, %dma_wait3A_689] : memref<20000x128xf32, #tpu.memory_space<hbm>> -> memref<20000x128xf32, #tpu.memory_space<hbm>>
      tpu.wait_indirect_dma semaphore(%arg12 : memref<!tpu.dma_semaphore, #tpu.memory_space<semaphore_mem>>) src(%dma_wait3A_690 : memref<20000x128xf32, #tpu.memory_space<hbm>>) dst(%arg8 : memref<125x128xf32, #tpu.memory_space<vmem>>)
      %dma_start3A_691 = arith.constant 24 : i32
      %dma_start3A_692 = arith.constant 0 : i32
      %dma_start3A_693 = tpu.memref_slice %arg11[%dma_start3A_691, %dma_start3A_692] : memref<32x125xi32, #tpu.memory_space<vmem>> -> memref<1x125xi32, #tpu.memory_space<vmem>>
      %dma_start3A_694 = tpu.memref_squeeze %dma_start3A_693 : memref<1x125xi32, #tpu.memory_space<vmem>> -> memref<125xi32, #tpu.memory_space<vmem>>
      %dma_start3A_695 = arith.constant 0 : i32
      %dma_start3A_696 = arith.constant 0 : i32
      %dma_start3A_697 = tpu.memref_slice %arg7[%dma_start3A_695, %dma_start3A_696] : memref<10000x128xf32, #tpu.memory_space<vmem_shared>> -> memref<10000x128xf32, #tpu.memory_space<vmem_shared>>
      tpu.enqueue_indirect_dma source(%arg8 : memref<125x128xf32, #tpu.memory_space<vmem>>) target(%dma_start3A_697 : memref<10000x128xf32, #tpu.memory_space<vmem_shared>>) offsets(%dma_start3A_694 : memref<125xi32, #tpu.memory_space<vmem>>) semaphore(%arg14 : memref<!tpu.dma_semaphore, #tpu.memory_space<semaphore_mem>>) {add = true}
      %dma_wait3A_698 = arith.constant 23 : i32
      %dma_wait3A_699 = arith.constant 0 : i32
      %dma_wait3A_700 = tpu.memref_slice %arg11[%dma_wait3A_698, %dma_wait3A_699] : memref<32x125xi32, #tpu.memory_space<vmem>> -> memref<1x125xi32, #tpu.memory_space<vmem>>
      %dma_wait3A_701 = tpu.memref_squeeze %dma_wait3A_700 : memref<1x125xi32, #tpu.memory_space<vmem>> -> memref<125xi32, #tpu.memory_space<vmem>>
      %dma_wait3A_702 = arith.constant 0 : i32
      %dma_wait3A_703 = arith.constant 0 : i32
      %dma_wait3A_704 = tpu.memref_slice %arg7[%dma_wait3A_702, %dma_wait3A_703] : memref<10000x128xf32, #tpu.memory_space<vmem_shared>> -> memref<10000x128xf32, #tpu.memory_space<vmem_shared>>
      tpu.wait_indirect_dma semaphore(%arg15 : memref<!tpu.dma_semaphore, #tpu.memory_space<semaphore_mem>>) src(%arg9 : memref<125x128xf32, #tpu.memory_space<vmem>>) dst(%dma_wait3A_704 : memref<10000x128xf32, #tpu.memory_space<vmem_shared>>)
      %dma_start3A_705 = arith.constant 25 : i32
      %dma_start3A_706 = arith.constant 0 : i32
      %dma_start3A_707 = tpu.memref_slice %arg10[%dma_start3A_705, %dma_start3A_706] : memref<32x125xi32, #tpu.memory_space<vmem>> -> memref<1x125xi32, #tpu.memory_space<vmem>>
      %dma_start3A_708 = tpu.memref_squeeze %dma_start3A_707 : memref<1x125xi32, #tpu.memory_space<vmem>> -> memref<125xi32, #tpu.memory_space<vmem>>
      %dma_start3A_709 = arith.constant 0 : i32
      %dma_start3A_710 = arith.constant 0 : i32
      %dma_start3A_711 = tpu.memref_slice %arg2[%dma_start3A_709, %dma_start3A_710] : memref<20000x128xf32, #tpu.memory_space<hbm>> -> memref<20000x128xf32, #tpu.memory_space<hbm>>
      tpu.enqueue_indirect_dma source(%dma_start3A_711 : memref<20000x128xf32, #tpu.memory_space<hbm>>) target(%arg9 : memref<125x128xf32, #tpu.memory_space<vmem>>) offsets(%dma_start3A_708 : memref<125xi32, #tpu.memory_space<vmem>>) semaphore(%arg13 : memref<!tpu.dma_semaphore, #tpu.memory_space<semaphore_mem>>)
      %dma_wait3A_712 = arith.constant 25 : i32
      %dma_wait3A_713 = arith.constant 0 : i32
      %dma_wait3A_714 = tpu.memref_slice %arg10[%dma_wait3A_712, %dma_wait3A_713] : memref<32x125xi32, #tpu.memory_space<vmem>> -> memref<1x125xi32, #tpu.memory_space<vmem>>
      %dma_wait3A_715 = tpu.memref_squeeze %dma_wait3A_714 : memref<1x125xi32, #tpu.memory_space<vmem>> -> memref<125xi32, #tpu.memory_space<vmem>>
      %dma_wait3A_716 = arith.constant 0 : i32
      %dma_wait3A_717 = arith.constant 0 : i32
      %dma_wait3A_718 = tpu.memref_slice %arg2[%dma_wait3A_716, %dma_wait3A_717] : memref<20000x128xf32, #tpu.memory_space<hbm>> -> memref<20000x128xf32, #tpu.memory_space<hbm>>
      tpu.wait_indirect_dma semaphore(%arg13 : memref<!tpu.dma_semaphore, #tpu.memory_space<semaphore_mem>>) src(%dma_wait3A_718 : memref<20000x128xf32, #tpu.memory_space<hbm>>) dst(%arg9 : memref<125x128xf32, #tpu.memory_space<vmem>>)
      %dma_start3A_719 = arith.constant 25 : i32
      %dma_start3A_720 = arith.constant 0 : i32
      %dma_start3A_721 = tpu.memref_slice %arg11[%dma_start3A_719, %dma_start3A_720] : memref<32x125xi32, #tpu.memory_space<vmem>> -> memref<1x125xi32, #tpu.memory_space<vmem>>
      %dma_start3A_722 = tpu.memref_squeeze %dma_start3A_721 : memref<1x125xi32, #tpu.memory_space<vmem>> -> memref<125xi32, #tpu.memory_space<vmem>>
      %dma_start3A_723 = arith.constant 0 : i32
      %dma_start3A_724 = arith.constant 0 : i32
      %dma_start3A_725 = tpu.memref_slice %arg7[%dma_start3A_723, %dma_start3A_724] : memref<10000x128xf32, #tpu.memory_space<vmem_shared>> -> memref<10000x128xf32, #tpu.memory_space<vmem_shared>>
      tpu.enqueue_indirect_dma source(%arg9 : memref<125x128xf32, #tpu.memory_space<vmem>>) target(%dma_start3A_725 : memref<10000x128xf32, #tpu.memory_space<vmem_shared>>) offsets(%dma_start3A_722 : memref<125xi32, #tpu.memory_space<vmem>>) semaphore(%arg15 : memref<!tpu.dma_semaphore, #tpu.memory_space<semaphore_mem>>) {add = true}
      %dma_wait3A_726 = arith.constant 24 : i32
      %dma_wait3A_727 = arith.constant 0 : i32
      %dma_wait3A_728 = tpu.memref_slice %arg11[%dma_wait3A_726, %dma_wait3A_727] : memref<32x125xi32, #tpu.memory_space<vmem>> -> memref<1x125xi32, #tpu.memory_space<vmem>>
      %dma_wait3A_729 = tpu.memref_squeeze %dma_wait3A_728 : memref<1x125xi32, #tpu.memory_space<vmem>> -> memref<125xi32, #tpu.memory_space<vmem>>
      %dma_wait3A_730 = arith.constant 0 : i32
      %dma_wait3A_731 = arith.constant 0 : i32
      %dma_wait3A_732 = tpu.memref_slice %arg7[%dma_wait3A_730, %dma_wait3A_731] : memref<10000x128xf32, #tpu.memory_space<vmem_shared>> -> memref<10000x128xf32, #tpu.memory_space<vmem_shared>>
      tpu.wait_indirect_dma semaphore(%arg14 : memref<!tpu.dma_semaphore, #tpu.memory_space<semaphore_mem>>) src(%arg8 : memref<125x128xf32, #tpu.memory_space<vmem>>) dst(%dma_wait3A_732 : memref<10000x128xf32, #tpu.memory_space<vmem_shared>>)
      %dma_start3A_733 = arith.constant 26 : i32
      %dma_start3A_734 = arith.constant 0 : i32
      %dma_start3A_735 = tpu.memref_slice %arg10[%dma_start3A_733, %dma_start3A_734] : memref<32x125xi32, #tpu.memory_space<vmem>> -> memref<1x125xi32, #tpu.memory_space<vmem>>
      %dma_start3A_736 = tpu.memref_squeeze %dma_start3A_735 : memref<1x125xi32, #tpu.memory_space<vmem>> -> memref<125xi32, #tpu.memory_space<vmem>>
      %dma_start3A_737 = arith.constant 0 : i32
      %dma_start3A_738 = arith.constant 0 : i32
      %dma_start3A_739 = tpu.memref_slice %arg2[%dma_start3A_737, %dma_start3A_738] : memref<20000x128xf32, #tpu.memory_space<hbm>> -> memref<20000x128xf32, #tpu.memory_space<hbm>>
      tpu.enqueue_indirect_dma source(%dma_start3A_739 : memref<20000x128xf32, #tpu.memory_space<hbm>>) target(%arg8 : memref<125x128xf32, #tpu.memory_space<vmem>>) offsets(%dma_start3A_736 : memref<125xi32, #tpu.memory_space<vmem>>) semaphore(%arg12 : memref<!tpu.dma_semaphore, #tpu.memory_space<semaphore_mem>>)
      %dma_wait3A_740 = arith.constant 26 : i32
      %dma_wait3A_741 = arith.constant 0 : i32
      %dma_wait3A_742 = tpu.memref_slice %arg10[%dma_wait3A_740, %dma_wait3A_741] : memref<32x125xi32, #tpu.memory_space<vmem>> -> memref<1x125xi32, #tpu.memory_space<vmem>>
      %dma_wait3A_743 = tpu.memref_squeeze %dma_wait3A_742 : memref<1x125xi32, #tpu.memory_space<vmem>> -> memref<125xi32, #tpu.memory_space<vmem>>
      %dma_wait3A_744 = arith.constant 0 : i32
      %dma_wait3A_745 = arith.constant 0 : i32
      %dma_wait3A_746 = tpu.memref_slice %arg2[%dma_wait3A_744, %dma_wait3A_745] : memref<20000x128xf32, #tpu.memory_space<hbm>> -> memref<20000x128xf32, #tpu.memory_space<hbm>>
      tpu.wait_indirect_dma semaphore(%arg12 : memref<!tpu.dma_semaphore, #tpu.memory_space<semaphore_mem>>) src(%dma_wait3A_746 : memref<20000x128xf32, #tpu.memory_space<hbm>>) dst(%arg8 : memref<125x128xf32, #tpu.memory_space<vmem>>)
      %dma_start3A_747 = arith.constant 26 : i32
      %dma_start3A_748 = arith.constant 0 : i32
      %dma_start3A_749 = tpu.memref_slice %arg11[%dma_start3A_747, %dma_start3A_748] : memref<32x125xi32, #tpu.memory_space<vmem>> -> memref<1x125xi32, #tpu.memory_space<vmem>>
      %dma_start3A_750 = tpu.memref_squeeze %dma_start3A_749 : memref<1x125xi32, #tpu.memory_space<vmem>> -> memref<125xi32, #tpu.memory_space<vmem>>
      %dma_start3A_751 = arith.constant 0 : i32
      %dma_start3A_752 = arith.constant 0 : i32
      %dma_start3A_753 = tpu.memref_slice %arg7[%dma_start3A_751, %dma_start3A_752] : memref<10000x128xf32, #tpu.memory_space<vmem_shared>> -> memref<10000x128xf32, #tpu.memory_space<vmem_shared>>
      tpu.enqueue_indirect_dma source(%arg8 : memref<125x128xf32, #tpu.memory_space<vmem>>) target(%dma_start3A_753 : memref<10000x128xf32, #tpu.memory_space<vmem_shared>>) offsets(%dma_start3A_750 : memref<125xi32, #tpu.memory_space<vmem>>) semaphore(%arg14 : memref<!tpu.dma_semaphore, #tpu.memory_space<semaphore_mem>>) {add = true}
      %dma_wait3A_754 = arith.constant 25 : i32
      %dma_wait3A_755 = arith.constant 0 : i32
      %dma_wait3A_756 = tpu.memref_slice %arg11[%dma_wait3A_754, %dma_wait3A_755] : memref<32x125xi32, #tpu.memory_space<vmem>> -> memref<1x125xi32, #tpu.memory_space<vmem>>
      %dma_wait3A_757 = tpu.memref_squeeze %dma_wait3A_756 : memref<1x125xi32, #tpu.memory_space<vmem>> -> memref<125xi32, #tpu.memory_space<vmem>>
      %dma_wait3A_758 = arith.constant 0 : i32
      %dma_wait3A_759 = arith.constant 0 : i32
      %dma_wait3A_760 = tpu.memref_slice %arg7[%dma_wait3A_758, %dma_wait3A_759] : memref<10000x128xf32, #tpu.memory_space<vmem_shared>> -> memref<10000x128xf32, #tpu.memory_space<vmem_shared>>
      tpu.wait_indirect_dma semaphore(%arg15 : memref<!tpu.dma_semaphore, #tpu.memory_space<semaphore_mem>>) src(%arg9 : memref<125x128xf32, #tpu.memory_space<vmem>>) dst(%dma_wait3A_760 : memref<10000x128xf32, #tpu.memory_space<vmem_shared>>)
      %dma_start3A_761 = arith.constant 27 : i32
      %dma_start3A_762 = arith.constant 0 : i32
      %dma_start3A_763 = tpu.memref_slice %arg10[%dma_start3A_761, %dma_start3A_762] : memref<32x125xi32, #tpu.memory_space<vmem>> -> memref<1x125xi32, #tpu.memory_space<vmem>>
      %dma_start3A_764 = tpu.memref_squeeze %dma_start3A_763 : memref<1x125xi32, #tpu.memory_space<vmem>> -> memref<125xi32, #tpu.memory_space<vmem>>
      %dma_start3A_765 = arith.constant 0 : i32
      %dma_start3A_766 = arith.constant 0 : i32
      %dma_start3A_767 = tpu.memref_slice %arg2[%dma_start3A_765, %dma_start3A_766] : memref<20000x128xf32, #tpu.memory_space<hbm>> -> memref<20000x128xf32, #tpu.memory_space<hbm>>
      tpu.enqueue_indirect_dma source(%dma_start3A_767 : memref<20000x128xf32, #tpu.memory_space<hbm>>) target(%arg9 : memref<125x128xf32, #tpu.memory_space<vmem>>) offsets(%dma_start3A_764 : memref<125xi32, #tpu.memory_space<vmem>>) semaphore(%arg13 : memref<!tpu.dma_semaphore, #tpu.memory_space<semaphore_mem>>)
      %dma_wait3A_768 = arith.constant 27 : i32
      %dma_wait3A_769 = arith.constant 0 : i32
      %dma_wait3A_770 = tpu.memref_slice %arg10[%dma_wait3A_768, %dma_wait3A_769] : memref<32x125xi32, #tpu.memory_space<vmem>> -> memref<1x125xi32, #tpu.memory_space<vmem>>
      %dma_wait3A_771 = tpu.memref_squeeze %dma_wait3A_770 : memref<1x125xi32, #tpu.memory_space<vmem>> -> memref<125xi32, #tpu.memory_space<vmem>>
      %dma_wait3A_772 = arith.constant 0 : i32
      %dma_wait3A_773 = arith.constant 0 : i32
      %dma_wait3A_774 = tpu.memref_slice %arg2[%dma_wait3A_772, %dma_wait3A_773] : memref<20000x128xf32, #tpu.memory_space<hbm>> -> memref<20000x128xf32, #tpu.memory_space<hbm>>
      tpu.wait_indirect_dma semaphore(%arg13 : memref<!tpu.dma_semaphore, #tpu.memory_space<semaphore_mem>>) src(%dma_wait3A_774 : memref<20000x128xf32, #tpu.memory_space<hbm>>) dst(%arg9 : memref<125x128xf32, #tpu.memory_space<vmem>>)
      %dma_start3A_775 = arith.constant 27 : i32
      %dma_start3A_776 = arith.constant 0 : i32
      %dma_start3A_777 = tpu.memref_slice %arg11[%dma_start3A_775, %dma_start3A_776] : memref<32x125xi32, #tpu.memory_space<vmem>> -> memref<1x125xi32, #tpu.memory_space<vmem>>
      %dma_start3A_778 = tpu.memref_squeeze %dma_start3A_777 : memref<1x125xi32, #tpu.memory_space<vmem>> -> memref<125xi32, #tpu.memory_space<vmem>>
      %dma_start3A_779 = arith.constant 0 : i32
      %dma_start3A_780 = arith.constant 0 : i32
      %dma_start3A_781 = tpu.memref_slice %arg7[%dma_start3A_779, %dma_start3A_780] : memref<10000x128xf32, #tpu.memory_space<vmem_shared>> -> memref<10000x128xf32, #tpu.memory_space<vmem_shared>>
      tpu.enqueue_indirect_dma source(%arg9 : memref<125x128xf32, #tpu.memory_space<vmem>>) target(%dma_start3A_781 : memref<10000x128xf32, #tpu.memory_space<vmem_shared>>) offsets(%dma_start3A_778 : memref<125xi32, #tpu.memory_space<vmem>>) semaphore(%arg15 : memref<!tpu.dma_semaphore, #tpu.memory_space<semaphore_mem>>) {add = true}
      %dma_wait3A_782 = arith.constant 26 : i32
      %dma_wait3A_783 = arith.constant 0 : i32
      %dma_wait3A_784 = tpu.memref_slice %arg11[%dma_wait3A_782, %dma_wait3A_783] : memref<32x125xi32, #tpu.memory_space<vmem>> -> memref<1x125xi32, #tpu.memory_space<vmem>>
      %dma_wait3A_785 = tpu.memref_squeeze %dma_wait3A_784 : memref<1x125xi32, #tpu.memory_space<vmem>> -> memref<125xi32, #tpu.memory_space<vmem>>
      %dma_wait3A_786 = arith.constant 0 : i32
      %dma_wait3A_787 = arith.constant 0 : i32
      %dma_wait3A_788 = tpu.memref_slice %arg7[%dma_wait3A_786, %dma_wait3A_787] : memref<10000x128xf32, #tpu.memory_space<vmem_shared>> -> memref<10000x128xf32, #tpu.memory_space<vmem_shared>>
      tpu.wait_indirect_dma semaphore(%arg14 : memref<!tpu.dma_semaphore, #tpu.memory_space<semaphore_mem>>) src(%arg8 : memref<125x128xf32, #tpu.memory_space<vmem>>) dst(%dma_wait3A_788 : memref<10000x128xf32, #tpu.memory_space<vmem_shared>>)
      %dma_start3A_789 = arith.constant 28 : i32
      %dma_start3A_790 = arith.constant 0 : i32
      %dma_start3A_791 = tpu.memref_slice %arg10[%dma_start3A_789, %dma_start3A_790] : memref<32x125xi32, #tpu.memory_space<vmem>> -> memref<1x125xi32, #tpu.memory_space<vmem>>
      %dma_start3A_792 = tpu.memref_squeeze %dma_start3A_791 : memref<1x125xi32, #tpu.memory_space<vmem>> -> memref<125xi32, #tpu.memory_space<vmem>>
      %dma_start3A_793 = arith.constant 0 : i32
      %dma_start3A_794 = arith.constant 0 : i32
      %dma_start3A_795 = tpu.memref_slice %arg2[%dma_start3A_793, %dma_start3A_794] : memref<20000x128xf32, #tpu.memory_space<hbm>> -> memref<20000x128xf32, #tpu.memory_space<hbm>>
      tpu.enqueue_indirect_dma source(%dma_start3A_795 : memref<20000x128xf32, #tpu.memory_space<hbm>>) target(%arg8 : memref<125x128xf32, #tpu.memory_space<vmem>>) offsets(%dma_start3A_792 : memref<125xi32, #tpu.memory_space<vmem>>) semaphore(%arg12 : memref<!tpu.dma_semaphore, #tpu.memory_space<semaphore_mem>>)
      %dma_wait3A_796 = arith.constant 28 : i32
      %dma_wait3A_797 = arith.constant 0 : i32
      %dma_wait3A_798 = tpu.memref_slice %arg10[%dma_wait3A_796, %dma_wait3A_797] : memref<32x125xi32, #tpu.memory_space<vmem>> -> memref<1x125xi32, #tpu.memory_space<vmem>>
      %dma_wait3A_799 = tpu.memref_squeeze %dma_wait3A_798 : memref<1x125xi32, #tpu.memory_space<vmem>> -> memref<125xi32, #tpu.memory_space<vmem>>
      %dma_wait3A_800 = arith.constant 0 : i32
      %dma_wait3A_801 = arith.constant 0 : i32
      %dma_wait3A_802 = tpu.memref_slice %arg2[%dma_wait3A_800, %dma_wait3A_801] : memref<20000x128xf32, #tpu.memory_space<hbm>> -> memref<20000x128xf32, #tpu.memory_space<hbm>>
      tpu.wait_indirect_dma semaphore(%arg12 : memref<!tpu.dma_semaphore, #tpu.memory_space<semaphore_mem>>) src(%dma_wait3A_802 : memref<20000x128xf32, #tpu.memory_space<hbm>>) dst(%arg8 : memref<125x128xf32, #tpu.memory_space<vmem>>)
      %dma_start3A_803 = arith.constant 28 : i32
      %dma_start3A_804 = arith.constant 0 : i32
      %dma_start3A_805 = tpu.memref_slice %arg11[%dma_start3A_803, %dma_start3A_804] : memref<32x125xi32, #tpu.memory_space<vmem>> -> memref<1x125xi32, #tpu.memory_space<vmem>>
      %dma_start3A_806 = tpu.memref_squeeze %dma_start3A_805 : memref<1x125xi32, #tpu.memory_space<vmem>> -> memref<125xi32, #tpu.memory_space<vmem>>
      %dma_start3A_807 = arith.constant 0 : i32
      %dma_start3A_808 = arith.constant 0 : i32
      %dma_start3A_809 = tpu.memref_slice %arg7[%dma_start3A_807, %dma_start3A_808] : memref<10000x128xf32, #tpu.memory_space<vmem_shared>> -> memref<10000x128xf32, #tpu.memory_space<vmem_shared>>
      tpu.enqueue_indirect_dma source(%arg8 : memref<125x128xf32, #tpu.memory_space<vmem>>) target(%dma_start3A_809 : memref<10000x128xf32, #tpu.memory_space<vmem_shared>>) offsets(%dma_start3A_806 : memref<125xi32, #tpu.memory_space<vmem>>) semaphore(%arg14 : memref<!tpu.dma_semaphore, #tpu.memory_space<semaphore_mem>>) {add = true}
      %dma_wait3A_810 = arith.constant 27 : i32
      %dma_wait3A_811 = arith.constant 0 : i32
      %dma_wait3A_812 = tpu.memref_slice %arg11[%dma_wait3A_810, %dma_wait3A_811] : memref<32x125xi32, #tpu.memory_space<vmem>> -> memref<1x125xi32, #tpu.memory_space<vmem>>
      %dma_wait3A_813 = tpu.memref_squeeze %dma_wait3A_812 : memref<1x125xi32, #tpu.memory_space<vmem>> -> memref<125xi32, #tpu.memory_space<vmem>>
      %dma_wait3A_814 = arith.constant 0 : i32
      %dma_wait3A_815 = arith.constant 0 : i32
      %dma_wait3A_816 = tpu.memref_slice %arg7[%dma_wait3A_814, %dma_wait3A_815] : memref<10000x128xf32, #tpu.memory_space<vmem_shared>> -> memref<10000x128xf32, #tpu.memory_space<vmem_shared>>
      tpu.wait_indirect_dma semaphore(%arg15 : memref<!tpu.dma_semaphore, #tpu.memory_space<semaphore_mem>>) src(%arg9 : memref<125x128xf32, #tpu.memory_space<vmem>>) dst(%dma_wait3A_816 : memref<10000x128xf32, #tpu.memory_space<vmem_shared>>)
      %dma_start3A_817 = arith.constant 29 : i32
      %dma_start3A_818 = arith.constant 0 : i32
      %dma_start3A_819 = tpu.memref_slice %arg10[%dma_start3A_817, %dma_start3A_818] : memref<32x125xi32, #tpu.memory_space<vmem>> -> memref<1x125xi32, #tpu.memory_space<vmem>>
      %dma_start3A_820 = tpu.memref_squeeze %dma_start3A_819 : memref<1x125xi32, #tpu.memory_space<vmem>> -> memref<125xi32, #tpu.memory_space<vmem>>
      %dma_start3A_821 = arith.constant 0 : i32
      %dma_start3A_822 = arith.constant 0 : i32
      %dma_start3A_823 = tpu.memref_slice %arg2[%dma_start3A_821, %dma_start3A_822] : memref<20000x128xf32, #tpu.memory_space<hbm>> -> memref<20000x128xf32, #tpu.memory_space<hbm>>
      tpu.enqueue_indirect_dma source(%dma_start3A_823 : memref<20000x128xf32, #tpu.memory_space<hbm>>) target(%arg9 : memref<125x128xf32, #tpu.memory_space<vmem>>) offsets(%dma_start3A_820 : memref<125xi32, #tpu.memory_space<vmem>>) semaphore(%arg13 : memref<!tpu.dma_semaphore, #tpu.memory_space<semaphore_mem>>)
      %dma_wait3A_824 = arith.constant 29 : i32
      %dma_wait3A_825 = arith.constant 0 : i32
      %dma_wait3A_826 = tpu.memref_slice %arg10[%dma_wait3A_824, %dma_wait3A_825] : memref<32x125xi32, #tpu.memory_space<vmem>> -> memref<1x125xi32, #tpu.memory_space<vmem>>
      %dma_wait3A_827 = tpu.memref_squeeze %dma_wait3A_826 : memref<1x125xi32, #tpu.memory_space<vmem>> -> memref<125xi32, #tpu.memory_space<vmem>>
      %dma_wait3A_828 = arith.constant 0 : i32
      %dma_wait3A_829 = arith.constant 0 : i32
      %dma_wait3A_830 = tpu.memref_slice %arg2[%dma_wait3A_828, %dma_wait3A_829] : memref<20000x128xf32, #tpu.memory_space<hbm>> -> memref<20000x128xf32, #tpu.memory_space<hbm>>
      tpu.wait_indirect_dma semaphore(%arg13 : memref<!tpu.dma_semaphore, #tpu.memory_space<semaphore_mem>>) src(%dma_wait3A_830 : memref<20000x128xf32, #tpu.memory_space<hbm>>) dst(%arg9 : memref<125x128xf32, #tpu.memory_space<vmem>>)
      %dma_start3A_831 = arith.constant 29 : i32
      %dma_start3A_832 = arith.constant 0 : i32
      %dma_start3A_833 = tpu.memref_slice %arg11[%dma_start3A_831, %dma_start3A_832] : memref<32x125xi32, #tpu.memory_space<vmem>> -> memref<1x125xi32, #tpu.memory_space<vmem>>
      %dma_start3A_834 = tpu.memref_squeeze %dma_start3A_833 : memref<1x125xi32, #tpu.memory_space<vmem>> -> memref<125xi32, #tpu.memory_space<vmem>>
      %dma_start3A_835 = arith.constant 0 : i32
      %dma_start3A_836 = arith.constant 0 : i32
      %dma_start3A_837 = tpu.memref_slice %arg7[%dma_start3A_835, %dma_start3A_836] : memref<10000x128xf32, #tpu.memory_space<vmem_shared>> -> memref<10000x128xf32, #tpu.memory_space<vmem_shared>>
      tpu.enqueue_indirect_dma source(%arg9 : memref<125x128xf32, #tpu.memory_space<vmem>>) target(%dma_start3A_837 : memref<10000x128xf32, #tpu.memory_space<vmem_shared>>) offsets(%dma_start3A_834 : memref<125xi32, #tpu.memory_space<vmem>>) semaphore(%arg15 : memref<!tpu.dma_semaphore, #tpu.memory_space<semaphore_mem>>) {add = true}
      %dma_wait3A_838 = arith.constant 28 : i32
      %dma_wait3A_839 = arith.constant 0 : i32
      %dma_wait3A_840 = tpu.memref_slice %arg11[%dma_wait3A_838, %dma_wait3A_839] : memref<32x125xi32, #tpu.memory_space<vmem>> -> memref<1x125xi32, #tpu.memory_space<vmem>>
      %dma_wait3A_841 = tpu.memref_squeeze %dma_wait3A_840 : memref<1x125xi32, #tpu.memory_space<vmem>> -> memref<125xi32, #tpu.memory_space<vmem>>
      %dma_wait3A_842 = arith.constant 0 : i32
      %dma_wait3A_843 = arith.constant 0 : i32
      %dma_wait3A_844 = tpu.memref_slice %arg7[%dma_wait3A_842, %dma_wait3A_843] : memref<10000x128xf32, #tpu.memory_space<vmem_shared>> -> memref<10000x128xf32, #tpu.memory_space<vmem_shared>>
      tpu.wait_indirect_dma semaphore(%arg14 : memref<!tpu.dma_semaphore, #tpu.memory_space<semaphore_mem>>) src(%arg8 : memref<125x128xf32, #tpu.memory_space<vmem>>) dst(%dma_wait3A_844 : memref<10000x128xf32, #tpu.memory_space<vmem_shared>>)
      %dma_start3A_845 = arith.constant 30 : i32
      %dma_start3A_846 = arith.constant 0 : i32
      %dma_start3A_847 = tpu.memref_slice %arg10[%dma_start3A_845, %dma_start3A_846] : memref<32x125xi32, #tpu.memory_space<vmem>> -> memref<1x125xi32, #tpu.memory_space<vmem>>
      %dma_start3A_848 = tpu.memref_squeeze %dma_start3A_847 : memref<1x125xi32, #tpu.memory_space<vmem>> -> memref<125xi32, #tpu.memory_space<vmem>>
      %dma_start3A_849 = arith.constant 0 : i32
      %dma_start3A_850 = arith.constant 0 : i32
      %dma_start3A_851 = tpu.memref_slice %arg2[%dma_start3A_849, %dma_start3A_850] : memref<20000x128xf32, #tpu.memory_space<hbm>> -> memref<20000x128xf32, #tpu.memory_space<hbm>>
      tpu.enqueue_indirect_dma source(%dma_start3A_851 : memref<20000x128xf32, #tpu.memory_space<hbm>>) target(%arg8 : memref<125x128xf32, #tpu.memory_space<vmem>>) offsets(%dma_start3A_848 : memref<125xi32, #tpu.memory_space<vmem>>) semaphore(%arg12 : memref<!tpu.dma_semaphore, #tpu.memory_space<semaphore_mem>>)
      %dma_wait3A_852 = arith.constant 30 : i32
      %dma_wait3A_853 = arith.constant 0 : i32
      %dma_wait3A_854 = tpu.memref_slice %arg10[%dma_wait3A_852, %dma_wait3A_853] : memref<32x125xi32, #tpu.memory_space<vmem>> -> memref<1x125xi32, #tpu.memory_space<vmem>>
      %dma_wait3A_855 = tpu.memref_squeeze %dma_wait3A_854 : memref<1x125xi32, #tpu.memory_space<vmem>> -> memref<125xi32, #tpu.memory_space<vmem>>
      %dma_wait3A_856 = arith.constant 0 : i32
      %dma_wait3A_857 = arith.constant 0 : i32
      %dma_wait3A_858 = tpu.memref_slice %arg2[%dma_wait3A_856, %dma_wait3A_857] : memref<20000x128xf32, #tpu.memory_space<hbm>> -> memref<20000x128xf32, #tpu.memory_space<hbm>>
      tpu.wait_indirect_dma semaphore(%arg12 : memref<!tpu.dma_semaphore, #tpu.memory_space<semaphore_mem>>) src(%dma_wait3A_858 : memref<20000x128xf32, #tpu.memory_space<hbm>>) dst(%arg8 : memref<125x128xf32, #tpu.memory_space<vmem>>)
      %dma_start3A_859 = arith.constant 30 : i32
      %dma_start3A_860 = arith.constant 0 : i32
      %dma_start3A_861 = tpu.memref_slice %arg11[%dma_start3A_859, %dma_start3A_860] : memref<32x125xi32, #tpu.memory_space<vmem>> -> memref<1x125xi32, #tpu.memory_space<vmem>>
      %dma_start3A_862 = tpu.memref_squeeze %dma_start3A_861 : memref<1x125xi32, #tpu.memory_space<vmem>> -> memref<125xi32, #tpu.memory_space<vmem>>
      %dma_start3A_863 = arith.constant 0 : i32
      %dma_start3A_864 = arith.constant 0 : i32
      %dma_start3A_865 = tpu.memref_slice %arg7[%dma_start3A_863, %dma_start3A_864] : memref<10000x128xf32, #tpu.memory_space<vmem_shared>> -> memref<10000x128xf32, #tpu.memory_space<vmem_shared>>
      tpu.enqueue_indirect_dma source(%arg8 : memref<125x128xf32, #tpu.memory_space<vmem>>) target(%dma_start3A_865 : memref<10000x128xf32, #tpu.memory_space<vmem_shared>>) offsets(%dma_start3A_862 : memref<125xi32, #tpu.memory_space<vmem>>) semaphore(%arg14 : memref<!tpu.dma_semaphore, #tpu.memory_space<semaphore_mem>>) {add = true}
      %dma_wait3A_866 = arith.constant 29 : i32
      %dma_wait3A_867 = arith.constant 0 : i32
      %dma_wait3A_868 = tpu.memref_slice %arg11[%dma_wait3A_866, %dma_wait3A_867] : memref<32x125xi32, #tpu.memory_space<vmem>> -> memref<1x125xi32, #tpu.memory_space<vmem>>
      %dma_wait3A_869 = tpu.memref_squeeze %dma_wait3A_868 : memref<1x125xi32, #tpu.memory_space<vmem>> -> memref<125xi32, #tpu.memory_space<vmem>>
      %dma_wait3A_870 = arith.constant 0 : i32
      %dma_wait3A_871 = arith.constant 0 : i32
      %dma_wait3A_872 = tpu.memref_slice %arg7[%dma_wait3A_870, %dma_wait3A_871] : memref<10000x128xf32, #tpu.memory_space<vmem_shared>> -> memref<10000x128xf32, #tpu.memory_space<vmem_shared>>
      tpu.wait_indirect_dma semaphore(%arg15 : memref<!tpu.dma_semaphore, #tpu.memory_space<semaphore_mem>>) src(%arg9 : memref<125x128xf32, #tpu.memory_space<vmem>>) dst(%dma_wait3A_872 : memref<10000x128xf32, #tpu.memory_space<vmem_shared>>)
      %dma_start3A_873 = arith.constant 31 : i32
      %dma_start3A_874 = arith.constant 0 : i32
      %dma_start3A_875 = tpu.memref_slice %arg10[%dma_start3A_873, %dma_start3A_874] : memref<32x125xi32, #tpu.memory_space<vmem>> -> memref<1x125xi32, #tpu.memory_space<vmem>>
      %dma_start3A_876 = tpu.memref_squeeze %dma_start3A_875 : memref<1x125xi32, #tpu.memory_space<vmem>> -> memref<125xi32, #tpu.memory_space<vmem>>
      %dma_start3A_877 = arith.constant 0 : i32
      %dma_start3A_878 = arith.constant 0 : i32
      %dma_start3A_879 = tpu.memref_slice %arg2[%dma_start3A_877, %dma_start3A_878] : memref<20000x128xf32, #tpu.memory_space<hbm>> -> memref<20000x128xf32, #tpu.memory_space<hbm>>
      tpu.enqueue_indirect_dma source(%dma_start3A_879 : memref<20000x128xf32, #tpu.memory_space<hbm>>) target(%arg9 : memref<125x128xf32, #tpu.memory_space<vmem>>) offsets(%dma_start3A_876 : memref<125xi32, #tpu.memory_space<vmem>>) semaphore(%arg13 : memref<!tpu.dma_semaphore, #tpu.memory_space<semaphore_mem>>)
      %dma_wait3A_880 = arith.constant 31 : i32
      %dma_wait3A_881 = arith.constant 0 : i32
      %dma_wait3A_882 = tpu.memref_slice %arg10[%dma_wait3A_880, %dma_wait3A_881] : memref<32x125xi32, #tpu.memory_space<vmem>> -> memref<1x125xi32, #tpu.memory_space<vmem>>
      %dma_wait3A_883 = tpu.memref_squeeze %dma_wait3A_882 : memref<1x125xi32, #tpu.memory_space<vmem>> -> memref<125xi32, #tpu.memory_space<vmem>>
      %dma_wait3A_884 = arith.constant 0 : i32
      %dma_wait3A_885 = arith.constant 0 : i32
      %dma_wait3A_886 = tpu.memref_slice %arg2[%dma_wait3A_884, %dma_wait3A_885] : memref<20000x128xf32, #tpu.memory_space<hbm>> -> memref<20000x128xf32, #tpu.memory_space<hbm>>
      tpu.wait_indirect_dma semaphore(%arg13 : memref<!tpu.dma_semaphore, #tpu.memory_space<semaphore_mem>>) src(%dma_wait3A_886 : memref<20000x128xf32, #tpu.memory_space<hbm>>) dst(%arg9 : memref<125x128xf32, #tpu.memory_space<vmem>>)
      %dma_start3A_887 = arith.constant 31 : i32
      %dma_start3A_888 = arith.constant 0 : i32
      %dma_start3A_889 = tpu.memref_slice %arg11[%dma_start3A_887, %dma_start3A_888] : memref<32x125xi32, #tpu.memory_space<vmem>> -> memref<1x125xi32, #tpu.memory_space<vmem>>
      %dma_start3A_890 = tpu.memref_squeeze %dma_start3A_889 : memref<1x125xi32, #tpu.memory_space<vmem>> -> memref<125xi32, #tpu.memory_space<vmem>>
      %dma_start3A_891 = arith.constant 0 : i32
      %dma_start3A_892 = arith.constant 0 : i32
      %dma_start3A_893 = tpu.memref_slice %arg7[%dma_start3A_891, %dma_start3A_892] : memref<10000x128xf32, #tpu.memory_space<vmem_shared>> -> memref<10000x128xf32, #tpu.memory_space<vmem_shared>>
      tpu.enqueue_indirect_dma source(%arg9 : memref<125x128xf32, #tpu.memory_space<vmem>>) target(%dma_start3A_893 : memref<10000x128xf32, #tpu.memory_space<vmem_shared>>) offsets(%dma_start3A_890 : memref<125xi32, #tpu.memory_space<vmem>>) semaphore(%arg15 : memref<!tpu.dma_semaphore, #tpu.memory_space<semaphore_mem>>) {add = true}
      %dma_wait3A_894 = arith.constant 30 : i32
      %dma_wait3A_895 = arith.constant 0 : i32
      %dma_wait3A_896 = tpu.memref_slice %arg11[%dma_wait3A_894, %dma_wait3A_895] : memref<32x125xi32, #tpu.memory_space<vmem>> -> memref<1x125xi32, #tpu.memory_space<vmem>>
      %dma_wait3A_897 = tpu.memref_squeeze %dma_wait3A_896 : memref<1x125xi32, #tpu.memory_space<vmem>> -> memref<125xi32, #tpu.memory_space<vmem>>
      %dma_wait3A_898 = arith.constant 0 : i32
      %dma_wait3A_899 = arith.constant 0 : i32
      %dma_wait3A_900 = tpu.memref_slice %arg7[%dma_wait3A_898, %dma_wait3A_899] : memref<10000x128xf32, #tpu.memory_space<vmem_shared>> -> memref<10000x128xf32, #tpu.memory_space<vmem_shared>>
      tpu.wait_indirect_dma semaphore(%arg14 : memref<!tpu.dma_semaphore, #tpu.memory_space<semaphore_mem>>) src(%arg8 : memref<125x128xf32, #tpu.memory_space<vmem>>) dst(%dma_wait3A_900 : memref<10000x128xf32, #tpu.memory_space<vmem_shared>>)
      %dma_wait3A_901 = arith.constant 31 : i32
      %dma_wait3A_902 = arith.constant 0 : i32
      %dma_wait3A_903 = tpu.memref_slice %arg11[%dma_wait3A_901, %dma_wait3A_902] : memref<32x125xi32, #tpu.memory_space<vmem>> -> memref<1x125xi32, #tpu.memory_space<vmem>>
      %dma_wait3A_904 = tpu.memref_squeeze %dma_wait3A_903 : memref<1x125xi32, #tpu.memory_space<vmem>> -> memref<125xi32, #tpu.memory_space<vmem>>
      %dma_wait3A_905 = arith.constant 0 : i32
      %dma_wait3A_906 = arith.constant 0 : i32
      %dma_wait3A_907 = tpu.memref_slice %arg7[%dma_wait3A_905, %dma_wait3A_906] : memref<10000x128xf32, #tpu.memory_space<vmem_shared>> -> memref<10000x128xf32, #tpu.memory_space<vmem_shared>>
      tpu.wait_indirect_dma semaphore(%arg15 : memref<!tpu.dma_semaphore, #tpu.memory_space<semaphore_mem>>) src(%arg9 : memref<125x128xf32, #tpu.memory_space<vmem>>) dst(%dma_wait3A_907 : memref<10000x128xf32, #tpu.memory_space<vmem_shared>>)
    }
    %scan3A_5 = arith.constant 5 : i32
    %barrier3A_6 = arith.constant 0 : index
    tpu.barrier barrier_id(%barrier3A_6)
    %lt3A = arith.constant 10 : i32
    %lt3A_7 = arith.cmpi slt, %arg1, %lt3A : i32
    %convert_element_type3A = arith.extui %lt3A_7 : i1 to i32
    %cond3A = arith.constant 0 : i32
    %cond3A_8 = arith.cmpi ne, %convert_element_type3A, %cond3A : i32
    scf.if %cond3A_8 {
      %mul3A_9 = arith.constant 1000 : i32
      %mul3A_10 = arith.muli %arg1, %mul3A_9 : i32
      "tpu.region"() ({
        %run_scoped3A = tpu.sem_alloc : memref<!tpu.dma_semaphore, #tpu.memory_space<semaphore_mem>>
        %dma_start3A = arith.constant 0 : i32
        %dma_start3A_11 = arith.constant 0 : i32
        %dma_start3A_12 = tpu.memref_slice %arg6[%arg0, %arg1, %dma_start3A, %dma_start3A_11] : memref<2x10x1000x128xf32, #tpu.memory_space<hbm>> -> memref<1x1x1000x128xf32, #tpu.memory_space<hbm>>
        %dma_start3A_13 = tpu.memref_squeeze %dma_start3A_12 : memref<1x1x1000x128xf32, #tpu.memory_space<hbm>> -> memref<1000x128xf32, #tpu.memory_space<hbm>>
        %dma_start3A_14 = arith.constant 0 : i32
        %dma_start3A_15 = tpu.memref_slice %arg7[%mul3A_10, %dma_start3A_14] : memref<10000x128xf32, #tpu.memory_space<vmem_shared>> -> memref<1000x128xf32, #tpu.memory_space<vmem_shared>>
        tpu.enqueue_dma source(%dma_start3A_15 : memref<1000x128xf32, #tpu.memory_space<vmem_shared>>) target(%dma_start3A_13 : memref<1000x128xf32, #tpu.memory_space<hbm>>) target_semaphore(%run_scoped3A : memref<!tpu.dma_semaphore, #tpu.memory_space<semaphore_mem>>)
        %dma_wait3A = arith.constant 0 : i32
        %dma_wait3A_16 = arith.constant 0 : i32
        %dma_wait3A_17 = tpu.memref_slice %arg6[%arg0, %arg1, %dma_wait3A, %dma_wait3A_16] : memref<2x10x1000x128xf32, #tpu.memory_space<hbm>> -> memref<1x1x1000x128xf32, #tpu.memory_space<hbm>>
        %dma_wait3A_18 = tpu.memref_squeeze %dma_wait3A_17 : memref<1x1x1000x128xf32, #tpu.memory_space<hbm>> -> memref<1000x128xf32, #tpu.memory_space<hbm>>
        %dma_wait3A_19 = arith.constant 0 : i32
        %dma_wait3A_20 = tpu.memref_slice %arg7[%mul3A_10, %dma_wait3A_19] : memref<10000x128xf32, #tpu.memory_space<vmem_shared>> -> memref<1000x128xf32, #tpu.memory_space<vmem_shared>>
        tpu.wait_dma2 semaphore(%run_scoped3A : memref<!tpu.dma_semaphore, #tpu.memory_space<semaphore_mem>>) src(%dma_wait3A_20 : memref<1000x128xf32, #tpu.memory_space<vmem_shared>>) dst(%dma_wait3A_18 : memref<1000x128xf32, #tpu.memory_space<hbm>>)
        tpu.yield
      }) : () -> ()
    } else {
    }
    return
  }
}

module attributes {stable_mosaic.version = 14 : i64} {
  func.func @_prep_body(%arg0: i32, %arg1: memref<1000x128xf32, #tpu.memory_space<vmem>>, %arg2: memref<1000x128xf32, #tpu.memory_space<vmem>>, %arg3: memref<128x128xf32, #tpu.memory_space<vmem>>, %arg4: memref<128x128xf32, #tpu.memory_space<vmem>>, %arg5: memref<2x1000x128xf32, #tpu.memory_space<vmem>>, %arg6: memref<2x1000x128xf32, #tpu.memory_space<vmem>>) attributes {dimension_semantics = [#tpu.dimension_semantics<arbitrary>], iteration_bounds = array<i64: 10>, scalar_prefetch = 0 : i64, scratch_operands = 0 : i64, tpu.core_type = #tpu.core_type<tc>, window_params = [{transform_indices = @transform_0, window_bounds = array<i64: 1000, 128>}, {transform_indices = @transform_1, window_bounds = array<i64: 1000, 128>}, {pipeline_mode = #tpu.pipeline_mode<synchronous>, transform_indices = @transform_2, window_bounds = array<i64: 128, 128>}, {pipeline_mode = #tpu.pipeline_mode<synchronous>, transform_indices = @transform_3, window_bounds = array<i64: 128, 128>}, {transform_indices = @transform_4, window_bounds = array<i64: 2, 1000, 128>}, {transform_indices = @transform_5, window_bounds = array<i64: 2, 1000, 128>}]} {
    %get3A = arith.constant 0 : index
    %get3A_0 = arith.constant 0 : index
    %get3A_1 = arith.constant 0 : index
    %get3A_2 = vector.load %arg5[%get3A, %get3A_0, %get3A_1] : memref<2x1000x128xf32, #tpu.memory_space<vmem>>, vector<1x1000x128xf32>
    %get3A_3 = vector.shape_cast %get3A_2 : vector<1x1000x128xf32> to vector<1000x128xf32>
    %slice3A = vector.extract_strided_slice %get3A_3 {offsets = [0, 0], sizes = [1000, 1], strides = [1, 1]} : vector<1000x128xf32> to vector<1000x1xf32>
    %get3A_4 = arith.constant 1 : index
    %get3A_5 = arith.constant 0 : index
    %get3A_6 = arith.constant 0 : index
    %get3A_7 = vector.load %arg5[%get3A_4, %get3A_5, %get3A_6] : memref<2x1000x128xf32, #tpu.memory_space<vmem>>, vector<1x1000x128xf32>
    %get3A_8 = vector.shape_cast %get3A_7 : vector<1x1000x128xf32> to vector<1000x128xf32>
    %slice3A_9 = vector.extract_strided_slice %get3A_8 {offsets = [0, 0], sizes = [1000, 1], strides = [1, 1]} : vector<1000x128xf32> to vector<1000x1xf32>
    %add3A = arith.addf %slice3A, %slice3A_9 : vector<1000x1xf32>
    %add3A_10 = arith.constant 1.000000e+00 : f32
    %add3A_11 = vector.broadcast %add3A_10 : f32 to vector<1000x1xf32>
    %add3A_12 = arith.addf %add3A, %add3A_11 : vector<1000x1xf32>
    %rsqrt3A = math.rsqrt %add3A_12 : vector<1000x1xf32>
    %get3A_13 = arith.constant 0 : index
    %get3A_14 = arith.constant 0 : index
    %get3A_15 = vector.load %arg1[%get3A_13, %get3A_14] : memref<1000x128xf32, #tpu.memory_space<vmem>>, vector<1000x128xf32>
    %get3A_16 = arith.constant 0 : index
    %get3A_17 = arith.constant 0 : index
    %get3A_18 = vector.load %arg3[%get3A_16, %get3A_17] : memref<128x128xf32, #tpu.memory_space<vmem>>, vector<128x128xf32>
    %dot_general3A = arith.constant dense<0.000000e+00> : vector<1000x128xf32>
    %dot_general3A_19 = tpu.matmul %get3A_15, %get3A_18, %dot_general3A {dimension_numbers = #tpu.dot_dimension_numbers<[1], [1], [0], [0], [0, 0, 1, 0], [], []>, transpose_lhs_hint = false} : vector<1000x128xf32>, vector<128x128xf32>, vector<1000x128xf32> -> vector<1000x128xf32>
    %get3A_20 = arith.constant 0 : index
    %get3A_21 = arith.constant 0 : index
    %get3A_22 = vector.load %arg2[%get3A_20, %get3A_21] : memref<1000x128xf32, #tpu.memory_space<vmem>>, vector<1000x128xf32>
    %add3A_23 = arith.addf %get3A_15, %get3A_22 : vector<1000x128xf32>
    %get3A_24 = arith.constant 0 : index
    %get3A_25 = arith.constant 0 : index
    %get3A_26 = vector.load %arg4[%get3A_24, %get3A_25] : memref<128x128xf32, #tpu.memory_space<vmem>>, vector<128x128xf32>
    %dot_general3A_27 = arith.constant dense<0.000000e+00> : vector<1000x128xf32>
    %dot_general3A_28 = tpu.matmul %add3A_23, %get3A_26, %dot_general3A_27 {dimension_numbers = #tpu.dot_dimension_numbers<[1], [1], [0], [0], [0, 0, 1, 0], [], []>, transpose_lhs_hint = false} : vector<1000x128xf32>, vector<128x128xf32>, vector<1000x128xf32> -> vector<1000x128xf32>
    %mul3A = vector.broadcast %rsqrt3A : vector<1000x1xf32> to vector<1000x128xf32>
    %mul3A_29 = arith.mulf %dot_general3A_19, %mul3A : vector<1000x128xf32>
    %swap3A = arith.constant 0 : index
    %swap3A_30 = arith.constant 0 : index
    %swap3A_31 = arith.constant 0 : index
    %swap3A_32 = vector.load %arg6[%swap3A, %swap3A_30, %swap3A_31] : memref<2x1000x128xf32, #tpu.memory_space<vmem>>, vector<1x1000x128xf32>
    %swap3A_33 = vector.shape_cast %swap3A_32 : vector<1x1000x128xf32> to vector<1000x128xf32>
    %swap3A_34 = vector.shape_cast %mul3A_29 : vector<1000x128xf32> to vector<1x1000x128xf32>
    tpu.vector_store %arg6[%swap3A, %swap3A_30, %swap3A_31], %swap3A_34 {strides = array<i32>} : memref<2x1000x128xf32, #tpu.memory_space<vmem>>, vector<1x1000x128xf32>,
    %mul3A_35 = vector.broadcast %rsqrt3A : vector<1000x1xf32> to vector<1000x128xf32>
    %mul3A_36 = arith.mulf %dot_general3A_28, %mul3A_35 : vector<1000x128xf32>
    %swap3A_37 = arith.constant 1 : index
    %swap3A_38 = arith.constant 0 : index
    %swap3A_39 = arith.constant 0 : index
    %swap3A_40 = vector.load %arg6[%swap3A_37, %swap3A_38, %swap3A_39] : memref<2x1000x128xf32, #tpu.memory_space<vmem>>, vector<1x1000x128xf32>
    %swap3A_41 = vector.shape_cast %swap3A_40 : vector<1x1000x128xf32> to vector<1000x128xf32>
    %swap3A_42 = vector.shape_cast %mul3A_36 : vector<1000x128xf32> to vector<1x1000x128xf32>
    tpu.vector_store %arg6[%swap3A_37, %swap3A_38, %swap3A_39], %swap3A_42 {strides = array<i32>} : memref<2x1000x128xf32, #tpu.memory_space<vmem>>, vector<1x1000x128xf32>,
    return
  }
  func.func @transform_0(%arg0: i32) -> (i32, i32) {
    %c0_i32 = arith.constant 0 : i32
    %c0_i32_0 = arith.constant 0 : i32
    return %arg0, %c0_i32 : i32, i32
  }
  func.func @transform_1(%arg0: i32) -> (i32, i32) {
    %c0_i32 = arith.constant 0 : i32
    %c0_i32_0 = arith.constant 0 : i32
    return %arg0, %c0_i32 : i32, i32
  }
  func.func @transform_2(%arg0: i32) -> (i32, i32) {
    %c0_i32 = arith.constant 0 : i32
    %c0_i32_0 = arith.constant 0 : i32
    %c0_i32_1 = arith.constant 0 : i32
    return %c0_i32, %c0_i32_0 : i32, i32
  }
  func.func @transform_3(%arg0: i32) -> (i32, i32) {
    %c0_i32 = arith.constant 0 : i32
    %c0_i32_0 = arith.constant 0 : i32
    %c0_i32_1 = arith.constant 0 : i32
    return %c0_i32, %c0_i32_0 : i32, i32
  }
  func.func @transform_4(%arg0: i32) -> (i32, i32, i32) {
    %c0_i32 = arith.constant 0 : i32
    %c0_i32_0 = arith.constant 0 : i32
    %c0_i32_1 = arith.constant 0 : i32
    return %c0_i32, %arg0, %c0_i32_0 : i32, i32, i32
  }
  func.func @transform_5(%arg0: i32) -> (i32, i32, i32) {
    %c0_i32 = arith.constant 0 : i32
    %c0_i32_0 = arith.constant 0 : i32
    %c0_i32_1 = arith.constant 0 : i32
    return %c0_i32, %arg0, %c0_i32_0 : i32, i32, i32
  }
}

module attributes {stable_mosaic.version = 14 : i64} {
  func.func @_final_body(%arg0: i32, %arg1: memref<2x400x128xf32, #tpu.memory_space<vmem>>, %arg2: memref<2x400x128xf32, #tpu.memory_space<vmem>>, %arg3: memref<2x400x128xf32, #tpu.memory_space<vmem>>, %arg4: memref<400x128xf32, #tpu.memory_space<vmem>>, %arg5: memref<20x400x128xf32, #tpu.memory_space<vmem>>, %arg6: memref<1x128xf32, #tpu.memory_space<vmem>>, %arg7: memref<1x128xf32, #tpu.memory_space<vmem>>, %arg8: memref<400x128xf32, #tpu.memory_space<vmem>>, %arg9: memref<20x400x128xf32, #tpu.memory_space<vmem>>, %arg10: memref<1x128xf32, #tpu.memory_space<vmem>>, %arg11: memref<1x128xf32, #tpu.memory_space<vmem>>) attributes {dimension_semantics = [#tpu.dimension_semantics<arbitrary>], iteration_bounds = array<i64: 25>, scalar_prefetch = 0 : i64, scratch_operands = 0 : i64, tpu.core_type = #tpu.core_type<tc>, window_params = [{transform_indices = @transform_0, window_bounds = array<i64: 2, 400, 128>}, {transform_indices = @transform_1, window_bounds = array<i64: 2, 400, 128>}, {transform_indices = @transform_2, window_bounds = array<i64: 2, 400, 128>}, {transform_indices = @transform_3, window_bounds = array<i64: 400, 128>}, {transform_indices = @transform_4, window_bounds = array<i64: 20, 400, 128>}, {pipeline_mode = #tpu.pipeline_mode<synchronous>, transform_indices = @transform_5, window_bounds = array<i64: 1, 128>}, {pipeline_mode = #tpu.pipeline_mode<synchronous>, transform_indices = @transform_6, window_bounds = array<i64: 1, 128>}, {transform_indices = @transform_7, window_bounds = array<i64: 400, 128>}, {transform_indices = @transform_8, window_bounds = array<i64: 20, 400, 128>}, {pipeline_mode = #tpu.pipeline_mode<synchronous>, transform_indices = @transform_9, window_bounds = array<i64: 1, 128>}, {pipeline_mode = #tpu.pipeline_mode<synchronous>, transform_indices = @transform_10, window_bounds = array<i64: 1, 128>}]} {
    %get3A = arith.constant 0 : index
    %get3A_0 = arith.constant 0 : index
    %get3A_1 = arith.constant 0 : index
    %get3A_2 = vector.load %arg3[%get3A, %get3A_0, %get3A_1] : memref<2x400x128xf32, #tpu.memory_space<vmem>>, vector<1x400x128xf32>
    %get3A_3 = vector.shape_cast %get3A_2 : vector<1x400x128xf32> to vector<400x128xf32>
    %slice3A = vector.extract_strided_slice %get3A_3 {offsets = [0, 0], sizes = [400, 1], strides = [1, 1]} : vector<400x128xf32> to vector<400x1xf32>
    %get3A_4 = arith.constant 1 : index
    %get3A_5 = arith.constant 0 : index
    %get3A_6 = arith.constant 0 : index
    %get3A_7 = vector.load %arg3[%get3A_4, %get3A_5, %get3A_6] : memref<2x400x128xf32, #tpu.memory_space<vmem>>, vector<1x400x128xf32>
    %get3A_8 = vector.shape_cast %get3A_7 : vector<1x400x128xf32> to vector<400x128xf32>
    %slice3A_9 = vector.extract_strided_slice %get3A_8 {offsets = [0, 0], sizes = [400, 1], strides = [1, 1]} : vector<400x128xf32> to vector<400x1xf32>
    %add3A = arith.addf %slice3A, %slice3A_9 : vector<400x1xf32>
    %add3A_10 = arith.constant 1.000000e+00 : f32
    %add3A_11 = vector.broadcast %add3A_10 : f32 to vector<400x1xf32>
    %add3A_12 = arith.addf %add3A, %add3A_11 : vector<400x1xf32>
    %rsqrt3A = math.rsqrt %add3A_12 : vector<400x1xf32>
    %get3A_13 = arith.constant 0 : index
    %get3A_14 = arith.constant 0 : index
    %get3A_15 = vector.load %arg4[%get3A_13, %get3A_14] : memref<400x128xf32, #tpu.memory_space<vmem>>, vector<400x128xf32>
    %get3A_16 = arith.constant 0 : index
    %get3A_17 = arith.constant 0 : index
    %get3A_18 = arith.constant 0 : index
    %get3A_19 = vector.load %arg1[%get3A_16, %get3A_17, %get3A_18] : memref<2x400x128xf32, #tpu.memory_space<vmem>>, vector<1x400x128xf32>
    %get3A_20 = vector.shape_cast %get3A_19 : vector<1x400x128xf32> to vector<400x128xf32>
    %get3A_21 = arith.constant 0 : index
    %get3A_22 = arith.constant 0 : index
    %get3A_23 = arith.constant 0 : index
    %get3A_24 = vector.load %arg2[%get3A_21, %get3A_22, %get3A_23] : memref<2x400x128xf32, #tpu.memory_space<vmem>>, vector<1x400x128xf32>
    %get3A_25 = vector.shape_cast %get3A_24 : vector<1x400x128xf32> to vector<400x128xf32>
    %add3A_26 = arith.addf %get3A_20, %get3A_25 : vector<400x128xf32>
    %mul3A = vector.broadcast %rsqrt3A : vector<400x1xf32> to vector<400x128xf32>
    %mul3A_27 = arith.mulf %mul3A, %add3A_26 : vector<400x128xf32>
    %get3A_28 = arith.constant 0 : index
    %get3A_29 = arith.constant 0 : index
    %get3A_30 = vector.load %arg6[%get3A_28, %get3A_29] : memref<1x128xf32, #tpu.memory_space<vmem>>, vector<1x128xf32>
    %add3A_31 = vector.broadcast %get3A_30 : vector<1x128xf32> to vector<400x128xf32>
    %add3A_32 = arith.addf %mul3A_27, %add3A_31 : vector<400x128xf32>
    %add3A_33 = arith.addf %add3A_32, %get3A_15 : vector<400x128xf32>
    %get3A_34 = arith.constant 1 : index
    %get3A_35 = arith.constant 0 : index
    %get3A_36 = arith.constant 0 : index
    %get3A_37 = vector.load %arg1[%get3A_34, %get3A_35, %get3A_36] : memref<2x400x128xf32, #tpu.memory_space<vmem>>, vector<1x400x128xf32>
    %get3A_38 = vector.shape_cast %get3A_37 : vector<1x400x128xf32> to vector<400x128xf32>
    %get3A_39 = arith.constant 1 : index
    %get3A_40 = arith.constant 0 : index
    %get3A_41 = arith.constant 0 : index
    %get3A_42 = vector.load %arg2[%get3A_39, %get3A_40, %get3A_41] : memref<2x400x128xf32, #tpu.memory_space<vmem>>, vector<1x400x128xf32>
    %get3A_43 = vector.shape_cast %get3A_42 : vector<1x400x128xf32> to vector<400x128xf32>
    %add3A_44 = arith.addf %get3A_38, %get3A_43 : vector<400x128xf32>
    %mul3A_45 = vector.broadcast %rsqrt3A : vector<400x1xf32> to vector<400x128xf32>
    %mul3A_46 = arith.mulf %mul3A_45, %add3A_44 : vector<400x128xf32>
    %get3A_47 = arith.constant 0 : index
    %get3A_48 = arith.constant 0 : index
    %get3A_49 = vector.load %arg7[%get3A_47, %get3A_48] : memref<1x128xf32, #tpu.memory_space<vmem>>, vector<1x128xf32>
    %add3A_50 = vector.broadcast %get3A_49 : vector<1x128xf32> to vector<400x128xf32>
    %add3A_51 = arith.addf %mul3A_46, %add3A_50 : vector<400x128xf32>
    %add3A_52 = arith.addf %add3A_51, %get3A_15 : vector<400x128xf32>
    %swap3A = arith.constant 0 : index
    %swap3A_53 = arith.constant 0 : index
    %swap3A_54 = vector.load %arg8[%swap3A, %swap3A_53] : memref<400x128xf32, #tpu.memory_space<vmem>>, vector<400x128xf32>
    tpu.vector_store %arg8[%swap3A, %swap3A_53], %add3A_33 {strides = array<i32>} : memref<400x128xf32, #tpu.memory_space<vmem>>, vector<400x128xf32>,
    %get3A_55 = arith.constant 0 : index
    %get3A_56 = arith.constant 0 : index
    %get3A_57 = arith.constant 0 : index
    %get3A_58 = vector.load %arg5[%get3A_55, %get3A_56, %get3A_57] : memref<20x400x128xf32, #tpu.memory_space<vmem>>, vector<20x400x128xf32>
    %broadcast_in_dim3A = vector.shape_cast %add3A_52 : vector<400x128xf32> to vector<1x400x128xf32>
    %add3A_59 = vector.broadcast %broadcast_in_dim3A : vector<1x400x128xf32> to vector<20x400x128xf32>
    %add3A_60 = arith.addf %get3A_58, %add3A_59 : vector<20x400x128xf32>
    %swap3A_61 = arith.constant 0 : index
    %swap3A_62 = arith.constant 0 : index
    %swap3A_63 = arith.constant 0 : index
    %swap3A_64 = vector.load %arg9[%swap3A_61, %swap3A_62, %swap3A_63] : memref<20x400x128xf32, #tpu.memory_space<vmem>>, vector<20x400x128xf32>
    tpu.vector_store %arg9[%swap3A_61, %swap3A_62, %swap3A_63], %add3A_60 {strides = array<i32>} : memref<20x400x128xf32, #tpu.memory_space<vmem>>, vector<20x400x128xf32>,
    %reduce_sum3A = arith.constant dense<0.000000e+00> : vector<128xf32>
    %reduce_sum3A_65 = vector.multi_reduction <add>, %add3A_33, %reduce_sum3A [0] : vector<400x128xf32> to vector<128xf32>
    %broadcast_in_dim3A_66 = vector.shape_cast %reduce_sum3A_65 : vector<128xf32> to vector<1x128xf32>
    %reduce_sum3A_67 = arith.constant dense<0.000000e+00> : vector<128xf32>
    %reduce_sum3A_68 = vector.multi_reduction <add>, %get3A_58, %reduce_sum3A_67 [0, 1] : vector<20x400x128xf32> to vector<128xf32>
    %broadcast_in_dim3A_69 = vector.shape_cast %reduce_sum3A_68 : vector<128xf32> to vector<1x128xf32>
    %mul3A_70 = arith.constant 5.000000e-02 : f32
    %mul3A_71 = vector.broadcast %mul3A_70 : f32 to vector<1x128xf32>
    %mul3A_72 = arith.mulf %broadcast_in_dim3A_69, %mul3A_71 : vector<1x128xf32>
    %reduce_sum3A_73 = arith.constant dense<0.000000e+00> : vector<128xf32>
    %reduce_sum3A_74 = vector.multi_reduction <add>, %add3A_52, %reduce_sum3A_73 [0] : vector<400x128xf32> to vector<128xf32>
    %broadcast_in_dim3A_75 = vector.shape_cast %reduce_sum3A_74 : vector<128xf32> to vector<1x128xf32>
    %add3A_76 = arith.addf %mul3A_72, %broadcast_in_dim3A_75 : vector<1x128xf32>
    %eq3A = arith.constant 0 : i32
    %eq3A_77 = arith.cmpi eq, %arg0, %eq3A : i32
    %convert_element_type3A = arith.extui %eq3A_77 : i1 to i32
    %cond3A = arith.constant 0 : i32
    %cond3A_78 = arith.cmpi ne, %convert_element_type3A, %cond3A : i32
    scf.if %cond3A_78 {
      %broadcast_in_dim3A_98 = arith.constant 0.000000e+00 : f32
      %broadcast_in_dim3A_99 = vector.broadcast %broadcast_in_dim3A_98 : f32 to vector<1x128xf32>
      %swap3A_100 = arith.constant 0 : index
      %swap3A_101 = arith.constant 0 : index
      %swap3A_102 = vector.load %arg10[%swap3A_100, %swap3A_101] : memref<1x128xf32, #tpu.memory_space<vmem>>, vector<1x128xf32>
      tpu.vector_store %arg10[%swap3A_100, %swap3A_101], %broadcast_in_dim3A_99 {strides = array<i32>} : memref<1x128xf32, #tpu.memory_space<vmem>>, vector<1x128xf32>,
      %broadcast_in_dim3A_103 = arith.constant 0.000000e+00 : f32
      %broadcast_in_dim3A_104 = vector.broadcast %broadcast_in_dim3A_103 : f32 to vector<1x128xf32>
      %swap3A_105 = arith.constant 0 : index
      %swap3A_106 = arith.constant 0 : index
      %swap3A_107 = vector.load %arg11[%swap3A_105, %swap3A_106] : memref<1x128xf32, #tpu.memory_space<vmem>>, vector<1x128xf32>
      tpu.vector_store %arg11[%swap3A_105, %swap3A_106], %broadcast_in_dim3A_104 {strides = array<i32>} : memref<1x128xf32, #tpu.memory_space<vmem>>, vector<1x128xf32>,
    } else {
    }
    %get3A_79 = arith.constant 0 : index
    %get3A_80 = arith.constant 0 : index
    %get3A_81 = vector.load %arg10[%get3A_79, %get3A_80] : memref<1x128xf32, #tpu.memory_space<vmem>>, vector<1x128xf32>
    %add3A_82 = arith.addf %get3A_81, %broadcast_in_dim3A_66 : vector<1x128xf32>
    %swap3A_83 = arith.constant 0 : index
    %swap3A_84 = arith.constant 0 : index
    %swap3A_85 = vector.load %arg10[%swap3A_83, %swap3A_84] : memref<1x128xf32, #tpu.memory_space<vmem>>, vector<1x128xf32>
    tpu.vector_store %arg10[%swap3A_83, %swap3A_84], %add3A_82 {strides = array<i32>} : memref<1x128xf32, #tpu.memory_space<vmem>>, vector<1x128xf32>,
    %get3A_86 = arith.constant 0 : index
    %get3A_87 = arith.constant 0 : index
    %get3A_88 = vector.load %arg11[%get3A_86, %get3A_87] : memref<1x128xf32, #tpu.memory_space<vmem>>, vector<1x128xf32>
    %add3A_89 = arith.addf %get3A_88, %add3A_76 : vector<1x128xf32>
    %swap3A_90 = arith.constant 0 : index
    %swap3A_91 = arith.constant 0 : index
    %swap3A_92 = vector.load %arg11[%swap3A_90, %swap3A_91] : memref<1x128xf32, #tpu.memory_space<vmem>>, vector<1x128xf32>
    tpu.vector_store %arg11[%swap3A_90, %swap3A_91], %add3A_89 {strides = array<i32>} : memref<1x128xf32, #tpu.memory_space<vmem>>, vector<1x128xf32>,
    %eq3A_93 = arith.constant 24 : i32
    %eq3A_94 = arith.cmpi eq, %arg0, %eq3A_93 : i32
    %convert_element_type3A_95 = arith.extui %eq3A_94 : i1 to i32
    %cond3A_96 = arith.constant 0 : i32
    %cond3A_97 = arith.cmpi ne, %convert_element_type3A_95, %cond3A_96 : i32
    scf.if %cond3A_97 {
      %get3A_98 = arith.constant 0 : index
      %get3A_99 = arith.constant 0 : index
      %get3A_100 = vector.load %arg10[%get3A_98, %get3A_99] : memref<1x128xf32, #tpu.memory_space<vmem>>, vector<1x128xf32>
      %mul3A_101 = arith.constant 9.99999974E-5 : f32
      %mul3A_102 = vector.broadcast %mul3A_101 : f32 to vector<1x128xf32>
      %mul3A_103 = arith.mulf %get3A_100, %mul3A_102 : vector<1x128xf32>
      %swap3A_104 = arith.constant 0 : index
      %swap3A_105 = arith.constant 0 : index
      %swap3A_106 = vector.load %arg10[%swap3A_104, %swap3A_105] : memref<1x128xf32, #tpu.memory_space<vmem>>, vector<1x128xf32>
      tpu.vector_store %arg10[%swap3A_104, %swap3A_105], %mul3A_103 {strides = array<i32>} : memref<1x128xf32, #tpu.memory_space<vmem>>, vector<1x128xf32>,
      %get3A_107 = arith.constant 0 : index
      %get3A_108 = arith.constant 0 : index
      %get3A_109 = vector.load %arg11[%get3A_107, %get3A_108] : memref<1x128xf32, #tpu.memory_space<vmem>>, vector<1x128xf32>
      %mul3A_110 = arith.constant 9.99999974E-5 : f32
      %mul3A_111 = vector.broadcast %mul3A_110 : f32 to vector<1x128xf32>
      %mul3A_112 = arith.mulf %get3A_109, %mul3A_111 : vector<1x128xf32>
      %swap3A_113 = arith.constant 0 : index
      %swap3A_114 = arith.constant 0 : index
      %swap3A_115 = vector.load %arg11[%swap3A_113, %swap3A_114] : memref<1x128xf32, #tpu.memory_space<vmem>>, vector<1x128xf32>
      tpu.vector_store %arg11[%swap3A_113, %swap3A_114], %mul3A_112 {strides = array<i32>} : memref<1x128xf32, #tpu.memory_space<vmem>>, vector<1x128xf32>,
    } else {
    }
    return
  }
  func.func @transform_0(%arg0: i32) -> (i32, i32, i32) {
    %c0_i32 = arith.constant 0 : i32
    %c0_i32_0 = arith.constant 0 : i32
    %c0_i32_1 = arith.constant 0 : i32
    return %c0_i32, %arg0, %c0_i32_0 : i32, i32, i32
  }
  func.func @transform_1(%arg0: i32) -> (i32, i32, i32) {
    %c0_i32 = arith.constant 0 : i32
    %c0_i32_0 = arith.constant 0 : i32
    %c0_i32_1 = arith.constant 0 : i32
    return %c0_i32, %arg0, %c0_i32_0 : i32, i32, i32
  }
  func.func @transform_2(%arg0: i32) -> (i32, i32, i32) {
    %c0_i32 = arith.constant 0 : i32
    %c0_i32_0 = arith.constant 0 : i32
    %c0_i32_1 = arith.constant 0 : i32
    return %c0_i32, %arg0, %c0_i32_0 : i32, i32, i32
  }
  func.func @transform_3(%arg0: i32) -> (i32, i32) {
    %c0_i32 = arith.constant 0 : i32
    %c0_i32_0 = arith.constant 0 : i32
    return %arg0, %c0_i32 : i32, i32
  }
  func.func @transform_4(%arg0: i32) -> (i32, i32, i32) {
    %c0_i32 = arith.constant 0 : i32
    %c0_i32_0 = arith.constant 0 : i32
    %c0_i32_1 = arith.constant 0 : i32
    return %c0_i32, %arg0, %c0_i32_0 : i32, i32, i32
  }
  func.func @transform_5(%arg0: i32) -> (i32, i32) {
    %c0_i32 = arith.constant 0 : i32
    %c0_i32_0 = arith.constant 0 : i32
    %c0_i32_1 = arith.constant 0 : i32
    return %c0_i32, %c0_i32_0 : i32, i32
  }
  func.func @transform_6(%arg0: i32) -> (i32, i32) {
    %c0_i32 = arith.constant 0 : i32
    %c0_i32_0 = arith.constant 0 : i32
    %c0_i32_1 = arith.constant 0 : i32
    return %c0_i32, %c0_i32_0 : i32, i32
  }
  func.func @transform_7(%arg0: i32) -> (i32, i32) {
    %c0_i32 = arith.constant 0 : i32
    %c0_i32_0 = arith.constant 0 : i32
    return %arg0, %c0_i32 : i32, i32
  }
  func.func @transform_8(%arg0: i32) -> (i32, i32, i32) {
    %c0_i32 = arith.constant 0 : i32
    %c0_i32_0 = arith.constant 0 : i32
    %c0_i32_1 = arith.constant 0 : i32
    return %c0_i32, %arg0, %c0_i32_0 : i32, i32, i32
  }
  func.func @transform_9(%arg0: i32) -> (i32, i32) {
    %c0_i32 = arith.constant 0 : i32
    %c0_i32_0 = arith.constant 0 : i32
    %c0_i32_1 = arith.constant 0 : i32
    return %c0_i32, %c0_i32_0 : i32, i32
  }
  func.func @transform_10(%arg0: i32) -> (i32, i32) {
    %c0_i32 = arith.constant 0 : i32
    %c0_i32_0 = arith.constant 0 : i32
    %c0_i32_1 = arith.constant 0 : i32
    return %c0_i32, %c0_i32_0 : i32, i32
  }
}

</mosaic_0001>

<sc_bundles>
// kernel: kernel.6.cloned.1.call-start
scs
__scs_entry_jumppad:
0x0: {  	(pc) =	sbr.rel $0x88, $3  }
0x1: {  	(tag) =	ssettag $0x0;
	lr =	simm.s32 $0x1  }
0x2: {  	[smem:$0x3F99] =	sst lr;
	_ =	strace $0xD0000000  }
0x3: {  	_ = 	snop  }
0x4: {  	_ = 	snop  }
0x5: {  	_ = 	snop  }
0x6: {  	_ = 	snop  }
0x7: {  	_ = 	snop  }
__scs_overlays_trampoline_lowered:
0x8: {  	[smem:$0x3FA8] =	sst s0  }
0x9: {  	[smem:$0x3FA9] =	sst s1  }
0xa: {  	[smem:$0x3FAA] =	sst s2  }
0xb: {  	[smem:$0x3FAB] =	sst s3  }
0xc: {  	[smem:$0x3FAC] =	sst s4  }
0xd: {  	[smem:$0x3FAD] =	sst s5  }
0xe: {  	[smem:$0x3FAE] =	sst s6  }
0xf: {  	[smem:$0x3FAF] =	sst s7  }
0x10: {  	[smem:$0x3FB0] =	sst s8  }
0x11: {  	[smem:$0x3FB1] =	sst s9;
	s0 =	simm.s32 @!p0 $0x0  }
0x12: {  	s1 =	sld [smem:$0x3F97];
	s0 =	simm.s32 @p0 $0x1  }
0x13: {  	[smem:$0x3FB2] =	sst s0;
	s0 =	simm.s32 @!p1 $0x0  }
0x14: {  	s2 =	sld [smem:$0x3F96];
	s0 =	simm.s32 @p1 $0x1  }
0x15: {  	[smem:$0x3FB3] =	sst s0;
	s0 =	simm.s32 @!p2 $0x0  }
0x16: {  	s3 =	sld [smem:$0x3FDB];
	s0 =	simm.s32 @p2 $0x1  }
0x17: {  	s4 =	simm.s32 $0x1BF5;
	[smem:$0x3FB5] =	sst s0  }
0x18: {  	s0 =	sld [smem:$0x3F98];
	_ =	swait.ge [sflag:s4], $0x0  }
0x19: {  	s7 =	sld [smem:$0x3F99]  }
0x1a: {  	s8 =	sadd.s32 $0xFFFFE003, lr  }
0x1b: {  	s9 =	sadd.s32 $0xFFFFFEF7, lr;
	s5 =	simm.s32 $0xFFFFFFFF;
	p2 =	slt.u32 s8, $0xFFFFF086  }
0x1c: {  	p1 =	slt.u32 s9, $0xF7A;
	s5 =	simm.s32 @!p2 $0x0  }
0x1d: {  	s5 =	simm.s32 @p1 $0x1;
	p0 =	seq.s32 s7, s2  }
0x1e: {  	s7 =	smul.u32 @!p0 $0xF7A, s2;
	p2 =	seq.s32 @!p0 s5, $0x0  }
0x1f: {  	s9 =	smul.u32 $0xF7A, s1;
	s8 =	simm.s32 @!p0 $0x1BF5;
	p2 =	por !p2, p0  }
0x20: {  	[sflag:s8] =	ssyncset.s32 @!p0 $0xFFFFF086;
	s6 =	sadd.s32 @!p0 s3, s7;
	s7 =	simm.s32 @!p0 $0x108  }
0x21: {  	s3 =	sadd.s32 s3, s9;
	s6 =	sadd.s32 @!p0 $0x88, s6;
	s7 =	simm.s32 @p2 $0x1082  }
0x22: {  	[simem:s7], [sflag:s8] =	dma.local @!p0 [hbm:s6], $0xF7A  }
0x23: {  	s9 =	sor.u32 $0xD0000000, s2;
	s6 =	simm.s32 $0x108;
	_ =	swait.ge @!p0 [sflag:s8], $0x0  }
0x24: {  	s3 =	sadd.s32 $0x88, s3;
	s6 =	simm.s32 @!p1 $0x1082;
	[sflag:s4] =	ssyncset.s32 $0xFFFFF086  }
0x25: {  	[simem:s6], [sflag:s4] =	dma.local [hbm:s3], $0xF7A  }
0x26: {  	[smem:$0x3F99] =	sst s1;
	(tag) =	ssettag s2;
	_ =	strace s9  }
0x27: {  	s1 =	sld [smem:$0x3FA9]  }
0x28: {  	s2 =	sld [smem:$0x3FAA]  }
0x29: {  	s4 =	sld [smem:$0x3FAC]  }
0x2a: {  	p0 =	seq.s32 s5, $0x0;
	s5 =	sld [smem:$0x3FAD]  }
0x2b: {  	s6 =	sld [smem:$0x3FAE]  }
0x2c: {  	s7 =	sld [smem:$0x3FAF]  }
0x2d: {  	s3 =	simm.s32 $0x108;
	s8 =	sld [smem:$0x3FB0]  }
0x2e: {  	s3 =	simm.s32 @!p0 $0x1082;
	s9 =	sld [smem:$0x3FB1]  }
0x2f: {  	lr =	sadd.s32 s0, s3;
	s0 =	sld [smem:$0x3FA8]  }
0x30: {  	s3 =	sld [smem:$0x3FAB]  }
0x31: {  	[smem:$0x3FB4] =	sst s10  }
0x32: {  	s10 =	sld [smem:$0x3FB2];
	_ =	sdelay $0x3  }
0x33: {  	p0 =	seq.s32 s10, $0x1;
	s10 =	sld [smem:$0x3FB4];
	_ =	sdelay $0x3  }
0x34: {  	[smem:$0x3FB4] =	sst s10  }
0x35: {  	s10 =	sld [smem:$0x3FB3];
	_ =	sdelay $0x3  }
0x36: {  	p1 =	seq.s32 s10, $0x1;
	s10 =	sld [smem:$0x3FB4];
	_ =	sdelay $0x3  }
0x37: {  	[smem:$0x3FB4] =	sst s10  }
0x38: {  	s10 =	sld [smem:$0x3FB5]  }
0x39: {  	_ = 	snop;
	(pc) =	sbr.ind lr, $3  }
0x3a: {  	_ = 	snop  }
0x3b: {  	_ = 	snop  }
0x3c: {  	p2 =	seq.s32 s10, $0x1;
	s10 =	sld [smem:$0x3FB4]  }
0x3d: {  	_ =	shalt  }
0x3e: {  	_ =	shalt  }
0x3f: {  	_ =	shalt  }
0x40: {  	_ =	shalt  }
0x41: {  	_ =	shalt  }
0x42: {  	_ =	shalt  }
0x43: {  	_ =	shalt  }
0x44: {  	_ =	shalt  }
0x45: {  	_ =	shalt  }
0x46: {  	_ =	shalt  }
0x47: {  	_ =	shalt  }
0x48: {  	_ =	shalt  }
0x49: {  	_ =	shalt  }
0x4a: {  	_ =	shalt  }
0x4b: {  	_ =	shalt  }
0x4c: {  	_ =	shalt  }
0x4d: {  	_ =	shalt  }
0x4e: {  	_ =	shalt  }
0x4f: {  	_ =	shalt  }
0x50: {  	_ =	shalt  }
0x51: {  	_ =	shalt  }
0x52: {  	_ =	shalt  }
0x53: {  	_ =	shalt  }
0x54: {  	_ =	shalt  }
0x55: {  	_ =	shalt  }
0x56: {  	_ =	shalt  }
0x57: {  	_ =	shalt  }
0x58: {  	_ =	shalt  }
0x59: {  	_ =	shalt  }
0x5a: {  	_ =	shalt  }
0x5b: {  	_ =	shalt  }
0x5c: {  	_ =	shalt  }
0x5d: {  	_ =	shalt  }
0x5e: {  	_ =	shalt  }
0x5f: {  	_ =	shalt  }
0x60: {  	_ =	shalt  }
0x61: {  	_ =	shalt  }
0x62: {  	_ =	shalt  }
0x63: {  	_ =	shalt  }
0x64: {  	_ =	shalt  }
0x65: {  	_ =	shalt  }
0x66: {  	_ =	shalt  }
0x67: {  	_ =	shalt  }
0x68: {  	_ =	shalt  }
0x69: {  	_ =	shalt  }
0x6a: {  	_ =	shalt  }
0x6b: {  	_ =	shalt  }
0x6c: {  	_ =	shalt  }
0x6d: {  	_ =	shalt  }
0x6e: {  	_ =	shalt  }
0x6f: {  	_ =	shalt  }
0x70: {  	_ =	shalt  }
0x71: {  	_ =	shalt  }
0x72: {  	_ =	shalt  }
0x73: {  	_ =	shalt  }
0x74: {  	_ =	shalt  }
0x75: {  	_ =	shalt  }
0x76: {  	_ =	shalt  }
0x77: {  	_ =	shalt  }
0x78: {  	_ =	shalt  }
0x79: {  	_ =	shalt  }
0x7a: {  	_ =	shalt  }
0x7b: {  	_ =	shalt  }
0x7c: {  	_ =	shalt  }
0x7d: {  	_ =	shalt  }
0x7e: {  	_ =	shalt  }
0x7f: {  	_ =	shalt  }
0x80: {  	_ =	shalt  }
0x81: {  	_ =	shalt  }
0x82: {  	_ =	shalt  }
0x83: {  	_ =	shalt  }
0x84: {  	_ =	shalt  }
0x85: {  	_ =	shalt  }
0x86: {  	_ =	shalt  }
0x87: {  	_ =	shalt  }
.Lfunc_end0:
.L_simem_size_0:
called_computation_lowered:
.L_overlay_start_0:
0x88: {  	s2 =	sld [smem:$0x3FD9]  }
0x89: {  	s3 =	sld [smem:$0x3FFE];
	_ =	sdelay $0x1  }
0x8a: {  	s1 =	srdreg.scid  }
0x8b: {  	s0 =	sand.u32 $0x1, s1  }
0x8c: {  	s14 =	sshll.u32 s0, $0xA;
	s2 =	sadd.s32 s3, s2  }
0x8d: {  	s2 =	sadd.s32 s2, s14  }
0x8e: {  	[smem:$0x3FC0] =	sst s2  }
0x8f: {  	_ = 	snop  }
0x90: {  	s2 =	sld [smem:$0x3FD0];
	_ =	sdelay $0x2  }
0x91: {  	s15 =	simm.s32 $0xA;
	s4 =	simm.s32 $0x10  }
0x92: {  	[smem:s4], [sflag:s15] =	dma.local [hbm:s2], $0x1  }
0x93: {  	_ =	swait.eq [sflag:s15], $0x1  }
0x94: {  	[sflag:s15] =	ssyncset.done $0x0  }
0x95: {  	[sflag:s15] =	ssyncadd.s32 $0xFFFFFFFF  }
0x96: {  	s16 =	sld [smem:$0x11];
	(tm) =	ssettm $0x1  }
0x97: {  	s17 =	sld [smem:$0x3FFB];
	_ =	sdelay $0x3  }
0x98: {  	_ =	strace s17  }
0x99: {  	s3 =	sld [smem:$0x3FFC];
	_ =	sdelay $0x3  }
0x9a: {  	_ =	strace s3  }
0x9b: {  	s3 =	sld [smem:$0x3FFD];
	_ =	sdelay $0x3  }
0x9c: {  	_ =	strace s3  }
0x9d: {  	_ =	strace $0x8FFFFFFF  }
0x9e: {  	s18 =	sld [smem:$0x3FDB];
	_ =	sdelay $0x1  }
0x9f: {  	s19 =	simm.s32 $_scs_section_size  }
0xa0: {  	s5 =	simm.s32 $_size__tile_overlayer_lowered;
	s6 =	simm.s32 $_tile_overlayer_lowered  }
0xa1: {  	s22 =	simm.s32 $0x1BFF;
	s21 =	sshll.u32 s6, $0x1;
	s3 =	sadd.s32 s19, s18  }
0xa2: {  	s7 =	simm.s32 $0x0;
	s20 =	sshll.u32 s5, $0x1;
	s5 =	sadd.s32 s21, s3  }
0xa3: {  	[timem:s7], [sflag:s22] =	dma.local [hbm:s5], s20  }
0xa4: {  	_ =	swait.ge [sflag:s22], s20  }
0xa5: {  	s4 =	ssub.s32 $0x0, s20;
	[sflag:s22] =	ssyncset.done $0x0  }
0xa6: {  	[sflag:s22] =	ssyncadd.s32 s4;
	_ =	sdelay $0x1  }
0xa7: {  	s23 =	simm.s32 $0x1B8B  }
0xa8: {  	_ =	swait.ge [sflag:s23], $0x1  }
0xa9: {  	[sflag:s23] =	ssyncset.done $0x0  }
0xaa: {  	s25 =	simm.s32 $0x1B8E;
	s24 =	sld [smem:$0x3FFE];
	[sflag:s23] =	ssyncadd.s32 $0xFFFFFFFF  }
0xab: {  	s26 =	simm.s32 $execute0_lowered;
	[smem:$0x3FD2] =	sst s25  }
0xac: {  	s5 =	sshll.u32 s26, $0x1;
	_ =	strace $0x80000046;
	[dreg:$0x1] =	wrdreg $0xFFFFFFFF  }
0xad: {  	s28 =	simm.s32 $_size_execute0_lowered;
	s3 =	sadd.s32 s3, s5;
	[dreg:$0x0] =	wrdreg $0x0  }
0xae: {  	s5 =	sshll.u32 s28, $0x1;
	[dreg:$0x2] =	wrdreg s3  }
0xaf: {  	[dreg:$0x3] =	wrdreg s5  }
0xb0: {  	[dreg:$0x4] =	wrdreg $0xC0  }
0xb1: {  	_ =	task [dreg:s7], $0x5FFFF  }
0xb2: {  	[dreg:$0x1] =	wrdreg $0xFFFFFFFF  }
0xb3: {  	[dreg:$0x0] =	wrdreg $0x60  }
0xb4: {  	[dreg:$0x2] =	wrdreg s16  }
0xb5: {  	[dreg:$0x3] =	wrdreg s24  }
0xb6: {  	[dreg:$0x4] =	wrdreg $0x0  }
0xb7: {  	[dreg:$0x5] =	wrdreg $0x9  }
0xb8: {  	_ =	task.clear_ibuf [dreg:s7], $0x6FFFF;
	_ =	strace $0x90000046  }
0xb9: {  	s29 =	simm.s32 $0x9;
	_ =	strace $0x80000048  }
0xba: {  	_ =	swait.ge [sflag:s29], $0x1  }
0xbb: {  	[sflag:s29] =	ssyncadd.s32 $0xFFFFFFFF  }
0xbc: {  	_ =	strace $0x90000048  }
0xbd: {  	_ =	sfence  }
0xbe: {  	s30 =	sld [smem:$0x0];
	_ =	sdelay $0x2  }
0xbf: {  	s31 =	sshll.u32 s1, $0xD;
	s1 =	sshrl.u32 s1, $0x2  }
0xc0: {  	s3 =	sand.u32 $0x4000, s31;
	s1 =	sadd.s32 s1, s30  }
0xc1: {  	s0 =	sor.u32 s3, s0;
	s1 =	sshll.u32 s1, $0x11  }
0xc2: {  	s0 =	sor.u32 s1, s0  }
0xc3: {  	s0 =	sadd.s32 $0x8F2B, s0  }
0xc4: {  	[sflag:s0] =	ssyncadd.remote.s32 $0x1  }
0xc5: {  	_ =	sfence.sel $0xFFFF  }
0xc6: {  	[dreg:$0x0] =	wrdreg $0xFFFFFFFF;
	(pc) =	sbr.abs _section_cstart, $3  }
0xc7: {  	[dreg:$0x1] =	wrdreg $0xFFFFFFFF  }
0xc8: {  	_ =	task.clear_ibuf [dreg:s7], $0x2FFFF;
	_ =	strace $0x9FFFFFFF  }
0xc9: {  	(tm) =	ssettm $0x7FFFFFFF  }
tec
execute0_lowered:
.L_overlay_start_1:
0x0: {  	(tag) =	ssettag $0x1  }
0x1: {  	s7 =	rddreg [dreg:$0x0]  }
0x2: {  	s6 =	rddreg [dreg:$0x1];
	s2 =	srdreg.scid  }
0x3: {  	s1 =	rddreg [dreg:$0x2];
	s8 =	sand.u32 $0x1, s2  }
0x4: {  	s2 =	stileid.u32;
	s9 =	smul.u32 $0x138800, s8  }
0x5: {  	s0 =	rddreg [dreg:$0x3];
	s3 =	simm.s32 $0x0;
	s10 =	smul.u32 $0x1F400, s2  }
0x6: {  	s14 =	simm.s32 $0x7D;
	s16 =	simm.s32 $0x0;
	s26 =	smul.u32 $0x4E200, s2  }
0x7: {  	[smem:$0x7FF] =	sst s3;
	s11 =	ssub.s32 $0x2, s8;
	s8 =	smul.u32 $0x28000, s8  }
0x8: {  	s4 =	sadd.s32 $0x2600, s6;
	s5 =	sadd.s32 $0x1E00, s6;
	s12 =	smul.u32 $0x2800, s2  }
0x9: {  	_ =	strace $0x80000047;
	s30 =	smul.u32 $0x7D000, s2;
	s31 =	sshll.u32 s2, $0x6  }
0xa: {  	p0 =	sgt.u32 s2, $0x9;
	s28 =	sshrl.u32 s11, $0x1;
	s9 =	sadd.s32 s10, s9  }
0xb: {  	s11 =	ssub.s32 s11, s28;
	s29 =	sshrl.u32 s26, $0x2;
	s8 =	sadd.s32 s12, s8  }
0xc: {  	s10 =	sshrl.u32 s30, $0x2;
	s12 =	simm.s32 $0x13880;
	s9 =	sshrl.u32 s9, $0x3  }
0xd: {  	s13 =	sadd.s32 s29, s1;
	s8 =	sshrl.u32 s8, $0x3;
	s15 =	sadd.s32 s10, s1  }
0xe: {  	s9 =	sadd.s32 s9, s6;
	s6 =	sor.u32 $0x1C01, s31;
	s7 =	sadd.s32 s7, s8  }
0xf: {  	s10 =	sshrl.u32 s13, $0x3;
	s13 =	simm.s32 $0x17880;
	s15 =	sshrl.u32 @!p0 s15, $0x3  }
0x10: {  	s8 =	sadd.s32 $0x4E00, s9;
	s9 =	smax.u32 s11, $0x1;
	s11 =	simm.s32 $0x1  }
.LBB2_1:
0x11: {  	[spmem:s10], [sflag:s6] =	dma.local [hbm:s4], $0x2710  }
0x12: {  	_ =	swait.ge [sflag:s11], $0x2710  }
0x13: {  	[sflag:s11] =	ssyncset.done $0x0  }
0x14: {  	[sflag:s11] =	ssyncadd.s32 $0xFFFFD8F0  }
0x15: {  	[tilespmem:s12], [sflag:$0x1] =	stream.linear.gather [hbm4b:s5+s3], $0x3E80, $0x38;
	[tilespmem:$0x1A080] =	vst v63  }
0x16: {  	_ =	swait.ge [sflag:s11], $0x3E80  }
0x17: {  	[sflag:s11] =	ssyncset.done $0x0  }
0x18: {  	[sflag:s11] =	ssyncadd.s32 $0xFFFFC180  }
0x19: {  	[tilespmem:s13], [sflag:$0x1] =	stream.linear.gather [hbm4b:s7+s3], $0x2800, $0x38;
	[tilespmem:$0x1A080] =	vst v63  }
0x1a: {  	_ =	swait.ge [sflag:s11], $0x2800  }
0x1b: {  	[sflag:s11] =	ssyncset.done $0x0  }
0x1c: {  	[sflag:s11] =	ssyncadd.s32 $0xFFFFD800  }
0x1d: {  	s17 =	simm.s32 $0x17880;
	[bflag:$0x0] =	sbarrier.arrive $0xFFFF  }
0x1e: {  	[spmem:s1] =	stream.indirect.scatter.add.f32 [tilespmem:s12], [sflag:$0x1], $0x80, s17, s14, $0xb8;
	[tilespmem:$0x1A080] =	vst v63  }
0x1f: {  	s17 =	simm.s32 $0x200;
	_ =	swait.ge [sflag:s11], $0x3E80  }
.LBB2_2:
0x20: {  	s18 =	sshra.s32 s17, $0x2;
	[sflag:s11] =	ssyncset.done $0x0;
	p1 =	sne.s32 s17, $0x9E00  }
.Ltmp0:
0x21: {  	s18 =	sadd.s32 $0x17880, s18;
	[sflag:s11] =	ssyncadd.s32 $0xFFFFC180;
	(pc) =	sbr.rel @p1 .LBB2_2-.Ltmp0, $3  }
0x22: {  	[spmem:s1] =	stream.indirect.scatter.add.f32 [tilespmem:s12], [sflag:$0x1], $0x80, s18, s14, $0xb8;
	[tilespmem:$0x1A080] =	vst v63  }
0x23: {  	s17 =	sadd.s32 $0x200, s17;
	_ =	sdelay $0x1  }
0x24: {  	_ =	swait.ge [sflag:s11], $0x3E80  }
0x25: {  	[sflag:s11] =	ssyncset.done $0x0;
	s16 =	sadd.s32 $0x1, s16  }
0x26: {  	[sflag:s11] =	ssyncadd.s32 $0xFFFFC180;
	p1 =	sne.s32 s16, s9  }
.Ltmp1:
0x27: {  	s17 =	simm.s32 @!p0 $0x1;
	[bflag:$0x0] =	sbarrier.arrive $0xFFFF;
	(pc) =	sbr.rel @p1 .LBB2_1-.Ltmp1, $4  }
0x28: {  	[hbm:s8], [sflag:s6] =	dma.local @!p0 [spmem:s15], $0x3E80  }
0x29: {  	_ =	swait.ge @!p0 [sflag:s17], $0x3E80  }
0x2a: {  	[sflag:s17] =	ssyncset.done @!p0 $0x0  }
0x2b: {  	[sflag:s17] =	ssyncadd.s32 @!p0 $0xFFFFC180  }
0x2c: {  	_ =	sfence.sel $0x180000  }
0x2d: {  	[bflag:$0x0] =	sbarrier.arrive $0xFFFF  }
0x2e: {  	p0 =	sne.s32 s2, $0x0;
	_ =	strace $0x90000047  }
0x2f: {  	s0 =	sadd.s32 @!p0 $0x100000, s0;
	[bflag:$0x2] =	sbarrier.arrive $0xFFFF  }
0x30: {  	[sflag:s0] =	ssyncadd.tile.s32 @!p0 $0x1;
	_ =	shalt  }
.Lfunc_end2:
_tile_overlayer_lowered:
.L_overlay_start_2:
0x31: {  	(tag) =	ssettag $0x2  }
0x32: {  	s0 =	rddreg [dreg:$0x0];
	s2 =	stileid.u32  }
0x33: {  	s1 =	rddreg [dreg:$0x1];
	p0 =	sne.s32 s2, $0x0  }
0x34: {  	s3 =	rddreg [dreg:$0x2];
	[bflag:$0x3] =	sbarrier.arrive $0xFFFF;
	s2 =	simm.s32 @!p0 $0x1C01  }
0x35: {  	[timem:s3], [sflag:s2] =	dma.local @!p0 [hbm:s0], s1  }
0x36: {  	s0 =	simm.s32 @!p0 $0x1  }
0x37: {  	_ =	swait.ge @!p0 [sflag:s0], s1  }
0x38: {  	s1 =	ssub.s32 @!p0 $0x0, s1;
	[sflag:s0] =	ssyncset.done @!p0 $0x0  }
0x39: {  	[sflag:s0] =	ssyncadd.s32 @!p0 s1  }
0x3a: {  	[bflag:$0x3] =	sbarrier.arrive $0xFFFF  }
0x3b: {  	_ =	shalt  }

// kernel: kernel.9.cloned.1.call-start
scs
__scs_entry_jumppad:
0x0: {  	(pc) =	sbr.rel $0x88, $3  }
0x1: {  	(tag) =	ssettag $0x0;
	lr =	simm.s32 $0x1  }
0x2: {  	[smem:$0x3F99] =	sst lr;
	_ =	strace $0xD0000000  }
0x3: {  	_ = 	snop  }
0x4: {  	_ = 	snop  }
0x5: {  	_ = 	snop  }
0x6: {  	_ = 	snop  }
0x7: {  	_ = 	snop  }
__scs_overlays_trampoline_lowered:
0x8: {  	[smem:$0x3FA8] =	sst s0  }
0x9: {  	[smem:$0x3FA9] =	sst s1  }
0xa: {  	[smem:$0x3FAA] =	sst s2  }
0xb: {  	[smem:$0x3FAB] =	sst s3  }
0xc: {  	[smem:$0x3FAC] =	sst s4  }
0xd: {  	[smem:$0x3FAD] =	sst s5  }
0xe: {  	[smem:$0x3FAE] =	sst s6  }
0xf: {  	[smem:$0x3FAF] =	sst s7  }
0x10: {  	[smem:$0x3FB0] =	sst s8  }
0x11: {  	[smem:$0x3FB1] =	sst s9;
	s0 =	simm.s32 @!p0 $0x0  }
0x12: {  	s1 =	sld [smem:$0x3F97];
	s0 =	simm.s32 @p0 $0x1  }
0x13: {  	[smem:$0x3FB2] =	sst s0;
	s0 =	simm.s32 @!p1 $0x0  }
0x14: {  	s2 =	sld [smem:$0x3F96];
	s0 =	simm.s32 @p1 $0x1  }
0x15: {  	[smem:$0x3FB3] =	sst s0;
	s0 =	simm.s32 @!p2 $0x0  }
0x16: {  	s3 =	sld [smem:$0x3FDB];
	s0 =	simm.s32 @p2 $0x1  }
0x17: {  	s4 =	simm.s32 $0x1BF5;
	[smem:$0x3FB5] =	sst s0  }
0x18: {  	s0 =	sld [smem:$0x3F98];
	_ =	swait.ge [sflag:s4], $0x0  }
0x19: {  	s7 =	sld [smem:$0x3F99]  }
0x1a: {  	s8 =	sadd.s32 $0xFFFFE003, lr  }
0x1b: {  	s9 =	sadd.s32 $0xFFFFFEF7, lr;
	s5 =	simm.s32 $0xFFFFFFFF;
	p2 =	slt.u32 s8, $0xFFFFF086  }
0x1c: {  	p1 =	slt.u32 s9, $0xF7A;
	s5 =	simm.s32 @!p2 $0x0  }
0x1d: {  	s5 =	simm.s32 @p1 $0x1;
	p0 =	seq.s32 s7, s2  }
0x1e: {  	s7 =	smul.u32 @!p0 $0xF7A, s2;
	p2 =	seq.s32 @!p0 s5, $0x0  }
0x1f: {  	s9 =	smul.u32 $0xF7A, s1;
	s8 =	simm.s32 @!p0 $0x1BF5;
	p2 =	por !p2, p0  }
0x20: {  	[sflag:s8] =	ssyncset.s32 @!p0 $0xFFFFF086;
	s6 =	sadd.s32 @!p0 s3, s7;
	s7 =	simm.s32 @!p0 $0x108  }
0x21: {  	s3 =	sadd.s32 s3, s9;
	s6 =	sadd.s32 @!p0 $0x88, s6;
	s7 =	simm.s32 @p2 $0x1082  }
0x22: {  	[simem:s7], [sflag:s8] =	dma.local @!p0 [hbm:s6], $0xF7A  }
0x23: {  	s9 =	sor.u32 $0xD0000000, s2;
	s6 =	simm.s32 $0x108;
	_ =	swait.ge @!p0 [sflag:s8], $0x0  }
0x24: {  	s3 =	sadd.s32 $0x88, s3;
	s6 =	simm.s32 @!p1 $0x1082;
	[sflag:s4] =	ssyncset.s32 $0xFFFFF086  }
0x25: {  	[simem:s6], [sflag:s4] =	dma.local [hbm:s3], $0xF7A  }
0x26: {  	[smem:$0x3F99] =	sst s1;
	(tag) =	ssettag s2;
	_ =	strace s9  }
0x27: {  	s1 =	sld [smem:$0x3FA9]  }
0x28: {  	s2 =	sld [smem:$0x3FAA]  }
0x29: {  	s4 =	sld [smem:$0x3FAC]  }
0x2a: {  	p0 =	seq.s32 s5, $0x0;
	s5 =	sld [smem:$0x3FAD]  }
0x2b: {  	s6 =	sld [smem:$0x3FAE]  }
0x2c: {  	s7 =	sld [smem:$0x3FAF]  }
0x2d: {  	s3 =	simm.s32 $0x108;
	s8 =	sld [smem:$0x3FB0]  }
0x2e: {  	s3 =	simm.s32 @!p0 $0x1082;
	s9 =	sld [smem:$0x3FB1]  }
0x2f: {  	lr =	sadd.s32 s0, s3;
	s0 =	sld [smem:$0x3FA8]  }
0x30: {  	s3 =	sld [smem:$0x3FAB]  }
0x31: {  	[smem:$0x3FB4] =	sst s10  }
0x32: {  	s10 =	sld [smem:$0x3FB2];
	_ =	sdelay $0x3  }
0x33: {  	p0 =	seq.s32 s10, $0x1;
	s10 =	sld [smem:$0x3FB4];
	_ =	sdelay $0x3  }
0x34: {  	[smem:$0x3FB4] =	sst s10  }
0x35: {  	s10 =	sld [smem:$0x3FB3];
	_ =	sdelay $0x3  }
0x36: {  	p1 =	seq.s32 s10, $0x1;
	s10 =	sld [smem:$0x3FB4];
	_ =	sdelay $0x3  }
0x37: {  	[smem:$0x3FB4] =	sst s10  }
0x38: {  	s10 =	sld [smem:$0x3FB5]  }
0x39: {  	_ = 	snop;
	(pc) =	sbr.ind lr, $3  }
0x3a: {  	_ = 	snop  }
0x3b: {  	_ = 	snop  }
0x3c: {  	p2 =	seq.s32 s10, $0x1;
	s10 =	sld [smem:$0x3FB4]  }
0x3d: {  	_ =	shalt  }
0x3e: {  	_ =	shalt  }
0x3f: {  	_ =	shalt  }
0x40: {  	_ =	shalt  }
0x41: {  	_ =	shalt  }
0x42: {  	_ =	shalt  }
0x43: {  	_ =	shalt  }
0x44: {  	_ =	shalt  }
0x45: {  	_ =	shalt  }
0x46: {  	_ =	shalt  }
0x47: {  	_ =	shalt  }
0x48: {  	_ =	shalt  }
0x49: {  	_ =	shalt  }
0x4a: {  	_ =	shalt  }
0x4b: {  	_ =	shalt  }
0x4c: {  	_ =	shalt  }
0x4d: {  	_ =	shalt  }
0x4e: {  	_ =	shalt  }
0x4f: {  	_ =	shalt  }
0x50: {  	_ =	shalt  }
0x51: {  	_ =	shalt  }
0x52: {  	_ =	shalt  }
0x53: {  	_ =	shalt  }
0x54: {  	_ =	shalt  }
0x55: {  	_ =	shalt  }
0x56: {  	_ =	shalt  }
0x57: {  	_ =	shalt  }
0x58: {  	_ =	shalt  }
0x59: {  	_ =	shalt  }
0x5a: {  	_ =	shalt  }
0x5b: {  	_ =	shalt  }
0x5c: {  	_ =	shalt  }
0x5d: {  	_ =	shalt  }
0x5e: {  	_ =	shalt  }
0x5f: {  	_ =	shalt  }
0x60: {  	_ =	shalt  }
0x61: {  	_ =	shalt  }
0x62: {  	_ =	shalt  }
0x63: {  	_ =	shalt  }
0x64: {  	_ =	shalt  }
0x65: {  	_ =	shalt  }
0x66: {  	_ =	shalt  }
0x67: {  	_ =	shalt  }
0x68: {  	_ =	shalt  }
0x69: {  	_ =	shalt  }
0x6a: {  	_ =	shalt  }
0x6b: {  	_ =	shalt  }
0x6c: {  	_ =	shalt  }
0x6d: {  	_ =	shalt  }
0x6e: {  	_ =	shalt  }
0x6f: {  	_ =	shalt  }
0x70: {  	_ =	shalt  }
0x71: {  	_ =	shalt  }
0x72: {  	_ =	shalt  }
0x73: {  	_ =	shalt  }
0x74: {  	_ =	shalt  }
0x75: {  	_ =	shalt  }
0x76: {  	_ =	shalt  }
0x77: {  	_ =	shalt  }
0x78: {  	_ =	shalt  }
0x79: {  	_ =	shalt  }
0x7a: {  	_ =	shalt  }
0x7b: {  	_ =	shalt  }
0x7c: {  	_ =	shalt  }
0x7d: {  	_ =	shalt  }
0x7e: {  	_ =	shalt  }
0x7f: {  	_ =	shalt  }
0x80: {  	_ =	shalt  }
0x81: {  	_ =	shalt  }
0x82: {  	_ =	shalt  }
0x83: {  	_ =	shalt  }
0x84: {  	_ =	shalt  }
0x85: {  	_ =	shalt  }
0x86: {  	_ =	shalt  }
0x87: {  	_ =	shalt  }
.Lfunc_end0:
.L_simem_size_0:
called_computation.1_lowered:
.L_overlay_start_0:
0x88: {  	s2 =	sld [smem:$0x3FD9]  }
0x89: {  	s3 =	sld [smem:$0x3FFE];
	_ =	sdelay $0x1  }
0x8a: {  	s1 =	srdreg.scid  }
0x8b: {  	s0 =	sand.u32 $0x1, s1  }
0x8c: {  	s14 =	sshll.u32 s0, $0xA;
	s2 =	sadd.s32 s3, s2  }
0x8d: {  	s2 =	sadd.s32 s2, s14  }
0x8e: {  	[smem:$0x3FC0] =	sst s2  }
0x8f: {  	_ = 	snop  }
0x90: {  	s2 =	sld [smem:$0x3FD0];
	_ =	sdelay $0x2  }
0x91: {  	s15 =	simm.s32 $0xA;
	s4 =	simm.s32 $0x10  }
0x92: {  	[smem:s4], [sflag:s15] =	dma.local [hbm:s2], $0x1  }
0x93: {  	_ =	swait.eq [sflag:s15], $0x1  }
0x94: {  	[sflag:s15] =	ssyncset.done $0x0  }
0x95: {  	s16 =	sld [smem:$0x10];
	[sflag:s15] =	ssyncadd.s32 $0xFFFFFFFF  }
0x96: {  	s17 =	sld [smem:$0x11];
	(tm) =	ssettm $0x1  }
0x97: {  	s18 =	sld [smem:$0x3FFB];
	_ =	sdelay $0x3  }
0x98: {  	_ =	strace s18  }
0x99: {  	s4 =	sld [smem:$0x3FFC];
	_ =	sdelay $0x3  }
0x9a: {  	_ =	strace s4  }
0x9b: {  	s4 =	sld [smem:$0x3FFD];
	_ =	sdelay $0x3  }
0x9c: {  	_ =	strace s4  }
0x9d: {  	_ =	strace $0x8FFFFFFF  }
0x9e: {  	s19 =	sld [smem:$0x3FDB];
	_ =	sdelay $0x1  }
0x9f: {  	s5 =	simm.s32 $_scs_section_size  }
0xa0: {  	s6 =	simm.s32 $_size__tile_overlayer_lowered;
	s7 =	simm.s32 $_tile_overlayer_lowered  }
0xa1: {  	s22 =	simm.s32 $0x1BFF;
	s21 =	sshll.u32 s7, $0x1;
	s4 =	sadd.s32 s5, s19  }
0xa2: {  	s8 =	simm.s32 $0x0;
	s20 =	sshll.u32 s6, $0x1;
	s6 =	sadd.s32 s21, s4  }
0xa3: {  	[timem:s8], [sflag:s22] =	dma.local [hbm:s6], s20  }
0xa4: {  	_ =	swait.ge [sflag:s22], s20  }
0xa5: {  	s5 =	ssub.s32 $0x0, s20;
	[sflag:s22] =	ssyncset.done $0x0  }
0xa6: {  	[sflag:s22] =	ssyncadd.s32 s5;
	_ =	sdelay $0x1  }
0xa7: {  	s23 =	simm.s32 $0x1B8B  }
0xa8: {  	_ =	swait.ge [sflag:s23], $0x1  }
0xa9: {  	[sflag:s23] =	ssyncset.done $0x0  }
0xaa: {  	s25 =	simm.s32 $0x1B8E;
	s24 =	sld [smem:$0x3FFE];
	[sflag:s23] =	ssyncadd.s32 $0xFFFFFFFF  }
0xab: {  	s26 =	simm.s32 $execute0_lowered;
	[smem:$0x3FD2] =	sst s25  }
0xac: {  	s6 =	sshll.u32 s26, $0x1;
	_ =	strace $0x80000049;
	[dreg:$0x1] =	wrdreg $0xFFFFFFFF  }
0xad: {  	s28 =	simm.s32 $_size_execute0_lowered;
	s4 =	sadd.s32 s4, s6;
	[dreg:$0x0] =	wrdreg $0x0  }
0xae: {  	s6 =	sshll.u32 s28, $0x1;
	[dreg:$0x2] =	wrdreg s4  }
0xaf: {  	[dreg:$0x3] =	wrdreg s6  }
0xb0: {  	[dreg:$0x4] =	wrdreg $0xC0  }
0xb1: {  	_ =	task [dreg:s8], $0x5FFFF  }
0xb2: {  	[dreg:$0x1] =	wrdreg $0xFFFFFFFF  }
0xb3: {  	[dreg:$0x0] =	wrdreg $0x60  }
0xb4: {  	[dreg:$0x2] =	wrdreg s24  }
0xb5: {  	[dreg:$0x3] =	wrdreg s16  }
0xb6: {  	[dreg:$0x4] =	wrdreg s17  }
0xb7: {  	[dreg:$0x5] =	wrdreg $0x0  }
0xb8: {  	[dreg:$0x6] =	wrdreg $0x9  }
0xb9: {  	_ =	task.clear_ibuf [dreg:s8], $0x7FFFF;
	_ =	strace $0x90000049  }
0xba: {  	s29 =	simm.s32 $0x9;
	_ =	strace $0x8000004B  }
0xbb: {  	_ =	swait.ge [sflag:s29], $0x1  }
0xbc: {  	[sflag:s29] =	ssyncadd.s32 $0xFFFFFFFF  }
0xbd: {  	_ =	strace $0x9000004B  }
0xbe: {  	_ =	sfence  }
0xbf: {  	s30 =	sld [smem:$0x0];
	_ =	sdelay $0x2  }
0xc0: {  	s31 =	sshll.u32 s1, $0xD;
	s1 =	sshrl.u32 s1, $0x2  }
0xc1: {  	s3 =	sand.u32 $0x4000, s31;
	s1 =	sadd.s32 s1, s30  }
0xc2: {  	s0 =	sor.u32 s3, s0;
	s1 =	sshll.u32 s1, $0x11  }
0xc3: {  	s0 =	sor.u32 s1, s0  }
0xc4: {  	s0 =	sadd.s32 $0x8F2B, s0  }
0xc5: {  	[sflag:s0] =	ssyncadd.remote.s32 $0x1  }
0xc6: {  	_ =	sfence.sel $0xFFFF  }
0xc7: {  	[dreg:$0x0] =	wrdreg $0xFFFFFFFF;
	(pc) =	sbr.abs _section_cstart, $3  }
0xc8: {  	[dreg:$0x1] =	wrdreg $0xFFFFFFFF  }
0xc9: {  	_ =	task.clear_ibuf [dreg:s8], $0x2FFFF;
	_ =	strace $0x9FFFFFFF  }
0xca: {  	(tm) =	ssettm $0x7FFFFFFF  }
0xcb: {  	_ =	shalt  }
tec
execute0_lowered:
.L_overlay_start_1:
0x0: {  	(tag) =	ssettag $0x1  }
0x1: {  	s5 =	rddreg [dreg:$0x0]  }
0x2: {  	s4 =	rddreg [dreg:$0x1]  }
0x3: {  	s0 =	rddreg [dreg:$0x2]  }
0x4: {  	s2 =	rddreg [dreg:$0x3];
	s3 =	simm.s32 $0x0  }
0x5: {  	s26 =	simm.s32 $0x1B900;
	[smem:$0x7FF] =	sst s3  }
0x6: {  	s9 =	simm.s32 $0x1BA00;
	_ =	strace $0x8000004A;
	[dreg:$0x7] =	wrdreg s26  }
0x7: {  	s10 =	simm.s32 $0x1CA00;
	[dreg:$0xb] =	wrdreg s9  }
0x8: {  	s11 =	simm.s32 $0x1BA80;
	[dreg:$0xc] =	wrdreg s10  }
0x9: {  	s12 =	simm.s32 $0x1CA80;
	[dreg:$0xd] =	wrdreg s11  }
0xa: {  	s13 =	simm.s32 $0x1BB00;
	[dreg:$0xe] =	wrdreg s12  }
0xb: {  	s14 =	simm.s32 $0x1CB00;
	[dreg:$0xf] =	wrdreg s13  }
0xc: {  	s15 =	simm.s32 $0x1BB80;
	[dreg:$0x10] =	wrdreg s14  }
0xd: {  	s16 =	simm.s32 $0x1CB80;
	[dreg:$0x11] =	wrdreg s15  }
0xe: {  	s17 =	simm.s32 $0x1BC00;
	[dreg:$0x12] =	wrdreg s16  }
0xf: {  	s18 =	simm.s32 $0x1CC00;
	[dreg:$0x13] =	wrdreg s17  }
0x10: {  	s1 =	srdreg.scid;
	s19 =	simm.s32 $0x1BC80;
	[dreg:$0x14] =	wrdreg s18  }
0x11: {  	s24 =	stileid.u32;
	s20 =	simm.s32 $0x1CC80;
	[dreg:$0x15] =	wrdreg s19  }
0x12: {  	s21 =	simm.s32 $0x1BD00;
	s22 =	simm.s32 $0x1CD00;
	[dreg:$0x16] =	wrdreg s20  }
0x13: {  	s28 =	simm.s32 $0x1C680;
	s29 =	simm.s32 $0x1D680;
	[dreg:$0x17] =	wrdreg s21  }
0x14: {  	s30 =	simm.s32 $0x1C700;
	[dreg:$0x18] =	wrdreg s22;
	s9 =	simm.s32 $0x1CE00  }
0x15: {  	s31 =	simm.s32 $0x1D700;
	s11 =	simm.s32 $0x1BE80;
	[dreg:$0x1c] =	wrdreg s9  }
0x16: {  	s1 =	sand.u32 $0x1, s1;
	s12 =	simm.s32 $0x1CE80;
	[dreg:$0x1d] =	wrdreg s11  }
0x17: {  	s7 =	smul.u32 $0x5000, s24;
	s14 =	simm.s32 $0x1BF00;
	[dreg:$0x1e] =	wrdreg s12  }
0x18: {  	s8 =	smul.u32 $0xA00, s24;
	s15 =	simm.s32 $0x1CF00;
	[dreg:$0x1f] =	wrdreg s14  }
0x19: {  	p0 =	sgt.u32 s24, $0x9;
	s17 =	simm.s32 $0x1BF80;
	[smem:$0x7E2] =	sst s15  }
0x1a: {  	s6 =	smul.u32 $0x50000, s1;
	s18 =	simm.s32 $0x1CF80;
	[smem:$0x7E3] =	sst s17  }
0x1b: {  	s26 =	ssub.s32 $0x2, s1;
	s19 =	simm.s32 $0x1C000;
	[smem:$0x7E4] =	sst s18  }
0x1c: {  	s10 =	smul.u32 $0x4E200, s24;
	s20 =	simm.s32 $0x1D000;
	[smem:$0x7E5] =	sst s19  }
0x1d: {  	s16 =	sshll.u32 s24, $0x6;
	s21 =	simm.s32 $0x1C080;
	[smem:$0x7E6] =	sst s20  }
0x1e: {  	s1 =	smul.u32 $0x138800, s1;
	s22 =	simm.s32 $0x1D080;
	[smem:$0x7E7] =	sst s21  }
0x1f: {  	s23 =	sadd.s32 s8, s5;
	s8 =	simm.s32 $0x1C980;
	[smem:$0x7E8] =	sst s22  }
0x20: {  	s9 =	smul.u32 $0x1F400, s24;
	s12 =	simm.s32 $0x1C200;
	[dreg:$0xa] =	wrdreg s8  }
0x21: {  	s14 =	simm.s32 $0x1D200;
	s15 =	simm.s32 $0x1C280;
	[smem:$0x7F0] =	sst s12  }
0x22: {  	s17 =	simm.s32 $0x1C300;
	s18 =	simm.s32 $0x1D300;
	[smem:$0x7F1] =	sst s14  }
0x23: {  	s19 =	simm.s32 $0x1C380;
	s20 =	simm.s32 $0x1D380;
	[smem:$0x7F2] =	sst s15  }
0x24: {  	s21 =	simm.s32 $0x1C400;
	s22 =	simm.s32 $0x1D400;
	[smem:$0x7F4] =	sst s17  }
0x25: {  	s6 =	sadd.s32 s6, s7;
	s25 =	sadd.s32 $0x53000, s23;
	[smem:$0x7F5] =	sst s18  }
0x26: {  	s7 =	simm.s32 $0x1B980;
	s23 =	simm.s32 $0x1BD80;
	[smem:$0x7F6] =	sst s19  }
0x27: {  	s8 =	sshrl.u32 s26, $0x1;
	s13 =	sshrl.u32 s10, $0x2;
	[smem:$0x7F7] =	sst s20  }
0x28: {  	s10 =	simm.s32 $0x1D180;
	s12 =	simm.s32 $0x1C880;
	[smem:$0x7F8] =	sst s21  }
0x29: {  	s14 =	simm.s32 $0x13880;
	s15 =	simm.s32 $0x1;
	[smem:$0x7F9] =	sst s22  }
0x2a: {  	s17 =	simm.s32 $0x2;
	s18 =	simm.s32 $0x3;
	[dreg:$0x6] =	wrdreg s25  }
0x2b: {  	s19 =	simm.s32 $0x4;
	s20 =	simm.s32 $0x1C500;
	[dreg:$0x9] =	wrdreg s7  }
0x2c: {  	s21 =	simm.s32 $0x1D500;
	s22 =	simm.s32 $0x1C580;
	[dreg:$0x19] =	wrdreg s23  }
0x2d: {  	s6 =	sshrl.u32 s6, $0x3;
	s25 =	simm.s32 $0x1CD80;
	[smem:$0x7EE] =	sst s10  }
0x2e: {  	s7 =	simm.s32 $0x1BE00;
	s1 =	sadd.s32 s9, s1;
	[dreg:$0x1a] =	wrdreg s25  }
0x2f: {  	s23 =	smul.u32 $0x7D000, s24;
	s9 =	simm.s32 $0x1C180;
	[dreg:$0x1b] =	wrdreg s7  }
0x30: {  	s10 =	simm.s32 $0x5;
	s4 =	sadd.s32 s6, s4;
	[smem:$0x7EC] =	sst s9  }
0x31: {  	s24 =	simm.s32 $0x1C600;
	s6 =	simm.s32 $0x1C900;
	[dreg:$0x5] =	wrdreg s4  }
0x32: {  	s25 =	sor.u32 $0x1C05, s16;
	s16 =	simm.s32 $0x1D280;
	[dreg:$0x8] =	wrdreg s6  }
0x33: {  	s7 =	sadd.s32 s13, s2;
	s1 =	sshrl.u32 s1, $0x3;
	[smem:$0x7F3] =	sst s16  }
0x34: {  	s4 =	sadd.s32 $0x5D000, s5;
	s5 =	sadd.s32 $0x2600, s5;
	[smem:$0x7FD] =	sst s25  }
0x35: {  	s9 =	simm.s32 $0x0;
	s0 =	sadd.s32 s0, s1;
	[smem:$0x7E1] =	sst s5  }
0x36: {  	s6 =	ssub.s32 s26, s8;
	s26 =	simm.s32 $0x1C100;
	[smem:$0x7E9] =	sst s0  }
0x37: {  	s8 =	sshrl.u32 s23, $0x2;
	s13 =	sshrl.u32 s7, $0x3;
	[smem:$0x7EA] =	sst s26  }
0x38: {  	s16 =	simm.s32 $0x17880;
	s23 =	simm.s32 $0x1C480;
	[smem:$0x7EF] =	sst s13  }
0x39: {  	s7 =	simm.s32 $0x1D800;
	s5 =	simm.s32 $0x1D100;
	[smem:$0x7FA] =	sst s23  }
0x3a: {  	s1 =	sadd.s32 s8, s2;
	s11 =	smax.u32 s6, $0x1;
	[smem:$0x7EB] =	sst s5  }
0x3b: {  	s13 =	simm.s32 $0x7D;
	s26 =	simm.s32 $0x1D480;
	[smem:$0x7ED] =	sst s11  }
0x3c: {  	s23 =	simm.s32 $0x1D580;
	s11 =	simm.s32 $0x1B880;
	[smem:$0x7FB] =	sst s26  }
0x3d: {  	s0 =	sshrl.u32 @!p0 s1, $0x3;
	s26 =	simm.s32 $0x1D600;
	s1 =	simm.s32 $0x1C780  }
0x3e: {  	s5 =	simm.s32 $0x1C800;
	[smem:$0x7FC] =	sst s0;
	s0 =	simm.s32 $0x1D780  }
.LBB2_1:
0x3f: {  	s6 =	sld [smem:$0x7E1]  }
0x40: {  	s8 =	sld [smem:$0x7EF];
	_ =	sdelay $0x1  }
0x41: {  	[smem:$0x7E0] =	sst s9  }
0x42: {  	[spmem:s8], [sflag:s25] =	dma.local [hbm:s6], $0x2710  }
0x43: {  	_ =	swait.ge [sflag:s10], $0x2710  }
0x44: {  	[sflag:s10] =	ssyncset.done $0x0  }
0x45: {  	[sflag:s10] =	ssyncadd.s32 $0xFFFFD8F0  }
0x46: {  	[bflag:$0x0] =	sbarrier.arrive $0xFFFF  }
0x47: {  	s9 =	rddreg [dreg:$0x5]  }
0x48: {  	s6 =	sadd.s32 $0x0, s9  }
0x49: {  	[tilespmem:s11], [sflag:$0x5] =	stream.linear.gather [hbm4b:s6+s3], $0x1000, $0x38;
	[tilespmem:$0x1D880] =	vst v63  }
0x4a: {  	_ =	swait.ge [sflag:s10], $0x1000  }
0x4b: {  	s25 =	rddreg [dreg:$0x6];
	[sflag:s10] =	ssyncset.done $0x0  }
0x4c: {  	[sflag:s10] =	ssyncadd.s32 $0xFFFFF000;
	s6 =	sadd.s32 $0x0, s25  }
0x4d: {  	[tilespmem:s12], [sflag:$0x5] =	stream.linear.gather [hbm4b:s6+s3], $0x1000, $0x38;
	[tilespmem:$0x1D880] =	vst v63  }
0x4e: {  	_ =	swait.ge [sflag:s10], $0x1000  }
0x4f: {  	[sflag:s10] =	ssyncset.done $0x0  }
0x50: {  	[sflag:s10] =	ssyncadd.s32 $0xFFFFF000  }
0x51: {  	[tilespmem:s14], [sflag:$0x1] =	stream.indirect.gather [hbm4b:s4+s13], $0x80, s11, s13, $0xb8;
	[tilespmem:$0x1D880] =	vst v63  }
0x52: {  	_ =	swait.ge [sflag:s15], $0x3E80  }
0x53: {  	[sflag:s15] =	ssyncset.done $0x0  }
0x54: {  	[sflag:s15] =	ssyncadd.s32 $0xFFFFC180  }
0x55: {  	[spmem:s2] =	stream.indirect.scatter.add.f32 [tilespmem:s14], [sflag:$0x3], $0x80, s12, s13, $0xb8;
	[tilespmem:$0x1D880] =	vst v63  }
0x56: {  	s8 =	rddreg [dreg:$0x7]  }
0x57: {  	[tilespmem:s16], [sflag:$0x2] =	stream.indirect.gather [hbm4b:s4+s13], $0x80, s8, s13, $0xb8;
	[tilespmem:$0x1D880] =	vst v63  }
0x58: {  	_ =	swait.ge [sflag:s17], $0x3E80  }
0x59: {  	[sflag:s17] =	ssyncset.done $0x0  }
0x5a: {  	s9 =	rddreg [dreg:$0x8];
	[sflag:s17] =	ssyncadd.s32 $0xFFFFC180  }
0x5b: {  	[spmem:s2] =	stream.indirect.scatter.add.f32 [tilespmem:s16], [sflag:$0x4], $0x80, s9, s13, $0xb8;
	[tilespmem:$0x1D880] =	vst v63  }
0x5c: {  	_ =	swait.ge [sflag:s18], $0x3E80  }
0x5d: {  	[sflag:s18] =	ssyncset.done $0x0  }
0x5e: {  	s25 =	rddreg [dreg:$0x9];
	[sflag:s18] =	ssyncadd.s32 $0xFFFFC180  }
0x5f: {  	[tilespmem:s14], [sflag:$0x1] =	stream.indirect.gather [hbm4b:s4+s13], $0x80, s25, s13, $0xb8;
	[tilespmem:$0x1D880] =	vst v63  }
0x60: {  	_ =	swait.ge [sflag:s15], $0x3E80  }
0x61: {  	[sflag:s15] =	ssyncset.done $0x0  }
0x62: {  	s8 =	rddreg [dreg:$0xa];
	[sflag:s15] =	ssyncadd.s32 $0xFFFFC180  }
0x63: {  	[spmem:s2] =	stream.indirect.scatter.add.f32 [tilespmem:s14], [sflag:$0x3], $0x80, s8, s13, $0xb8;
	[tilespmem:$0x1D880] =	vst v63  }
0x64: {  	_ =	swait.ge [sflag:s19], $0x3E80  }
0x65: {  	[sflag:s19] =	ssyncset.done $0x0  }
0x66: {  	s9 =	rddreg [dreg:$0xb];
	[sflag:s19] =	ssyncadd.s32 $0xFFFFC180  }
0x67: {  	[tilespmem:s16], [sflag:$0x2] =	stream.indirect.gather [hbm4b:s4+s13], $0x80, s9, s13, $0xb8;
	[tilespmem:$0x1D880] =	vst v63  }
0x68: {  	_ =	swait.ge [sflag:s17], $0x3E80  }
0x69: {  	[sflag:s17] =	ssyncset.done $0x0  }
0x6a: {  	s25 =	rddreg [dreg:$0xc];
	[sflag:s17] =	ssyncadd.s32 $0xFFFFC180  }
0x6b: {  	[spmem:s2] =	stream.indirect.scatter.add.f32 [tilespmem:s16], [sflag:$0x4], $0x80, s25, s13, $0xb8;
	[tilespmem:$0x1D880] =	vst v63  }
0x6c: {  	_ =	swait.ge [sflag:s18], $0x3E80  }
0x6d: {  	[sflag:s18] =	ssyncset.done $0x0  }
0x6e: {  	s8 =	rddreg [dreg:$0xd];
	[sflag:s18] =	ssyncadd.s32 $0xFFFFC180  }
0x6f: {  	[tilespmem:s14], [sflag:$0x1] =	stream.indirect.gather [hbm4b:s4+s13], $0x80, s8, s13, $0xb8;
	[tilespmem:$0x1D880] =	vst v63  }
0x70: {  	_ =	swait.ge [sflag:s15], $0x3E80  }
0x71: {  	[sflag:s15] =	ssyncset.done $0x0  }
0x72: {  	s9 =	rddreg [dreg:$0xe];
	[sflag:s15] =	ssyncadd.s32 $0xFFFFC180  }
0x73: {  	[spmem:s2] =	stream.indirect.scatter.add.f32 [tilespmem:s14], [sflag:$0x3], $0x80, s9, s13, $0xb8;
	[tilespmem:$0x1D880] =	vst v63  }
0x74: {  	_ =	swait.ge [sflag:s19], $0x3E80  }
0x75: {  	[sflag:s19] =	ssyncset.done $0x0  }
0x76: {  	s25 =	rddreg [dreg:$0xf];
	[sflag:s19] =	ssyncadd.s32 $0xFFFFC180  }
0x77: {  	[tilespmem:s16], [sflag:$0x2] =	stream.indirect.gather [hbm4b:s4+s13], $0x80, s25, s13, $0xb8;
	[tilespmem:$0x1D880] =	vst v63  }
0x78: {  	_ =	swait.ge [sflag:s17], $0x3E80  }
0x79: {  	[sflag:s17] =	ssyncset.done $0x0  }
0x7a: {  	s8 =	rddreg [dreg:$0x10];
	[sflag:s17] =	ssyncadd.s32 $0xFFFFC180  }
0x7b: {  	[spmem:s2] =	stream.indirect.scatter.add.f32 [tilespmem:s16], [sflag:$0x4], $0x80, s8, s13, $0xb8;
	[tilespmem:$0x1D880] =	vst v63  }
0x7c: {  	_ =	swait.ge [sflag:s18], $0x3E80  }
0x7d: {  	[sflag:s18] =	ssyncset.done $0x0  }
0x7e: {  	s9 =	rddreg [dreg:$0x11];
	[sflag:s18] =	ssyncadd.s32 $0xFFFFC180  }
0x7f: {  	[tilespmem:s14], [sflag:$0x1] =	stream.indirect.gather [hbm4b:s4+s13], $0x80, s9, s13, $0xb8;
	[tilespmem:$0x1D880] =	vst v63  }
0x80: {  	_ =	swait.ge [sflag:s15], $0x3E80  }
0x81: {  	[sflag:s15] =	ssyncset.done $0x0  }
0x82: {  	s25 =	rddreg [dreg:$0x12];
	[sflag:s15] =	ssyncadd.s32 $0xFFFFC180  }
0x83: {  	[spmem:s2] =	stream.indirect.scatter.add.f32 [tilespmem:s14], [sflag:$0x3], $0x80, s25, s13, $0xb8;
	[tilespmem:$0x1D880] =	vst v63  }
0x84: {  	_ =	swait.ge [sflag:s19], $0x3E80  }
0x85: {  	[sflag:s19] =	ssyncset.done $0x0  }
0x86: {  	s8 =	rddreg [dreg:$0x13];
	[sflag:s19] =	ssyncadd.s32 $0xFFFFC180  }
0x87: {  	[tilespmem:s16], [sflag:$0x2] =	stream.indirect.gather [hbm4b:s4+s13], $0x80, s8, s13, $0xb8;
	[tilespmem:$0x1D880] =	vst v63  }
0x88: {  	_ =	swait.ge [sflag:s17], $0x3E80  }
0x89: {  	[sflag:s17] =	ssyncset.done $0x0  }
0x8a: {  	s9 =	rddreg [dreg:$0x14];
	[sflag:s17] =	ssyncadd.s32 $0xFFFFC180  }
0x8b: {  	[spmem:s2] =	stream.indirect.scatter.add.f32 [tilespmem:s16], [sflag:$0x4], $0x80, s9, s13, $0xb8;
	[tilespmem:$0x1D880] =	vst v63  }
0x8c: {  	_ =	swait.ge [sflag:s18], $0x3E80  }
0x8d: {  	[sflag:s18] =	ssyncset.done $0x0  }
0x8e: {  	s25 =	rddreg [dreg:$0x15];
	[sflag:s18] =	ssyncadd.s32 $0xFFFFC180  }
0x8f: {  	[tilespmem:s14], [sflag:$0x1] =	stream.indirect.gather [hbm4b:s4+s13], $0x80, s25, s13, $0xb8;
	[tilespmem:$0x1D880] =	vst v63  }
0x90: {  	_ =	swait.ge [sflag:s15], $0x3E80  }
0x91: {  	[sflag:s15] =	ssyncset.done $0x0  }
0x92: {  	s8 =	rddreg [dreg:$0x16];
	[sflag:s15] =	ssyncadd.s32 $0xFFFFC180  }
0x93: {  	[spmem:s2] =	stream.indirect.scatter.add.f32 [tilespmem:s14], [sflag:$0x3], $0x80, s8, s13, $0xb8;
	[tilespmem:$0x1D880] =	vst v63  }
0x94: {  	_ =	swait.ge [sflag:s19], $0x3E80  }
0x95: {  	[sflag:s19] =	ssyncset.done $0x0  }
0x96: {  	s9 =	rddreg [dreg:$0x17];
	[sflag:s19] =	ssyncadd.s32 $0xFFFFC180  }
0x97: {  	[tilespmem:s16], [sflag:$0x2] =	stream.indirect.gather [hbm4b:s4+s13], $0x80, s9, s13, $0xb8;
	[tilespmem:$0x1D880] =	vst v63  }
0x98: {  	_ =	swait.ge [sflag:s17], $0x3E80  }
0x99: {  	[sflag:s17] =	ssyncset.done $0x0  }
0x9a: {  	s25 =	rddreg [dreg:$0x18];
	[sflag:s17] =	ssyncadd.s32 $0xFFFFC180  }
0x9b: {  	[spmem:s2] =	stream.indirect.scatter.add.f32 [tilespmem:s16], [sflag:$0x4], $0x80, s25, s13, $0xb8;
	[tilespmem:$0x1D880] =	vst v63  }
0x9c: {  	_ =	swait.ge [sflag:s18], $0x3E80  }
0x9d: {  	[sflag:s18] =	ssyncset.done $0x0  }
0x9e: {  	s8 =	rddreg [dreg:$0x19];
	[sflag:s18] =	ssyncadd.s32 $0xFFFFC180  }
0x9f: {  	[tilespmem:s14], [sflag:$0x1] =	stream.indirect.gather [hbm4b:s4+s13], $0x80, s8, s13, $0xb8;
	[tilespmem:$0x1D880] =	vst v63  }
0xa0: {  	_ =	swait.ge [sflag:s15], $0x3E80  }
0xa1: {  	[sflag:s15] =	ssyncset.done $0x0  }
0xa2: {  	s9 =	rddreg [dreg:$0x1a];
	[sflag:s15] =	ssyncadd.s32 $0xFFFFC180  }
0xa3: {  	[spmem:s2] =	stream.indirect.scatter.add.f32 [tilespmem:s14], [sflag:$0x3], $0x80, s9, s13, $0xb8;
	[tilespmem:$0x1D880] =	vst v63  }
0xa4: {  	_ =	swait.ge [sflag:s19], $0x3E80  }
0xa5: {  	[sflag:s19] =	ssyncset.done $0x0  }
0xa6: {  	s25 =	rddreg [dreg:$0x1b];
	[sflag:s19] =	ssyncadd.s32 $0xFFFFC180  }
0xa7: {  	[tilespmem:s16], [sflag:$0x2] =	stream.indirect.gather [hbm4b:s4+s13], $0x80, s25, s13, $0xb8;
	[tilespmem:$0x1D880] =	vst v63  }
0xa8: {  	_ =	swait.ge [sflag:s17], $0x3E80  }
0xa9: {  	[sflag:s17] =	ssyncset.done $0x0  }
0xaa: {  	s8 =	rddreg [dreg:$0x1c];
	[sflag:s17] =	ssyncadd.s32 $0xFFFFC180  }
0xab: {  	[spmem:s2] =	stream.indirect.scatter.add.f32 [tilespmem:s16], [sflag:$0x4], $0x80, s8, s13, $0xb8;
	[tilespmem:$0x1D880] =	vst v63  }
0xac: {  	_ =	swait.ge [sflag:s18], $0x3E80  }
0xad: {  	[sflag:s18] =	ssyncset.done $0x0  }
0xae: {  	s9 =	rddreg [dreg:$0x1d];
	[sflag:s18] =	ssyncadd.s32 $0xFFFFC180  }
0xaf: {  	[tilespmem:s14], [sflag:$0x1] =	stream.indirect.gather [hbm4b:s4+s13], $0x80, s9, s13, $0xb8;
	[tilespmem:$0x1D880] =	vst v63  }
0xb0: {  	_ =	swait.ge [sflag:s15], $0x3E80  }
0xb1: {  	[sflag:s15] =	ssyncset.done $0x0  }
0xb2: {  	s25 =	rddreg [dreg:$0x1e];
	[sflag:s15] =	ssyncadd.s32 $0xFFFFC180  }
0xb3: {  	[spmem:s2] =	stream.indirect.scatter.add.f32 [tilespmem:s14], [sflag:$0x3], $0x80, s25, s13, $0xb8;
	[tilespmem:$0x1D880] =	vst v63  }
0xb4: {  	_ =	swait.ge [sflag:s19], $0x3E80  }
0xb5: {  	[sflag:s19] =	ssyncset.done $0x0  }
0xb6: {  	s8 =	rddreg [dreg:$0x1f];
	[sflag:s19] =	ssyncadd.s32 $0xFFFFC180  }
0xb7: {  	[tilespmem:s16], [sflag:$0x2] =	stream.indirect.gather [hbm4b:s4+s13], $0x80, s8, s13, $0xb8;
	[tilespmem:$0x1D880] =	vst v63  }
0xb8: {  	_ =	swait.ge [sflag:s17], $0x3E80  }
0xb9: {  	s9 =	sld [smem:$0x7E2]  }
0xba: {  	[sflag:s17] =	ssyncset.done $0x0  }
0xbb: {  	[sflag:s17] =	ssyncadd.s32 $0xFFFFC180  }
0xbc: {  	[spmem:s2] =	stream.indirect.scatter.add.f32 [tilespmem:s16], [sflag:$0x4], $0x80, s9, s13, $0xb8;
	[tilespmem:$0x1D880] =	vst v63  }
0xbd: {  	_ =	swait.ge [sflag:s18], $0x3E80  }
0xbe: {  	s25 =	sld [smem:$0x7E3]  }
0xbf: {  	[sflag:s18] =	ssyncset.done $0x0  }
0xc0: {  	[sflag:s18] =	ssyncadd.s32 $0xFFFFC180  }
0xc1: {  	[tilespmem:s14], [sflag:$0x1] =	stream.indirect.gather [hbm4b:s4+s13], $0x80, s25, s13, $0xb8;
	[tilespmem:$0x1D880] =	vst v63  }
0xc2: {  	_ =	swait.ge [sflag:s15], $0x3E80  }
0xc3: {  	s8 =	sld [smem:$0x7E4]  }
0xc4: {  	[sflag:s15] =	ssyncset.done $0x0  }
0xc5: {  	[sflag:s15] =	ssyncadd.s32 $0xFFFFC180  }
0xc6: {  	[spmem:s2] =	stream.indirect.scatter.add.f32 [tilespmem:s14], [sflag:$0x3], $0x80, s8, s13, $0xb8;
	[tilespmem:$0x1D880] =	vst v63  }
0xc7: {  	_ =	swait.ge [sflag:s19], $0x3E80  }
0xc8: {  	s9 =	sld [smem:$0x7E5]  }
0xc9: {  	[sflag:s19] =	ssyncset.done $0x0  }
0xca: {  	[sflag:s19] =	ssyncadd.s32 $0xFFFFC180  }
0xcb: {  	[tilespmem:s16], [sflag:$0x2] =	stream.indirect.gather [hbm4b:s4+s13], $0x80, s9, s13, $0xb8;
	[tilespmem:$0x1D880] =	vst v63  }
0xcc: {  	_ =	swait.ge [sflag:s17], $0x3E80  }
0xcd: {  	s25 =	sld [smem:$0x7E6]  }
0xce: {  	[sflag:s17] =	ssyncset.done $0x0  }
0xcf: {  	[sflag:s17] =	ssyncadd.s32 $0xFFFFC180  }
0xd0: {  	[spmem:s2] =	stream.indirect.scatter.add.f32 [tilespmem:s16], [sflag:$0x4], $0x80, s25, s13, $0xb8;
	[tilespmem:$0x1D880] =	vst v63  }
0xd1: {  	_ =	swait.ge [sflag:s18], $0x3E80  }
0xd2: {  	s8 =	sld [smem:$0x7E7]  }
0xd3: {  	[sflag:s18] =	ssyncset.done $0x0  }
0xd4: {  	[sflag:s18] =	ssyncadd.s32 $0xFFFFC180  }
0xd5: {  	[tilespmem:s14], [sflag:$0x1] =	stream.indirect.gather [hbm4b:s4+s13], $0x80, s8, s13, $0xb8;
	[tilespmem:$0x1D880] =	vst v63  }
0xd6: {  	_ =	swait.ge [sflag:s15], $0x3E80  }
0xd7: {  	s9 =	sld [smem:$0x7E8]  }
0xd8: {  	[sflag:s15] =	ssyncset.done $0x0  }
0xd9: {  	[sflag:s15] =	ssyncadd.s32 $0xFFFFC180  }
0xda: {  	[spmem:s2] =	stream.indirect.scatter.add.f32 [tilespmem:s14], [sflag:$0x3], $0x80, s9, s13, $0xb8;
	[tilespmem:$0x1D880] =	vst v63  }
0xdb: {  	_ =	swait.ge [sflag:s19], $0x3E80  }
0xdc: {  	s25 =	sld [smem:$0x7EA]  }
0xdd: {  	[sflag:s19] =	ssyncset.done $0x0  }
0xde: {  	[sflag:s19] =	ssyncadd.s32 $0xFFFFC180  }
0xdf: {  	[tilespmem:s16], [sflag:$0x2] =	stream.indirect.gather [hbm4b:s4+s13], $0x80, s25, s13, $0xb8;
	[tilespmem:$0x1D880] =	vst v63  }
0xe0: {  	_ =	swait.ge [sflag:s17], $0x3E80  }
0xe1: {  	s8 =	sld [smem:$0x7EB]  }
0xe2: {  	[sflag:s17] =	ssyncset.done $0x0  }
0xe3: {  	[sflag:s17] =	ssyncadd.s32 $0xFFFFC180  }
0xe4: {  	[spmem:s2] =	stream.indirect.scatter.add.f32 [tilespmem:s16], [sflag:$0x4], $0x80, s8, s13, $0xb8;
	[tilespmem:$0x1D880] =	vst v63  }
0xe5: {  	_ =	swait.ge [sflag:s18], $0x3E80  }
0xe6: {  	s9 =	sld [smem:$0x7EC]  }
0xe7: {  	[sflag:s18] =	ssyncset.done $0x0  }
0xe8: {  	[sflag:s18] =	ssyncadd.s32 $0xFFFFC180  }
0xe9: {  	[tilespmem:s14], [sflag:$0x1] =	stream.indirect.gather [hbm4b:s4+s13], $0x80, s9, s13, $0xb8;
	[tilespmem:$0x1D880] =	vst v63  }
0xea: {  	_ =	swait.ge [sflag:s15], $0x3E80  }
0xeb: {  	s25 =	sld [smem:$0x7EE]  }
0xec: {  	[sflag:s15] =	ssyncset.done $0x0  }
0xed: {  	[sflag:s15] =	ssyncadd.s32 $0xFFFFC180  }
0xee: {  	[spmem:s2] =	stream.indirect.scatter.add.f32 [tilespmem:s14], [sflag:$0x3], $0x80, s25, s13, $0xb8;
	[tilespmem:$0x1D880] =	vst v63  }
0xef: {  	_ =	swait.ge [sflag:s19], $0x3E80  }
0xf0: {  	s8 =	sld [smem:$0x7F0]  }
0xf1: {  	[sflag:s19] =	ssyncset.done $0x0  }
0xf2: {  	[sflag:s19] =	ssyncadd.s32 $0xFFFFC180  }
0xf3: {  	[tilespmem:s16], [sflag:$0x2] =	stream.indirect.gather [hbm4b:s4+s13], $0x80, s8, s13, $0xb8;
	[tilespmem:$0x1D880] =	vst v63  }
0xf4: {  	_ =	swait.ge [sflag:s17], $0x3E80  }
0xf5: {  	s9 =	sld [smem:$0x7F1]  }
0xf6: {  	[sflag:s17] =	ssyncset.done $0x0  }
0xf7: {  	[sflag:s17] =	ssyncadd.s32 $0xFFFFC180  }
0xf8: {  	[spmem:s2] =	stream.indirect.scatter.add.f32 [tilespmem:s16], [sflag:$0x4], $0x80, s9, s13, $0xb8;
	[tilespmem:$0x1D880] =	vst v63  }
0xf9: {  	_ =	swait.ge [sflag:s18], $0x3E80  }
0xfa: {  	s25 =	sld [smem:$0x7F2]  }
0xfb: {  	[sflag:s18] =	ssyncset.done $0x0  }
0xfc: {  	[sflag:s18] =	ssyncadd.s32 $0xFFFFC180  }
0xfd: {  	[tilespmem:s14], [sflag:$0x1] =	stream.indirect.gather [hbm4b:s4+s13], $0x80, s25, s13, $0xb8;
	[tilespmem:$0x1D880] =	vst v63  }
0xfe: {  	_ =	swait.ge [sflag:s15], $0x3E80  }
0xff: {  	s8 =	sld [smem:$0x7F3]  }
0x100: {  	[sflag:s15] =	ssyncset.done $0x0  }
0x101: {  	[sflag:s15] =	ssyncadd.s32 $0xFFFFC180  }
0x102: {  	[spmem:s2] =	stream.indirect.scatter.add.f32 [tilespmem:s14], [sflag:$0x3], $0x80, s8, s13, $0xb8;
	[tilespmem:$0x1D880] =	vst v63  }
0x103: {  	_ =	swait.ge [sflag:s19], $0x3E80  }
0x104: {  	s9 =	sld [smem:$0x7F4]  }
0x105: {  	[sflag:s19] =	ssyncset.done $0x0  }
0x106: {  	[sflag:s19] =	ssyncadd.s32 $0xFFFFC180  }
0x107: {  	[tilespmem:s16], [sflag:$0x2] =	stream.indirect.gather [hbm4b:s4+s13], $0x80, s9, s13, $0xb8;
	[tilespmem:$0x1D880] =	vst v63  }
0x108: {  	_ =	swait.ge [sflag:s17], $0x3E80  }
0x109: {  	s25 =	sld [smem:$0x7F5]  }
0x10a: {  	[sflag:s17] =	ssyncset.done $0x0  }
0x10b: {  	[sflag:s17] =	ssyncadd.s32 $0xFFFFC180  }
0x10c: {  	[spmem:s2] =	stream.indirect.scatter.add.f32 [tilespmem:s16], [sflag:$0x4], $0x80, s25, s13, $0xb8;
	[tilespmem:$0x1D880] =	vst v63  }
0x10d: {  	_ =	swait.ge [sflag:s18], $0x3E80  }
0x10e: {  	s8 =	sld [smem:$0x7F6]  }
0x10f: {  	[sflag:s18] =	ssyncset.done $0x0  }
0x110: {  	[sflag:s18] =	ssyncadd.s32 $0xFFFFC180  }
0x111: {  	[tilespmem:s14], [sflag:$0x1] =	stream.indirect.gather [hbm4b:s4+s13], $0x80, s8, s13, $0xb8;
	[tilespmem:$0x1D880] =	vst v63  }
0x112: {  	_ =	swait.ge [sflag:s15], $0x3E80  }
0x113: {  	s9 =	sld [smem:$0x7F7]  }
0x114: {  	[sflag:s15] =	ssyncset.done $0x0  }
0x115: {  	[sflag:s15] =	ssyncadd.s32 $0xFFFFC180  }
0x116: {  	[spmem:s2] =	stream.indirect.scatter.add.f32 [tilespmem:s14], [sflag:$0x3], $0x80, s9, s13, $0xb8;
	[tilespmem:$0x1D880] =	vst v63  }
0x117: {  	_ =	swait.ge [sflag:s19], $0x3E80  }
0x118: {  	s25 =	sld [smem:$0x7F8]  }
0x119: {  	[sflag:s19] =	ssyncset.done $0x0  }
0x11a: {  	[sflag:s19] =	ssyncadd.s32 $0xFFFFC180  }
0x11b: {  	[tilespmem:s16], [sflag:$0x2] =	stream.indirect.gather [hbm4b:s4+s13], $0x80, s25, s13, $0xb8;
	[tilespmem:$0x1D880] =	vst v63  }
0x11c: {  	_ =	swait.ge [sflag:s17], $0x3E80  }
0x11d: {  	s8 =	sld [smem:$0x7F9]  }
0x11e: {  	[sflag:s17] =	ssyncset.done $0x0  }
0x11f: {  	[sflag:s17] =	ssyncadd.s32 $0xFFFFC180  }
0x120: {  	[spmem:s2] =	stream.indirect.scatter.add.f32 [tilespmem:s16], [sflag:$0x4], $0x80, s8, s13, $0xb8;
	[tilespmem:$0x1D880] =	vst v63  }
0x121: {  	_ =	swait.ge [sflag:s18], $0x3E80  }
0x122: {  	s9 =	sld [smem:$0x7FA]  }
0x123: {  	[sflag:s18] =	ssyncset.done $0x0  }
0x124: {  	[sflag:s18] =	ssyncadd.s32 $0xFFFFC180  }
0x125: {  	[tilespmem:s14], [sflag:$0x1] =	stream.indirect.gather [hbm4b:s4+s13], $0x80, s9, s13, $0xb8;
	[tilespmem:$0x1D880] =	vst v63  }
0x126: {  	_ =	swait.ge [sflag:s15], $0x3E80  }
0x127: {  	s25 =	sld [smem:$0x7FB]  }
0x128: {  	[sflag:s15] =	ssyncset.done $0x0  }
0x129: {  	[sflag:s15] =	ssyncadd.s32 $0xFFFFC180  }
0x12a: {  	[spmem:s2] =	stream.indirect.scatter.add.f32 [tilespmem:s14], [sflag:$0x3], $0x80, s25, s13, $0xb8;
	[tilespmem:$0x1D880] =	vst v63  }
0x12b: {  	_ =	swait.ge [sflag:s19], $0x3E80  }
0x12c: {  	[sflag:s19] =	ssyncset.done $0x0  }
0x12d: {  	[sflag:s19] =	ssyncadd.s32 $0xFFFFC180  }
0x12e: {  	[tilespmem:s16], [sflag:$0x2] =	stream.indirect.gather [hbm4b:s4+s13], $0x80, s20, s13, $0xb8;
	[tilespmem:$0x1D880] =	vst v63  }
0x12f: {  	_ =	swait.ge [sflag:s17], $0x3E80  }
0x130: {  	[sflag:s17] =	ssyncset.done $0x0  }
0x131: {  	[sflag:s17] =	ssyncadd.s32 $0xFFFFC180  }
0x132: {  	[spmem:s2] =	stream.indirect.scatter.add.f32 [tilespmem:s16], [sflag:$0x4], $0x80, s21, s13, $0xb8;
	[tilespmem:$0x1D880] =	vst v63  }
0x133: {  	_ =	swait.ge [sflag:s18], $0x3E80  }
0x134: {  	[sflag:s18] =	ssyncset.done $0x0  }
0x135: {  	[sflag:s18] =	ssyncadd.s32 $0xFFFFC180  }
0x136: {  	[tilespmem:s14], [sflag:$0x1] =	stream.indirect.gather [hbm4b:s4+s13], $0x80, s22, s13, $0xb8;
	[tilespmem:$0x1D880] =	vst v63  }
0x137: {  	_ =	swait.ge [sflag:s15], $0x3E80  }
0x138: {  	[sflag:s15] =	ssyncset.done $0x0  }
0x139: {  	[sflag:s15] =	ssyncadd.s32 $0xFFFFC180  }
0x13a: {  	[spmem:s2] =	stream.indirect.scatter.add.f32 [tilespmem:s14], [sflag:$0x3], $0x80, s23, s13, $0xb8;
	[tilespmem:$0x1D880] =	vst v63  }
0x13b: {  	_ =	swait.ge [sflag:s19], $0x3E80  }
0x13c: {  	[sflag:s19] =	ssyncset.done $0x0  }
0x13d: {  	[sflag:s19] =	ssyncadd.s32 $0xFFFFC180  }
0x13e: {  	[tilespmem:s16], [sflag:$0x2] =	stream.indirect.gather [hbm4b:s4+s13], $0x80, s24, s13, $0xb8;
	[tilespmem:$0x1D880] =	vst v63  }
0x13f: {  	_ =	swait.ge [sflag:s17], $0x3E80  }
0x140: {  	[sflag:s17] =	ssyncset.done $0x0  }
0x141: {  	[sflag:s17] =	ssyncadd.s32 $0xFFFFC180  }
0x142: {  	[spmem:s2] =	stream.indirect.scatter.add.f32 [tilespmem:s16], [sflag:$0x4], $0x80, s26, s13, $0xb8;
	[tilespmem:$0x1D880] =	vst v63  }
0x143: {  	_ =	swait.ge [sflag:s18], $0x3E80  }
0x144: {  	[sflag:s18] =	ssyncset.done $0x0  }
0x145: {  	[sflag:s18] =	ssyncadd.s32 $0xFFFFC180  }
0x146: {  	[tilespmem:s14], [sflag:$0x1] =	stream.indirect.gather [hbm4b:s4+s13], $0x80, s28, s13, $0xb8;
	[tilespmem:$0x1D880] =	vst v63  }
0x147: {  	_ =	swait.ge [sflag:s15], $0x3E80  }
0x148: {  	[sflag:s15] =	ssyncset.done $0x0  }
0x149: {  	[sflag:s15] =	ssyncadd.s32 $0xFFFFC180  }
0x14a: {  	[spmem:s2] =	stream.indirect.scatter.add.f32 [tilespmem:s14], [sflag:$0x3], $0x80, s29, s13, $0xb8;
	[tilespmem:$0x1D880] =	vst v63  }
0x14b: {  	_ =	swait.ge [sflag:s19], $0x3E80  }
0x14c: {  	[sflag:s19] =	ssyncset.done $0x0  }
0x14d: {  	[sflag:s19] =	ssyncadd.s32 $0xFFFFC180  }
0x14e: {  	[tilespmem:s16], [sflag:$0x2] =	stream.indirect.gather [hbm4b:s4+s13], $0x80, s30, s13, $0xb8;
	[tilespmem:$0x1D880] =	vst v63  }
0x14f: {  	_ =	swait.ge [sflag:s17], $0x3E80  }
0x150: {  	[sflag:s17] =	ssyncset.done $0x0  }
0x151: {  	[sflag:s17] =	ssyncadd.s32 $0xFFFFC180  }
0x152: {  	[spmem:s2] =	stream.indirect.scatter.add.f32 [tilespmem:s16], [sflag:$0x4], $0x80, s31, s13, $0xb8;
	[tilespmem:$0x1D880] =	vst v63  }
0x153: {  	_ =	swait.ge [sflag:s18], $0x3E80  }
0x154: {  	[sflag:s18] =	ssyncset.done $0x0  }
0x155: {  	[sflag:s18] =	ssyncadd.s32 $0xFFFFC180  }
0x156: {  	[tilespmem:s14], [sflag:$0x1] =	stream.indirect.gather [hbm4b:s4+s13], $0x80, s1, s13, $0xb8;
	[tilespmem:$0x1D880] =	vst v63  }
0x157: {  	_ =	swait.ge [sflag:s15], $0x3E80  }
0x158: {  	[sflag:s15] =	ssyncset.done $0x0  }
0x159: {  	[sflag:s15] =	ssyncadd.s32 $0xFFFFC180  }
0x15a: {  	[spmem:s2] =	stream.indirect.scatter.add.f32 [tilespmem:s14], [sflag:$0x3], $0x80, s0, s13, $0xb8;
	[tilespmem:$0x1D880] =	vst v63  }
0x15b: {  	_ =	swait.ge [sflag:s19], $0x3E80  }
0x15c: {  	[sflag:s19] =	ssyncset.done $0x0  }
0x15d: {  	[sflag:s19] =	ssyncadd.s32 $0xFFFFC180  }
0x15e: {  	[tilespmem:s16], [sflag:$0x2] =	stream.indirect.gather [hbm4b:s4+s13], $0x80, s5, s13, $0xb8;
	[tilespmem:$0x1D880] =	vst v63  }
0x15f: {  	_ =	swait.ge [sflag:s17], $0x3E80  }
0x160: {  	[sflag:s17] =	ssyncset.done $0x0  }
0x161: {  	[sflag:s17] =	ssyncadd.s32 $0xFFFFC180  }
0x162: {  	[spmem:s2] =	stream.indirect.scatter.add.f32 [tilespmem:s16], [sflag:$0x4], $0x80, s7, s13, $0xb8;
	[tilespmem:$0x1D880] =	vst v63  }
0x163: {  	_ =	swait.ge [sflag:s18], $0x3E80  }
0x164: {  	[sflag:s18] =	ssyncset.done $0x0  }
0x165: {  	[sflag:s18] =	ssyncadd.s32 $0xFFFFC180  }
0x166: {  	s9 =	simm.s32 $0x200;
	_ =	swait.ge [sflag:s19], $0x3E80  }
0x167: {  	s25 =	simm.s32 $0x400;
	s6 =	rddreg [dreg:$0x5];
	[sflag:s19] =	ssyncset.done $0x0  }
.LBB2_2:
0x168: {  	[sflag:s19] =	ssyncadd.s32 $0xFFFFC180;
	s6 =	sadd.s32 s9, s6  }
0x169: {  	[tilespmem:s11], [sflag:$0x5] =	stream.linear.gather [hbm4b:s6+s3], $0x1000, $0x38;
	[tilespmem:$0x1D880] =	vst v63  }
0x16a: {  	_ =	swait.ge [sflag:s10], $0x1000  }
0x16b: {  	s6 =	rddreg [dreg:$0x6];
	[sflag:s10] =	ssyncset.done $0x0  }
0x16c: {  	[sflag:s10] =	ssyncadd.s32 $0xFFFFF000;
	s6 =	sadd.s32 s9, s6  }
0x16d: {  	[tilespmem:s12], [sflag:$0x5] =	stream.linear.gather [hbm4b:s6+s3], $0x1000, $0x38;
	[tilespmem:$0x1D880] =	vst v63  }
0x16e: {  	_ =	swait.ge [sflag:s10], $0x1000  }
0x16f: {  	[sflag:s10] =	ssyncset.done $0x0  }
0x170: {  	[sflag:s10] =	ssyncadd.s32 $0xFFFFF000  }
0x171: {  	[tilespmem:s14], [sflag:$0x1] =	stream.indirect.gather [hbm4b:s4+s13], $0x80, s11, s13, $0xb8;
	[tilespmem:$0x1D880] =	vst v63  }
0x172: {  	_ =	swait.ge [sflag:s15], $0x3E80  }
0x173: {  	[sflag:s15] =	ssyncset.done $0x0  }
0x174: {  	s8 =	smov.u32 s25;
	[sflag:s15] =	ssyncadd.s32 $0xFFFFC180  }
0x175: {  	[spmem:s2] =	stream.indirect.scatter.add.f32 [tilespmem:s14], [sflag:$0x3], $0x80, s12, s13, $0xb8;
	[tilespmem:$0x1D880] =	vst v63  }
0x176: {  	s9 =	smov.u32 s8;
	s8 =	rddreg [dreg:$0x7]  }
0x177: {  	[tilespmem:s16], [sflag:$0x2] =	stream.indirect.gather [hbm4b:s4+s13], $0x80, s8, s13, $0xb8;
	[tilespmem:$0x1D880] =	vst v63  }
0x178: {  	_ =	swait.ge [sflag:s17], $0x3E80  }
0x179: {  	[sflag:s17] =	ssyncset.done $0x0  }
0x17a: {  	s8 =	rddreg [dreg:$0x8];
	[sflag:s17] =	ssyncadd.s32 $0xFFFFC180  }
0x17b: {  	[spmem:s2] =	stream.indirect.scatter.add.f32 [tilespmem:s16], [sflag:$0x4], $0x80, s8, s13, $0xb8;
	[tilespmem:$0x1D880] =	vst v63  }
0x17c: {  	_ =	swait.ge [sflag:s18], $0x3E80  }
0x17d: {  	[sflag:s18] =	ssyncset.done $0x0  }
0x17e: {  	s8 =	rddreg [dreg:$0x9];
	[sflag:s18] =	ssyncadd.s32 $0xFFFFC180  }
0x17f: {  	[tilespmem:s14], [sflag:$0x1] =	stream.indirect.gather [hbm4b:s4+s13], $0x80, s8, s13, $0xb8;
	[tilespmem:$0x1D880] =	vst v63  }
0x180: {  	_ =	swait.ge [sflag:s15], $0x3E80  }
0x181: {  	[sflag:s15] =	ssyncset.done $0x0  }
0x182: {  	s8 =	rddreg [dreg:$0xa];
	[sflag:s15] =	ssyncadd.s32 $0xFFFFC180  }
0x183: {  	[spmem:s2] =	stream.indirect.scatter.add.f32 [tilespmem:s14], [sflag:$0x3], $0x80, s8, s13, $0xb8;
	[tilespmem:$0x1D880] =	vst v63  }
0x184: {  	_ =	swait.ge [sflag:s19], $0x3E80  }
0x185: {  	[sflag:s19] =	ssyncset.done $0x0  }
0x186: {  	s8 =	rddreg [dreg:$0xb];
	[sflag:s19] =	ssyncadd.s32 $0xFFFFC180  }
0x187: {  	[tilespmem:s16], [sflag:$0x2] =	stream.indirect.gather [hbm4b:s4+s13], $0x80, s8, s13, $0xb8;
	[tilespmem:$0x1D880] =	vst v63  }
0x188: {  	_ =	swait.ge [sflag:s17], $0x3E80  }
0x189: {  	[sflag:s17] =	ssyncset.done $0x0  }
0x18a: {  	s8 =	rddreg [dreg:$0xc];
	[sflag:s17] =	ssyncadd.s32 $0xFFFFC180  }
0x18b: {  	[spmem:s2] =	stream.indirect.scatter.add.f32 [tilespmem:s16], [sflag:$0x4], $0x80, s8, s13, $0xb8;
	[tilespmem:$0x1D880] =	vst v63  }
0x18c: {  	_ =	swait.ge [sflag:s18], $0x3E80  }
0x18d: {  	[sflag:s18] =	ssyncset.done $0x0  }
0x18e: {  	s8 =	rddreg [dreg:$0xd];
	[sflag:s18] =	ssyncadd.s32 $0xFFFFC180  }
0x18f: {  	[tilespmem:s14], [sflag:$0x1] =	stream.indirect.gather [hbm4b:s4+s13], $0x80, s8, s13, $0xb8;
	[tilespmem:$0x1D880] =	vst v63  }
0x190: {  	_ =	swait.ge [sflag:s15], $0x3E80  }
0x191: {  	[sflag:s15] =	ssyncset.done $0x0  }
0x192: {  	s8 =	rddreg [dreg:$0xe];
	[sflag:s15] =	ssyncadd.s32 $0xFFFFC180  }
0x193: {  	[spmem:s2] =	stream.indirect.scatter.add.f32 [tilespmem:s14], [sflag:$0x3], $0x80, s8, s13, $0xb8;
	[tilespmem:$0x1D880] =	vst v63  }
0x194: {  	_ =	swait.ge [sflag:s19], $0x3E80  }
0x195: {  	[sflag:s19] =	ssyncset.done $0x0  }
0x196: {  	s8 =	rddreg [dreg:$0xf];
	[sflag:s19] =	ssyncadd.s32 $0xFFFFC180  }
0x197: {  	[tilespmem:s16], [sflag:$0x2] =	stream.indirect.gather [hbm4b:s4+s13], $0x80, s8, s13, $0xb8;
	[tilespmem:$0x1D880] =	vst v63  }
0x198: {  	_ =	swait.ge [sflag:s17], $0x3E80  }
0x199: {  	[sflag:s17] =	ssyncset.done $0x0  }
0x19a: {  	s8 =	rddreg [dreg:$0x10];
	[sflag:s17] =	ssyncadd.s32 $0xFFFFC180  }
0x19b: {  	[spmem:s2] =	stream.indirect.scatter.add.f32 [tilespmem:s16], [sflag:$0x4], $0x80, s8, s13, $0xb8;
	[tilespmem:$0x1D880] =	vst v63  }
0x19c: {  	_ =	swait.ge [sflag:s18], $0x3E80  }
0x19d: {  	[sflag:s18] =	ssyncset.done $0x0  }
0x19e: {  	s8 =	rddreg [dreg:$0x11];
	[sflag:s18] =	ssyncadd.s32 $0xFFFFC180  }
0x19f: {  	[tilespmem:s14], [sflag:$0x1] =	stream.indirect.gather [hbm4b:s4+s13], $0x80, s8, s13, $0xb8;
	[tilespmem:$0x1D880] =	vst v63  }
0x1a0: {  	_ =	swait.ge [sflag:s15], $0x3E80  }
0x1a1: {  	[sflag:s15] =	ssyncset.done $0x0  }
0x1a2: {  	s8 =	rddreg [dreg:$0x12];
	[sflag:s15] =	ssyncadd.s32 $0xFFFFC180  }
0x1a3: {  	[spmem:s2] =	stream.indirect.scatter.add.f32 [tilespmem:s14], [sflag:$0x3], $0x80, s8, s13, $0xb8;
	[tilespmem:$0x1D880] =	vst v63  }
0x1a4: {  	_ =	swait.ge [sflag:s19], $0x3E80  }
0x1a5: {  	[sflag:s19] =	ssyncset.done $0x0  }
0x1a6: {  	s8 =	rddreg [dreg:$0x13];
	[sflag:s19] =	ssyncadd.s32 $0xFFFFC180  }
0x1a7: {  	[tilespmem:s16], [sflag:$0x2] =	stream.indirect.gather [hbm4b:s4+s13], $0x80, s8, s13, $0xb8;
	[tilespmem:$0x1D880] =	vst v63  }
0x1a8: {  	_ =	swait.ge [sflag:s17], $0x3E80  }
0x1a9: {  	[sflag:s17] =	ssyncset.done $0x0  }
0x1aa: {  	s8 =	rddreg [dreg:$0x14];
	[sflag:s17] =	ssyncadd.s32 $0xFFFFC180  }
0x1ab: {  	[spmem:s2] =	stream.indirect.scatter.add.f32 [tilespmem:s16], [sflag:$0x4], $0x80, s8, s13, $0xb8;
	[tilespmem:$0x1D880] =	vst v63  }
0x1ac: {  	_ =	swait.ge [sflag:s18], $0x3E80  }
0x1ad: {  	[sflag:s18] =	ssyncset.done $0x0  }
0x1ae: {  	s8 =	rddreg [dreg:$0x15];
	[sflag:s18] =	ssyncadd.s32 $0xFFFFC180  }
0x1af: {  	[tilespmem:s14], [sflag:$0x1] =	stream.indirect.gather [hbm4b:s4+s13], $0x80, s8, s13, $0xb8;
	[tilespmem:$0x1D880] =	vst v63  }
0x1b0: {  	_ =	swait.ge [sflag:s15], $0x3E80  }
0x1b1: {  	[sflag:s15] =	ssyncset.done $0x0  }
0x1b2: {  	s8 =	rddreg [dreg:$0x16];
	[sflag:s15] =	ssyncadd.s32 $0xFFFFC180  }
0x1b3: {  	[spmem:s2] =	stream.indirect.scatter.add.f32 [tilespmem:s14], [sflag:$0x3], $0x80, s8, s13, $0xb8;
	[tilespmem:$0x1D880] =	vst v63  }
0x1b4: {  	_ =	swait.ge [sflag:s19], $0x3E80  }
0x1b5: {  	[sflag:s19] =	ssyncset.done $0x0  }
0x1b6: {  	s8 =	rddreg [dreg:$0x17];
	[sflag:s19] =	ssyncadd.s32 $0xFFFFC180  }
0x1b7: {  	[tilespmem:s16], [sflag:$0x2] =	stream.indirect.gather [hbm4b:s4+s13], $0x80, s8, s13, $0xb8;
	[tilespmem:$0x1D880] =	vst v63  }
0x1b8: {  	_ =	swait.ge [sflag:s17], $0x3E80  }
0x1b9: {  	[sflag:s17] =	ssyncset.done $0x0  }
0x1ba: {  	s8 =	rddreg [dreg:$0x18];
	[sflag:s17] =	ssyncadd.s32 $0xFFFFC180  }
0x1bb: {  	[spmem:s2] =	stream.indirect.scatter.add.f32 [tilespmem:s16], [sflag:$0x4], $0x80, s8, s13, $0xb8;
	[tilespmem:$0x1D880] =	vst v63  }
0x1bc: {  	_ =	swait.ge [sflag:s18], $0x3E80  }
0x1bd: {  	[sflag:s18] =	ssyncset.done $0x0  }
0x1be: {  	s8 =	rddreg [dreg:$0x19];
	[sflag:s18] =	ssyncadd.s32 $0xFFFFC180  }
0x1bf: {  	[tilespmem:s14], [sflag:$0x1] =	stream.indirect.gather [hbm4b:s4+s13], $0x80, s8, s13, $0xb8;
	[tilespmem:$0x1D880] =	vst v63  }
0x1c0: {  	_ =	swait.ge [sflag:s15], $0x3E80  }
0x1c1: {  	[sflag:s15] =	ssyncset.done $0x0  }
0x1c2: {  	s8 =	rddreg [dreg:$0x1a];
	[sflag:s15] =	ssyncadd.s32 $0xFFFFC180  }
0x1c3: {  	[spmem:s2] =	stream.indirect.scatter.add.f32 [tilespmem:s14], [sflag:$0x3], $0x80, s8, s13, $0xb8;
	[tilespmem:$0x1D880] =	vst v63  }
0x1c4: {  	_ =	swait.ge [sflag:s19], $0x3E80  }
0x1c5: {  	[sflag:s19] =	ssyncset.done $0x0  }
0x1c6: {  	s8 =	rddreg [dreg:$0x1b];
	[sflag:s19] =	ssyncadd.s32 $0xFFFFC180  }
0x1c7: {  	[tilespmem:s16], [sflag:$0x2] =	stream.indirect.gather [hbm4b:s4+s13], $0x80, s8, s13, $0xb8;
	[tilespmem:$0x1D880] =	vst v63  }
0x1c8: {  	_ =	swait.ge [sflag:s17], $0x3E80  }
0x1c9: {  	[sflag:s17] =	ssyncset.done $0x0  }
0x1ca: {  	s8 =	rddreg [dreg:$0x1c];
	[sflag:s17] =	ssyncadd.s32 $0xFFFFC180  }
0x1cb: {  	[spmem:s2] =	stream.indirect.scatter.add.f32 [tilespmem:s16], [sflag:$0x4], $0x80, s8, s13, $0xb8;
	[tilespmem:$0x1D880] =	vst v63  }
0x1cc: {  	_ =	swait.ge [sflag:s18], $0x3E80  }
0x1cd: {  	[sflag:s18] =	ssyncset.done $0x0  }
0x1ce: {  	s8 =	rddreg [dreg:$0x1d];
	[sflag:s18] =	ssyncadd.s32 $0xFFFFC180  }
0x1cf: {  	[tilespmem:s14], [sflag:$0x1] =	stream.indirect.gather [hbm4b:s4+s13], $0x80, s8, s13, $0xb8;
	[tilespmem:$0x1D880] =	vst v63  }
0x1d0: {  	_ =	swait.ge [sflag:s15], $0x3E80  }
0x1d1: {  	[sflag:s15] =	ssyncset.done $0x0  }
0x1d2: {  	s8 =	rddreg [dreg:$0x1e];
	[sflag:s15] =	ssyncadd.s32 $0xFFFFC180  }
0x1d3: {  	[spmem:s2] =	stream.indirect.scatter.add.f32 [tilespmem:s14], [sflag:$0x3], $0x80, s8, s13, $0xb8;
	[tilespmem:$0x1D880] =	vst v63  }
0x1d4: {  	_ =	swait.ge [sflag:s19], $0x3E80  }
0x1d5: {  	[sflag:s19] =	ssyncset.done $0x0  }
0x1d6: {  	s8 =	rddreg [dreg:$0x1f];
	[sflag:s19] =	ssyncadd.s32 $0xFFFFC180  }
0x1d7: {  	[tilespmem:s16], [sflag:$0x2] =	stream.indirect.gather [hbm4b:s4+s13], $0x80, s8, s13, $0xb8;
	[tilespmem:$0x1D880] =	vst v63  }
0x1d8: {  	_ =	swait.ge [sflag:s17], $0x3E80  }
0x1d9: {  	s8 =	sld [smem:$0x7E2]  }
0x1da: {  	[sflag:s17] =	ssyncset.done $0x0  }
0x1db: {  	[sflag:s17] =	ssyncadd.s32 $0xFFFFC180  }
0x1dc: {  	[spmem:s2] =	stream.indirect.scatter.add.f32 [tilespmem:s16], [sflag:$0x4], $0x80, s8, s13, $0xb8;
	[tilespmem:$0x1D880] =	vst v63  }
0x1dd: {  	_ =	swait.ge [sflag:s18], $0x3E80  }
0x1de: {  	s8 =	sld [smem:$0x7E3]  }
0x1df: {  	[sflag:s18] =	ssyncset.done $0x0  }
0x1e0: {  	[sflag:s18] =	ssyncadd.s32 $0xFFFFC180  }
0x1e1: {  	[tilespmem:s14], [sflag:$0x1] =	stream.indirect.gather [hbm4b:s4+s13], $0x80, s8, s13, $0xb8;
	[tilespmem:$0x1D880] =	vst v63  }
0x1e2: {  	_ =	swait.ge [sflag:s15], $0x3E80  }
0x1e3: {  	s8 =	sld [smem:$0x7E4]  }
0x1e4: {  	[sflag:s15] =	ssyncset.done $0x0  }
0x1e5: {  	[sflag:s15] =	ssyncadd.s32 $0xFFFFC180  }
0x1e6: {  	[spmem:s2] =	stream.indirect.scatter.add.f32 [tilespmem:s14], [sflag:$0x3], $0x80, s8, s13, $0xb8;
	[tilespmem:$0x1D880] =	vst v63  }
0x1e7: {  	_ =	swait.ge [sflag:s19], $0x3E80  }
0x1e8: {  	s8 =	sld [smem:$0x7E5]  }
0x1e9: {  	[sflag:s19] =	ssyncset.done $0x0  }
0x1ea: {  	[sflag:s19] =	ssyncadd.s32 $0xFFFFC180  }
0x1eb: {  	[tilespmem:s16], [sflag:$0x2] =	stream.indirect.gather [hbm4b:s4+s13], $0x80, s8, s13, $0xb8;
	[tilespmem:$0x1D880] =	vst v63  }
0x1ec: {  	_ =	swait.ge [sflag:s17], $0x3E80  }
0x1ed: {  	s8 =	sld [smem:$0x7E6]  }
0x1ee: {  	[sflag:s17] =	ssyncset.done $0x0  }
0x1ef: {  	[sflag:s17] =	ssyncadd.s32 $0xFFFFC180  }
0x1f0: {  	[spmem:s2] =	stream.indirect.scatter.add.f32 [tilespmem:s16], [sflag:$0x4], $0x80, s8, s13, $0xb8;
	[tilespmem:$0x1D880] =	vst v63  }
0x1f1: {  	_ =	swait.ge [sflag:s18], $0x3E80  }
0x1f2: {  	s8 =	sld [smem:$0x7E7]  }
0x1f3: {  	[sflag:s18] =	ssyncset.done $0x0  }
0x1f4: {  	[sflag:s18] =	ssyncadd.s32 $0xFFFFC180  }
0x1f5: {  	[tilespmem:s14], [sflag:$0x1] =	stream.indirect.gather [hbm4b:s4+s13], $0x80, s8, s13, $0xb8;
	[tilespmem:$0x1D880] =	vst v63  }
0x1f6: {  	_ =	swait.ge [sflag:s15], $0x3E80  }
0x1f7: {  	s8 =	sld [smem:$0x7E8]  }
0x1f8: {  	[sflag:s15] =	ssyncset.done $0x0  }
0x1f9: {  	[sflag:s15] =	ssyncadd.s32 $0xFFFFC180  }
0x1fa: {  	[spmem:s2] =	stream.indirect.scatter.add.f32 [tilespmem:s14], [sflag:$0x3], $0x80, s8, s13, $0xb8;
	[tilespmem:$0x1D880] =	vst v63  }
0x1fb: {  	_ =	swait.ge [sflag:s19], $0x3E80  }
0x1fc: {  	s8 =	sld [smem:$0x7EA]  }
0x1fd: {  	[sflag:s19] =	ssyncset.done $0x0  }
0x1fe: {  	[sflag:s19] =	ssyncadd.s32 $0xFFFFC180  }
0x1ff: {  	[tilespmem:s16], [sflag:$0x2] =	stream.indirect.gather [hbm4b:s4+s13], $0x80, s8, s13, $0xb8;
	[tilespmem:$0x1D880] =	vst v63  }
0x200: {  	_ =	swait.ge [sflag:s17], $0x3E80  }
0x201: {  	s8 =	sld [smem:$0x7EB]  }
0x202: {  	[sflag:s17] =	ssyncset.done $0x0  }
0x203: {  	[sflag:s17] =	ssyncadd.s32 $0xFFFFC180  }
0x204: {  	[spmem:s2] =	stream.indirect.scatter.add.f32 [tilespmem:s16], [sflag:$0x4], $0x80, s8, s13, $0xb8;
	[tilespmem:$0x1D880] =	vst v63  }
0x205: {  	_ =	swait.ge [sflag:s18], $0x3E80  }
0x206: {  	s8 =	sld [smem:$0x7EC]  }
0x207: {  	[sflag:s18] =	ssyncset.done $0x0  }
0x208: {  	[sflag:s18] =	ssyncadd.s32 $0xFFFFC180  }
0x209: {  	[tilespmem:s14], [sflag:$0x1] =	stream.indirect.gather [hbm4b:s4+s13], $0x80, s8, s13, $0xb8;
	[tilespmem:$0x1D880] =	vst v63  }
0x20a: {  	_ =	swait.ge [sflag:s15], $0x3E80  }
0x20b: {  	s8 =	sld [smem:$0x7EE]  }
0x20c: {  	[sflag:s15] =	ssyncset.done $0x0  }
0x20d: {  	[sflag:s15] =	ssyncadd.s32 $0xFFFFC180  }
0x20e: {  	[spmem:s2] =	stream.indirect.scatter.add.f32 [tilespmem:s14], [sflag:$0x3], $0x80, s8, s13, $0xb8;
	[tilespmem:$0x1D880] =	vst v63  }
0x20f: {  	_ =	swait.ge [sflag:s19], $0x3E80  }
0x210: {  	s8 =	sld [smem:$0x7F0]  }
0x211: {  	[sflag:s19] =	ssyncset.done $0x0  }
0x212: {  	[sflag:s19] =	ssyncadd.s32 $0xFFFFC180  }
0x213: {  	[tilespmem:s16], [sflag:$0x2] =	stream.indirect.gather [hbm4b:s4+s13], $0x80, s8, s13, $0xb8;
	[tilespmem:$0x1D880] =	vst v63  }
0x214: {  	_ =	swait.ge [sflag:s17], $0x3E80  }
0x215: {  	s8 =	sld [smem:$0x7F1]  }
0x216: {  	[sflag:s17] =	ssyncset.done $0x0  }
0x217: {  	[sflag:s17] =	ssyncadd.s32 $0xFFFFC180  }
0x218: {  	[spmem:s2] =	stream.indirect.scatter.add.f32 [tilespmem:s16], [sflag:$0x4], $0x80, s8, s13, $0xb8;
	[tilespmem:$0x1D880] =	vst v63  }
0x219: {  	_ =	swait.ge [sflag:s18], $0x3E80  }
0x21a: {  	s8 =	sld [smem:$0x7F2]  }
0x21b: {  	[sflag:s18] =	ssyncset.done $0x0  }
0x21c: {  	[sflag:s18] =	ssyncadd.s32 $0xFFFFC180  }
0x21d: {  	[tilespmem:s14], [sflag:$0x1] =	stream.indirect.gather [hbm4b:s4+s13], $0x80, s8, s13, $0xb8;
	[tilespmem:$0x1D880] =	vst v63  }
0x21e: {  	_ =	swait.ge [sflag:s15], $0x3E80  }
0x21f: {  	s8 =	sld [smem:$0x7F3]  }
0x220: {  	[sflag:s15] =	ssyncset.done $0x0  }
0x221: {  	[sflag:s15] =	ssyncadd.s32 $0xFFFFC180  }
0x222: {  	[spmem:s2] =	stream.indirect.scatter.add.f32 [tilespmem:s14], [sflag:$0x3], $0x80, s8, s13, $0xb8;
	[tilespmem:$0x1D880] =	vst v63  }
0x223: {  	_ =	swait.ge [sflag:s19], $0x3E80  }
0x224: {  	s8 =	sld [smem:$0x7F4]  }
0x225: {  	[sflag:s19] =	ssyncset.done $0x0  }
0x226: {  	[sflag:s19] =	ssyncadd.s32 $0xFFFFC180  }
0x227: {  	[tilespmem:s16], [sflag:$0x2] =	stream.indirect.gather [hbm4b:s4+s13], $0x80, s8, s13, $0xb8;
	[tilespmem:$0x1D880] =	vst v63  }
0x228: {  	_ =	swait.ge [sflag:s17], $0x3E80  }
0x229: {  	s8 =	sld [smem:$0x7F5]  }
0x22a: {  	[sflag:s17] =	ssyncset.done $0x0  }
0x22b: {  	[sflag:s17] =	ssyncadd.s32 $0xFFFFC180  }
0x22c: {  	[spmem:s2] =	stream.indirect.scatter.add.f32 [tilespmem:s16], [sflag:$0x4], $0x80, s8, s13, $0xb8;
	[tilespmem:$0x1D880] =	vst v63  }
0x22d: {  	_ =	swait.ge [sflag:s18], $0x3E80  }
0x22e: {  	s8 =	sld [smem:$0x7F6]  }
0x22f: {  	[sflag:s18] =	ssyncset.done $0x0  }
0x230: {  	[sflag:s18] =	ssyncadd.s32 $0xFFFFC180  }
0x231: {  	[tilespmem:s14], [sflag:$0x1] =	stream.indirect.gather [hbm4b:s4+s13], $0x80, s8, s13, $0xb8;
	[tilespmem:$0x1D880] =	vst v63  }
0x232: {  	_ =	swait.ge [sflag:s15], $0x3E80  }
0x233: {  	s8 =	sld [smem:$0x7F7]  }
0x234: {  	[sflag:s15] =	ssyncset.done $0x0  }
0x235: {  	[sflag:s15] =	ssyncadd.s32 $0xFFFFC180  }
0x236: {  	[spmem:s2] =	stream.indirect.scatter.add.f32 [tilespmem:s14], [sflag:$0x3], $0x80, s8, s13, $0xb8;
	[tilespmem:$0x1D880] =	vst v63  }
0x237: {  	_ =	swait.ge [sflag:s19], $0x3E80  }
0x238: {  	s8 =	sld [smem:$0x7F8]  }
0x239: {  	[sflag:s19] =	ssyncset.done $0x0  }
0x23a: {  	[sflag:s19] =	ssyncadd.s32 $0xFFFFC180  }
0x23b: {  	[tilespmem:s16], [sflag:$0x2] =	stream.indirect.gather [hbm4b:s4+s13], $0x80, s8, s13, $0xb8;
	[tilespmem:$0x1D880] =	vst v63  }
0x23c: {  	_ =	swait.ge [sflag:s17], $0x3E80  }
0x23d: {  	s8 =	sld [smem:$0x7F9]  }
0x23e: {  	[sflag:s17] =	ssyncset.done $0x0  }
0x23f: {  	[sflag:s17] =	ssyncadd.s32 $0xFFFFC180  }
0x240: {  	[spmem:s2] =	stream.indirect.scatter.add.f32 [tilespmem:s16], [sflag:$0x4], $0x80, s8, s13, $0xb8;
	[tilespmem:$0x1D880] =	vst v63  }
0x241: {  	_ =	swait.ge [sflag:s18], $0x3E80  }
0x242: {  	s8 =	sld [smem:$0x7FA]  }
0x243: {  	[sflag:s18] =	ssyncset.done $0x0  }
0x244: {  	[sflag:s18] =	ssyncadd.s32 $0xFFFFC180  }
0x245: {  	[tilespmem:s14], [sflag:$0x1] =	stream.indirect.gather [hbm4b:s4+s13], $0x80, s8, s13, $0xb8;
	[tilespmem:$0x1D880] =	vst v63  }
0x246: {  	_ =	swait.ge [sflag:s15], $0x3E80  }
0x247: {  	s8 =	sld [smem:$0x7FB]  }
0x248: {  	[sflag:s15] =	ssyncset.done $0x0  }
0x249: {  	[sflag:s15] =	ssyncadd.s32 $0xFFFFC180  }
0x24a: {  	[spmem:s2] =	stream.indirect.scatter.add.f32 [tilespmem:s14], [sflag:$0x3], $0x80, s8, s13, $0xb8;
	[tilespmem:$0x1D880] =	vst v63  }
0x24b: {  	_ =	swait.ge [sflag:s19], $0x3E80  }
0x24c: {  	[sflag:s19] =	ssyncset.done $0x0  }
0x24d: {  	[sflag:s19] =	ssyncadd.s32 $0xFFFFC180  }
0x24e: {  	[tilespmem:s16], [sflag:$0x2] =	stream.indirect.gather [hbm4b:s4+s13], $0x80, s20, s13, $0xb8;
	[tilespmem:$0x1D880] =	vst v63  }
0x24f: {  	_ =	swait.ge [sflag:s17], $0x3E80  }
0x250: {  	[sflag:s17] =	ssyncset.done $0x0  }
0x251: {  	[sflag:s17] =	ssyncadd.s32 $0xFFFFC180  }
0x252: {  	[spmem:s2] =	stream.indirect.scatter.add.f32 [tilespmem:s16], [sflag:$0x4], $0x80, s21, s13, $0xb8;
	[tilespmem:$0x1D880] =	vst v63  }
0x253: {  	_ =	swait.ge [sflag:s18], $0x3E80  }
0x254: {  	[sflag:s18] =	ssyncset.done $0x0  }
0x255: {  	[sflag:s18] =	ssyncadd.s32 $0xFFFFC180  }
0x256: {  	[tilespmem:s14], [sflag:$0x1] =	stream.indirect.gather [hbm4b:s4+s13], $0x80, s22, s13, $0xb8;
	[tilespmem:$0x1D880] =	vst v63  }
0x257: {  	_ =	swait.ge [sflag:s15], $0x3E80  }
0x258: {  	[sflag:s15] =	ssyncset.done $0x0  }
0x259: {  	[sflag:s15] =	ssyncadd.s32 $0xFFFFC180  }
0x25a: {  	[spmem:s2] =	stream.indirect.scatter.add.f32 [tilespmem:s14], [sflag:$0x3], $0x80, s23, s13, $0xb8;
	[tilespmem:$0x1D880] =	vst v63  }
0x25b: {  	_ =	swait.ge [sflag:s19], $0x3E80  }
0x25c: {  	[sflag:s19] =	ssyncset.done $0x0  }
0x25d: {  	[sflag:s19] =	ssyncadd.s32 $0xFFFFC180  }
0x25e: {  	[tilespmem:s16], [sflag:$0x2] =	stream.indirect.gather [hbm4b:s4+s13], $0x80, s24, s13, $0xb8;
	[tilespmem:$0x1D880] =	vst v63  }
0x25f: {  	_ =	swait.ge [sflag:s17], $0x3E80  }
0x260: {  	[sflag:s17] =	ssyncset.done $0x0  }
0x261: {  	[sflag:s17] =	ssyncadd.s32 $0xFFFFC180  }
0x262: {  	[spmem:s2] =	stream.indirect.scatter.add.f32 [tilespmem:s16], [sflag:$0x4], $0x80, s26, s13, $0xb8;
	[tilespmem:$0x1D880] =	vst v63  }
0x263: {  	_ =	swait.ge [sflag:s18], $0x3E80  }
0x264: {  	[sflag:s18] =	ssyncset.done $0x0  }
0x265: {  	[sflag:s18] =	ssyncadd.s32 $0xFFFFC180  }
0x266: {  	[tilespmem:s14], [sflag:$0x1] =	stream.indirect.gather [hbm4b:s4+s13], $0x80, s28, s13, $0xb8;
	[tilespmem:$0x1D880] =	vst v63  }
0x267: {  	_ =	swait.ge [sflag:s15], $0x3E80  }
0x268: {  	[sflag:s15] =	ssyncset.done $0x0  }
0x269: {  	[sflag:s15] =	ssyncadd.s32 $0xFFFFC180  }
0x26a: {  	[spmem:s2] =	stream.indirect.scatter.add.f32 [tilespmem:s14], [sflag:$0x3], $0x80, s29, s13, $0xb8;
	[tilespmem:$0x1D880] =	vst v63  }
0x26b: {  	_ =	swait.ge [sflag:s19], $0x3E80  }
0x26c: {  	[sflag:s19] =	ssyncset.done $0x0  }
0x26d: {  	[sflag:s19] =	ssyncadd.s32 $0xFFFFC180  }
0x26e: {  	[tilespmem:s16], [sflag:$0x2] =	stream.indirect.gather [hbm4b:s4+s13], $0x80, s30, s13, $0xb8;
	[tilespmem:$0x1D880] =	vst v63  }
0x26f: {  	_ =	swait.ge [sflag:s17], $0x3E80  }
0x270: {  	[sflag:s17] =	ssyncset.done $0x0  }
0x271: {  	[sflag:s17] =	ssyncadd.s32 $0xFFFFC180  }
0x272: {  	[spmem:s2] =	stream.indirect.scatter.add.f32 [tilespmem:s16], [sflag:$0x4], $0x80, s31, s13, $0xb8;
	[tilespmem:$0x1D880] =	vst v63  }
0x273: {  	_ =	swait.ge [sflag:s18], $0x3E80  }
0x274: {  	[sflag:s18] =	ssyncset.done $0x0  }
0x275: {  	[sflag:s18] =	ssyncadd.s32 $0xFFFFC180  }
0x276: {  	[tilespmem:s14], [sflag:$0x1] =	stream.indirect.gather [hbm4b:s4+s13], $0x80, s1, s13, $0xb8;
	[tilespmem:$0x1D880] =	vst v63  }
0x277: {  	_ =	swait.ge [sflag:s15], $0x3E80  }
0x278: {  	[sflag:s15] =	ssyncset.done $0x0  }
0x279: {  	[sflag:s15] =	ssyncadd.s32 $0xFFFFC180  }
0x27a: {  	[spmem:s2] =	stream.indirect.scatter.add.f32 [tilespmem:s14], [sflag:$0x3], $0x80, s0, s13, $0xb8;
	[tilespmem:$0x1D880] =	vst v63  }
0x27b: {  	_ =	swait.ge [sflag:s19], $0x3E80  }
0x27c: {  	[sflag:s19] =	ssyncset.done $0x0  }
0x27d: {  	[sflag:s19] =	ssyncadd.s32 $0xFFFFC180  }
0x27e: {  	[tilespmem:s16], [sflag:$0x2] =	stream.indirect.gather [hbm4b:s4+s13], $0x80, s5, s13, $0xb8;
	[tilespmem:$0x1D880] =	vst v63  }
0x27f: {  	_ =	swait.ge [sflag:s17], $0x3E80  }
0x280: {  	[sflag:s17] =	ssyncset.done $0x0  }
0x281: {  	p1 =	sne.s32 s25, $0x800;
	[sflag:s17] =	ssyncadd.s32 $0xFFFFC180  }
0x282: {  	[spmem:s2] =	stream.indirect.scatter.add.f32 [tilespmem:s16], [sflag:$0x4], $0x80, s7, s13, $0xb8;
	[tilespmem:$0x1D880] =	vst v63  }
.Ltmp0:
0x283: {  	_ =	swait.ge [sflag:s18], $0x3E80;
	(pc) =	sbr.rel @p1 .LBB2_2-.Ltmp0, $4  }
0x284: {  	[sflag:s18] =	ssyncset.done $0x0  }
0x285: {  	[sflag:s18] =	ssyncadd.s32 $0xFFFFC180  }
0x286: {  	_ =	swait.ge [sflag:s19], $0x3E80  }
0x287: {  	s25 =	sadd.s32 $0x200, s25;
	s6 =	rddreg [dreg:$0x5];
	[sflag:s19] =	ssyncset.done $0x0  }
0x288: {  	[sflag:s19] =	ssyncadd.s32 $0xFFFFC180;
	s6 =	sadd.s32 s9, s6  }
0x289: {  	[tilespmem:s11], [sflag:$0x5] =	stream.linear.gather [hbm4b:s6+s3], $0x1000, $0x38;
	[tilespmem:$0x1D880] =	vst v63  }
0x28a: {  	_ =	swait.ge [sflag:s10], $0x1000  }
0x28b: {  	s25 =	rddreg [dreg:$0x6];
	[sflag:s10] =	ssyncset.done $0x0  }
0x28c: {  	s6 =	sadd.s32 s9, s25;
	[sflag:s10] =	ssyncadd.s32 $0xFFFFF000  }
0x28d: {  	[tilespmem:s12], [sflag:$0x5] =	stream.linear.gather [hbm4b:s6+s3], $0x1000, $0x38;
	[tilespmem:$0x1D880] =	vst v63  }
0x28e: {  	_ =	swait.ge [sflag:s10], $0x1000  }
0x28f: {  	[sflag:s10] =	ssyncset.done $0x0  }
0x290: {  	[sflag:s10] =	ssyncadd.s32 $0xFFFFF000  }
0x291: {  	[tilespmem:s14], [sflag:$0x1] =	stream.indirect.gather [hbm4b:s4+s13], $0x80, s11, s13, $0xb8;
	[tilespmem:$0x1D880] =	vst v63  }
0x292: {  	_ =	swait.ge [sflag:s15], $0x3E80  }
0x293: {  	[sflag:s15] =	ssyncset.done $0x0  }
0x294: {  	[sflag:s15] =	ssyncadd.s32 $0xFFFFC180  }
0x295: {  	[spmem:s2] =	stream.indirect.scatter.add.f32 [tilespmem:s14], [sflag:$0x3], $0x80, s12, s13, $0xb8;
	[tilespmem:$0x1D880] =	vst v63  }
0x296: {  	s8 =	rddreg [dreg:$0x7]  }
0x297: {  	[tilespmem:s16], [sflag:$0x2] =	stream.indirect.gather [hbm4b:s4+s13], $0x80, s8, s13, $0xb8;
	[tilespmem:$0x1D880] =	vst v63  }
0x298: {  	_ =	swait.ge [sflag:s17], $0x3E80  }
0x299: {  	[sflag:s17] =	ssyncset.done $0x0  }
0x29a: {  	s9 =	rddreg [dreg:$0x8];
	[sflag:s17] =	ssyncadd.s32 $0xFFFFC180  }
0x29b: {  	[spmem:s2] =	stream.indirect.scatter.add.f32 [tilespmem:s16], [sflag:$0x4], $0x80, s9, s13, $0xb8;
	[tilespmem:$0x1D880] =	vst v63  }
0x29c: {  	_ =	swait.ge [sflag:s18], $0x3E80  }
0x29d: {  	[sflag:s18] =	ssyncset.done $0x0  }
0x29e: {  	s25 =	rddreg [dreg:$0x9];
	[sflag:s18] =	ssyncadd.s32 $0xFFFFC180  }
0x29f: {  	[tilespmem:s14], [sflag:$0x1] =	stream.indirect.gather [hbm4b:s4+s13], $0x80, s25, s13, $0xb8;
	[tilespmem:$0x1D880] =	vst v63  }
0x2a0: {  	_ =	swait.ge [sflag:s15], $0x3E80  }
0x2a1: {  	[sflag:s15] =	ssyncset.done $0x0  }
0x2a2: {  	s8 =	rddreg [dreg:$0xa];
	[sflag:s15] =	ssyncadd.s32 $0xFFFFC180  }
0x2a3: {  	[spmem:s2] =	stream.indirect.scatter.add.f32 [tilespmem:s14], [sflag:$0x3], $0x80, s8, s13, $0xb8;
	[tilespmem:$0x1D880] =	vst v63  }
0x2a4: {  	_ =	swait.ge [sflag:s19], $0x3E80  }
0x2a5: {  	[sflag:s19] =	ssyncset.done $0x0  }
0x2a6: {  	s9 =	rddreg [dreg:$0xb];
	[sflag:s19] =	ssyncadd.s32 $0xFFFFC180  }
0x2a7: {  	[tilespmem:s16], [sflag:$0x2] =	stream.indirect.gather [hbm4b:s4+s13], $0x80, s9, s13, $0xb8;
	[tilespmem:$0x1D880] =	vst v63  }
0x2a8: {  	_ =	swait.ge [sflag:s17], $0x3E80  }
0x2a9: {  	[sflag:s17] =	ssyncset.done $0x0  }
0x2aa: {  	s25 =	rddreg [dreg:$0xc];
	[sflag:s17] =	ssyncadd.s32 $0xFFFFC180  }
0x2ab: {  	[spmem:s2] =	stream.indirect.scatter.add.f32 [tilespmem:s16], [sflag:$0x4], $0x80, s25, s13, $0xb8;
	[tilespmem:$0x1D880] =	vst v63  }
0x2ac: {  	_ =	swait.ge [sflag:s18], $0x3E80  }
0x2ad: {  	[sflag:s18] =	ssyncset.done $0x0  }
0x2ae: {  	s8 =	rddreg [dreg:$0xd];
	[sflag:s18] =	ssyncadd.s32 $0xFFFFC180  }
0x2af: {  	[tilespmem:s14], [sflag:$0x1] =	stream.indirect.gather [hbm4b:s4+s13], $0x80, s8, s13, $0xb8;
	[tilespmem:$0x1D880] =	vst v63  }
0x2b0: {  	_ =	swait.ge [sflag:s15], $0x3E80  }
0x2b1: {  	[sflag:s15] =	ssyncset.done $0x0  }
0x2b2: {  	s9 =	rddreg [dreg:$0xe];
	[sflag:s15] =	ssyncadd.s32 $0xFFFFC180  }
0x2b3: {  	[spmem:s2] =	stream.indirect.scatter.add.f32 [tilespmem:s14], [sflag:$0x3], $0x80, s9, s13, $0xb8;
	[tilespmem:$0x1D880] =	vst v63  }
0x2b4: {  	_ =	swait.ge [sflag:s19], $0x3E80  }
0x2b5: {  	[sflag:s19] =	ssyncset.done $0x0  }
0x2b6: {  	s25 =	rddreg [dreg:$0xf];
	[sflag:s19] =	ssyncadd.s32 $0xFFFFC180  }
0x2b7: {  	[tilespmem:s16], [sflag:$0x2] =	stream.indirect.gather [hbm4b:s4+s13], $0x80, s25, s13, $0xb8;
	[tilespmem:$0x1D880] =	vst v63  }
0x2b8: {  	_ =	swait.ge [sflag:s17], $0x3E80  }
0x2b9: {  	[sflag:s17] =	ssyncset.done $0x0  }
0x2ba: {  	s8 =	rddreg [dreg:$0x10];
	[sflag:s17] =	ssyncadd.s32 $0xFFFFC180  }
0x2bb: {  	[spmem:s2] =	stream.indirect.scatter.add.f32 [tilespmem:s16], [sflag:$0x4], $0x80, s8, s13, $0xb8;
	[tilespmem:$0x1D880] =	vst v63  }
0x2bc: {  	_ =	swait.ge [sflag:s18], $0x3E80  }
0x2bd: {  	[sflag:s18] =	ssyncset.done $0x0  }
0x2be: {  	s9 =	rddreg [dreg:$0x11];
	[sflag:s18] =	ssyncadd.s32 $0xFFFFC180  }
0x2bf: {  	[tilespmem:s14], [sflag:$0x1] =	stream.indirect.gather [hbm4b:s4+s13], $0x80, s9, s13, $0xb8;
	[tilespmem:$0x1D880] =	vst v63  }
0x2c0: {  	_ =	swait.ge [sflag:s15], $0x3E80  }
0x2c1: {  	[sflag:s15] =	ssyncset.done $0x0  }
0x2c2: {  	s25 =	rddreg [dreg:$0x12];
	[sflag:s15] =	ssyncadd.s32 $0xFFFFC180  }
0x2c3: {  	[spmem:s2] =	stream.indirect.scatter.add.f32 [tilespmem:s14], [sflag:$0x3], $0x80, s25, s13, $0xb8;
	[tilespmem:$0x1D880] =	vst v63  }
0x2c4: {  	_ =	swait.ge [sflag:s19], $0x3E80  }
0x2c5: {  	[sflag:s19] =	ssyncset.done $0x0  }
0x2c6: {  	s8 =	rddreg [dreg:$0x13];
	[sflag:s19] =	ssyncadd.s32 $0xFFFFC180  }
0x2c7: {  	[tilespmem:s16], [sflag:$0x2] =	stream.indirect.gather [hbm4b:s4+s13], $0x80, s8, s13, $0xb8;
	[tilespmem:$0x1D880] =	vst v63  }
0x2c8: {  	_ =	swait.ge [sflag:s17], $0x3E80  }
0x2c9: {  	[sflag:s17] =	ssyncset.done $0x0  }
0x2ca: {  	s9 =	rddreg [dreg:$0x14];
	[sflag:s17] =	ssyncadd.s32 $0xFFFFC180  }
0x2cb: {  	[spmem:s2] =	stream.indirect.scatter.add.f32 [tilespmem:s16], [sflag:$0x4], $0x80, s9, s13, $0xb8;
	[tilespmem:$0x1D880] =	vst v63  }
0x2cc: {  	_ =	swait.ge [sflag:s18], $0x3E80  }
0x2cd: {  	[sflag:s18] =	ssyncset.done $0x0  }
0x2ce: {  	s25 =	rddreg [dreg:$0x15];
	[sflag:s18] =	ssyncadd.s32 $0xFFFFC180  }
0x2cf: {  	[tilespmem:s14], [sflag:$0x1] =	stream.indirect.gather [hbm4b:s4+s13], $0x80, s25, s13, $0xb8;
	[tilespmem:$0x1D880] =	vst v63  }
0x2d0: {  	_ =	swait.ge [sflag:s15], $0x3E80  }
0x2d1: {  	[sflag:s15] =	ssyncset.done $0x0  }
0x2d2: {  	s8 =	rddreg [dreg:$0x16];
	[sflag:s15] =	ssyncadd.s32 $0xFFFFC180  }
0x2d3: {  	[spmem:s2] =	stream.indirect.scatter.add.f32 [tilespmem:s14], [sflag:$0x3], $0x80, s8, s13, $0xb8;
	[tilespmem:$0x1D880] =	vst v63  }
0x2d4: {  	_ =	swait.ge [sflag:s19], $0x3E80  }
0x2d5: {  	[sflag:s19] =	ssyncset.done $0x0  }
0x2d6: {  	s9 =	rddreg [dreg:$0x17];
	[sflag:s19] =	ssyncadd.s32 $0xFFFFC180  }
0x2d7: {  	[tilespmem:s16], [sflag:$0x2] =	stream.indirect.gather [hbm4b:s4+s13], $0x80, s9, s13, $0xb8;
	[tilespmem:$0x1D880] =	vst v63  }
0x2d8: {  	_ =	swait.ge [sflag:s17], $0x3E80  }
0x2d9: {  	[sflag:s17] =	ssyncset.done $0x0  }
0x2da: {  	s25 =	rddreg [dreg:$0x18];
	[sflag:s17] =	ssyncadd.s32 $0xFFFFC180  }
0x2db: {  	[spmem:s2] =	stream.indirect.scatter.add.f32 [tilespmem:s16], [sflag:$0x4], $0x80, s25, s13, $0xb8;
	[tilespmem:$0x1D880] =	vst v63  }
0x2dc: {  	_ =	swait.ge [sflag:s18], $0x3E80  }
0x2dd: {  	[sflag:s18] =	ssyncset.done $0x0  }
0x2de: {  	s8 =	rddreg [dreg:$0x19];
	[sflag:s18] =	ssyncadd.s32 $0xFFFFC180  }
0x2df: {  	[tilespmem:s14], [sflag:$0x1] =	stream.indirect.gather [hbm4b:s4+s13], $0x80, s8, s13, $0xb8;
	[tilespmem:$0x1D880] =	vst v63  }
0x2e0: {  	_ =	swait.ge [sflag:s15], $0x3E80  }
0x2e1: {  	[sflag:s15] =	ssyncset.done $0x0  }
0x2e2: {  	s9 =	rddreg [dreg:$0x1a];
	[sflag:s15] =	ssyncadd.s32 $0xFFFFC180  }
0x2e3: {  	[spmem:s2] =	stream.indirect.scatter.add.f32 [tilespmem:s14], [sflag:$0x3], $0x80, s9, s13, $0xb8;
	[tilespmem:$0x1D880] =	vst v63  }
0x2e4: {  	_ =	swait.ge [sflag:s19], $0x3E80  }
0x2e5: {  	[sflag:s19] =	ssyncset.done $0x0  }
0x2e6: {  	s25 =	rddreg [dreg:$0x1b];
	[sflag:s19] =	ssyncadd.s32 $0xFFFFC180  }
0x2e7: {  	[tilespmem:s16], [sflag:$0x2] =	stream.indirect.gather [hbm4b:s4+s13], $0x80, s25, s13, $0xb8;
	[tilespmem:$0x1D880] =	vst v63  }
0x2e8: {  	_ =	swait.ge [sflag:s17], $0x3E80  }
0x2e9: {  	[sflag:s17] =	ssyncset.done $0x0  }
0x2ea: {  	s8 =	rddreg [dreg:$0x1c];
	[sflag:s17] =	ssyncadd.s32 $0xFFFFC180  }
0x2eb: {  	[spmem:s2] =	stream.indirect.scatter.add.f32 [tilespmem:s16], [sflag:$0x4], $0x80, s8, s13, $0xb8;
	[tilespmem:$0x1D880] =	vst v63  }
0x2ec: {  	_ =	swait.ge [sflag:s18], $0x3E80  }
0x2ed: {  	[sflag:s18] =	ssyncset.done $0x0  }
0x2ee: {  	s9 =	rddreg [dreg:$0x1d];
	[sflag:s18] =	ssyncadd.s32 $0xFFFFC180  }
0x2ef: {  	[tilespmem:s14], [sflag:$0x1] =	stream.indirect.gather [hbm4b:s4+s13], $0x80, s9, s13, $0xb8;
	[tilespmem:$0x1D880] =	vst v63  }
0x2f0: {  	_ =	swait.ge [sflag:s15], $0x3E80  }
0x2f1: {  	[sflag:s15] =	ssyncset.done $0x0  }
0x2f2: {  	s25 =	rddreg [dreg:$0x1e];
	[sflag:s15] =	ssyncadd.s32 $0xFFFFC180  }
0x2f3: {  	[spmem:s2] =	stream.indirect.scatter.add.f32 [tilespmem:s14], [sflag:$0x3], $0x80, s25, s13, $0xb8;
	[tilespmem:$0x1D880] =	vst v63  }
0x2f4: {  	_ =	swait.ge [sflag:s19], $0x3E80  }
0x2f5: {  	[sflag:s19] =	ssyncset.done $0x0  }
0x2f6: {  	s8 =	rddreg [dreg:$0x1f];
	[sflag:s19] =	ssyncadd.s32 $0xFFFFC180  }
0x2f7: {  	[tilespmem:s16], [sflag:$0x2] =	stream.indirect.gather [hbm4b:s4+s13], $0x80, s8, s13, $0xb8;
	[tilespmem:$0x1D880] =	vst v63  }
0x2f8: {  	_ =	swait.ge [sflag:s17], $0x3E80  }
0x2f9: {  	s9 =	sld [smem:$0x7E2]  }
0x2fa: {  	[sflag:s17] =	ssyncset.done $0x0  }
0x2fb: {  	[sflag:s17] =	ssyncadd.s32 $0xFFFFC180  }
0x2fc: {  	[spmem:s2] =	stream.indirect.scatter.add.f32 [tilespmem:s16], [sflag:$0x4], $0x80, s9, s13, $0xb8;
	[tilespmem:$0x1D880] =	vst v63  }
0x2fd: {  	_ =	swait.ge [sflag:s18], $0x3E80  }
0x2fe: {  	s25 =	sld [smem:$0x7E3]  }
0x2ff: {  	[sflag:s18] =	ssyncset.done $0x0  }
0x300: {  	[sflag:s18] =	ssyncadd.s32 $0xFFFFC180  }
0x301: {  	[tilespmem:s14], [sflag:$0x1] =	stream.indirect.gather [hbm4b:s4+s13], $0x80, s25, s13, $0xb8;
	[tilespmem:$0x1D880] =	vst v63  }
0x302: {  	_ =	swait.ge [sflag:s15], $0x3E80  }
0x303: {  	s8 =	sld [smem:$0x7E4]  }
0x304: {  	[sflag:s15] =	ssyncset.done $0x0  }
0x305: {  	[sflag:s15] =	ssyncadd.s32 $0xFFFFC180  }
0x306: {  	[spmem:s2] =	stream.indirect.scatter.add.f32 [tilespmem:s14], [sflag:$0x3], $0x80, s8, s13, $0xb8;
	[tilespmem:$0x1D880] =	vst v63  }
0x307: {  	_ =	swait.ge [sflag:s19], $0x3E80  }
0x308: {  	s9 =	sld [smem:$0x7E5]  }
0x309: {  	[sflag:s19] =	ssyncset.done $0x0  }
0x30a: {  	[sflag:s19] =	ssyncadd.s32 $0xFFFFC180  }
0x30b: {  	[tilespmem:s16], [sflag:$0x2] =	stream.indirect.gather [hbm4b:s4+s13], $0x80, s9, s13, $0xb8;
	[tilespmem:$0x1D880] =	vst v63  }
0x30c: {  	_ =	swait.ge [sflag:s17], $0x3E80  }
0x30d: {  	s25 =	sld [smem:$0x7E6]  }
0x30e: {  	[sflag:s17] =	ssyncset.done $0x0  }
0x30f: {  	[sflag:s17] =	ssyncadd.s32 $0xFFFFC180  }
0x310: {  	[spmem:s2] =	stream.indirect.scatter.add.f32 [tilespmem:s16], [sflag:$0x4], $0x80, s25, s13, $0xb8;
	[tilespmem:$0x1D880] =	vst v63  }
0x311: {  	_ =	swait.ge [sflag:s18], $0x3E80  }
0x312: {  	s8 =	sld [smem:$0x7E7]  }
0x313: {  	[sflag:s18] =	ssyncset.done $0x0  }
0x314: {  	[sflag:s18] =	ssyncadd.s32 $0xFFFFC180  }
0x315: {  	[tilespmem:s14], [sflag:$0x1] =	stream.indirect.gather [hbm4b:s4+s13], $0x80, s8, s13, $0xb8;
	[tilespmem:$0x1D880] =	vst v63  }
0x316: {  	_ =	swait.ge [sflag:s15], $0x3E80  }
0x317: {  	s9 =	sld [smem:$0x7E8]  }
0x318: {  	[sflag:s15] =	ssyncset.done $0x0  }
0x319: {  	[sflag:s15] =	ssyncadd.s32 $0xFFFFC180  }
0x31a: {  	[spmem:s2] =	stream.indirect.scatter.add.f32 [tilespmem:s14], [sflag:$0x3], $0x80, s9, s13, $0xb8;
	[tilespmem:$0x1D880] =	vst v63  }
0x31b: {  	_ =	swait.ge [sflag:s19], $0x3E80  }
0x31c: {  	s25 =	sld [smem:$0x7EA]  }
0x31d: {  	[sflag:s19] =	ssyncset.done $0x0  }
0x31e: {  	[sflag:s19] =	ssyncadd.s32 $0xFFFFC180  }
0x31f: {  	[tilespmem:s16], [sflag:$0x2] =	stream.indirect.gather [hbm4b:s4+s13], $0x80, s25, s13, $0xb8;
	[tilespmem:$0x1D880] =	vst v63  }
0x320: {  	_ =	swait.ge [sflag:s17], $0x3E80  }
0x321: {  	s8 =	sld [smem:$0x7EB]  }
0x322: {  	[sflag:s17] =	ssyncset.done $0x0  }
0x323: {  	[sflag:s17] =	ssyncadd.s32 $0xFFFFC180  }
0x324: {  	[spmem:s2] =	stream.indirect.scatter.add.f32 [tilespmem:s16], [sflag:$0x4], $0x80, s8, s13, $0xb8;
	[tilespmem:$0x1D880] =	vst v63  }
0x325: {  	_ =	swait.ge [sflag:s18], $0x3E80  }
0x326: {  	s9 =	sld [smem:$0x7EC]  }
0x327: {  	[sflag:s18] =	ssyncset.done $0x0  }
0x328: {  	[sflag:s18] =	ssyncadd.s32 $0xFFFFC180  }
0x329: {  	[tilespmem:s14], [sflag:$0x1] =	stream.indirect.gather [hbm4b:s4+s13], $0x80, s9, s13, $0xb8;
	[tilespmem:$0x1D880] =	vst v63  }
0x32a: {  	_ =	swait.ge [sflag:s15], $0x3E80  }
0x32b: {  	s25 =	sld [smem:$0x7EE]  }
0x32c: {  	[sflag:s15] =	ssyncset.done $0x0  }
0x32d: {  	[sflag:s15] =	ssyncadd.s32 $0xFFFFC180  }
0x32e: {  	[spmem:s2] =	stream.indirect.scatter.add.f32 [tilespmem:s14], [sflag:$0x3], $0x80, s25, s13, $0xb8;
	[tilespmem:$0x1D880] =	vst v63  }
0x32f: {  	_ =	swait.ge [sflag:s19], $0x3E80  }
0x330: {  	s8 =	sld [smem:$0x7F0]  }
0x331: {  	[sflag:s19] =	ssyncset.done $0x0  }
0x332: {  	[sflag:s19] =	ssyncadd.s32 $0xFFFFC180  }
0x333: {  	[tilespmem:s16], [sflag:$0x2] =	stream.indirect.gather [hbm4b:s4+s13], $0x80, s8, s13, $0xb8;
	[tilespmem:$0x1D880] =	vst v63  }
0x334: {  	_ =	swait.ge [sflag:s17], $0x3E80  }
0x335: {  	s9 =	sld [smem:$0x7F1]  }
0x336: {  	[sflag:s17] =	ssyncset.done $0x0  }
0x337: {  	[sflag:s17] =	ssyncadd.s32 $0xFFFFC180  }
0x338: {  	[spmem:s2] =	stream.indirect.scatter.add.f32 [tilespmem:s16], [sflag:$0x4], $0x80, s9, s13, $0xb8;
	[tilespmem:$0x1D880] =	vst v63  }
0x339: {  	_ =	swait.ge [sflag:s18], $0x3E80  }
0x33a: {  	s25 =	sld [smem:$0x7F2]  }
0x33b: {  	[sflag:s18] =	ssyncset.done $0x0  }
0x33c: {  	[sflag:s18] =	ssyncadd.s32 $0xFFFFC180  }
0x33d: {  	[tilespmem:s14], [sflag:$0x1] =	stream.indirect.gather [hbm4b:s4+s13], $0x80, s25, s13, $0xb8;
	[tilespmem:$0x1D880] =	vst v63  }
0x33e: {  	_ =	swait.ge [sflag:s15], $0x3E80  }
0x33f: {  	s8 =	sld [smem:$0x7F3]  }
0x340: {  	[sflag:s15] =	ssyncset.done $0x0  }
0x341: {  	[sflag:s15] =	ssyncadd.s32 $0xFFFFC180  }
0x342: {  	[spmem:s2] =	stream.indirect.scatter.add.f32 [tilespmem:s14], [sflag:$0x3], $0x80, s8, s13, $0xb8;
	[tilespmem:$0x1D880] =	vst v63  }
0x343: {  	_ =	swait.ge [sflag:s19], $0x3E80  }
0x344: {  	s9 =	sld [smem:$0x7F4]  }
0x345: {  	[sflag:s19] =	ssyncset.done $0x0  }
0x346: {  	[sflag:s19] =	ssyncadd.s32 $0xFFFFC180  }
0x347: {  	[tilespmem:s16], [sflag:$0x2] =	stream.indirect.gather [hbm4b:s4+s13], $0x80, s9, s13, $0xb8;
	[tilespmem:$0x1D880] =	vst v63  }
0x348: {  	_ =	swait.ge [sflag:s17], $0x3E80  }
0x349: {  	s25 =	sld [smem:$0x7F5]  }
0x34a: {  	[sflag:s17] =	ssyncset.done $0x0  }
0x34b: {  	[sflag:s17] =	ssyncadd.s32 $0xFFFFC180  }
0x34c: {  	[spmem:s2] =	stream.indirect.scatter.add.f32 [tilespmem:s16], [sflag:$0x4], $0x80, s25, s13, $0xb8;
	[tilespmem:$0x1D880] =	vst v63  }
0x34d: {  	_ =	swait.ge [sflag:s18], $0x3E80  }
0x34e: {  	s8 =	sld [smem:$0x7F6]  }
0x34f: {  	[sflag:s18] =	ssyncset.done $0x0  }
0x350: {  	[sflag:s18] =	ssyncadd.s32 $0xFFFFC180  }
0x351: {  	[tilespmem:s14], [sflag:$0x1] =	stream.indirect.gather [hbm4b:s4+s13], $0x80, s8, s13, $0xb8;
	[tilespmem:$0x1D880] =	vst v63  }
0x352: {  	_ =	swait.ge [sflag:s15], $0x3E80  }
0x353: {  	s9 =	sld [smem:$0x7F7]  }
0x354: {  	[sflag:s15] =	ssyncset.done $0x0  }
0x355: {  	[sflag:s15] =	ssyncadd.s32 $0xFFFFC180  }
0x356: {  	[spmem:s2] =	stream.indirect.scatter.add.f32 [tilespmem:s14], [sflag:$0x3], $0x80, s9, s13, $0xb8;
	[tilespmem:$0x1D880] =	vst v63  }
0x357: {  	_ =	swait.ge [sflag:s19], $0x3E80  }
0x358: {  	s25 =	sld [smem:$0x7F8]  }
0x359: {  	[sflag:s19] =	ssyncset.done $0x0  }
0x35a: {  	[sflag:s19] =	ssyncadd.s32 $0xFFFFC180  }
0x35b: {  	[tilespmem:s16], [sflag:$0x2] =	stream.indirect.gather [hbm4b:s4+s13], $0x80, s25, s13, $0xb8;
	[tilespmem:$0x1D880] =	vst v63  }
0x35c: {  	_ =	swait.ge [sflag:s17], $0x3E80  }
0x35d: {  	s8 =	sld [smem:$0x7F9]  }
0x35e: {  	[sflag:s17] =	ssyncset.done $0x0  }
0x35f: {  	[sflag:s17] =	ssyncadd.s32 $0xFFFFC180  }
0x360: {  	[spmem:s2] =	stream.indirect.scatter.add.f32 [tilespmem:s16], [sflag:$0x4], $0x80, s8, s13, $0xb8;
	[tilespmem:$0x1D880] =	vst v63  }
0x361: {  	_ =	swait.ge [sflag:s18], $0x3E80  }
0x362: {  	s9 =	sld [smem:$0x7FA]  }
0x363: {  	[sflag:s18] =	ssyncset.done $0x0  }
0x364: {  	[sflag:s18] =	ssyncadd.s32 $0xFFFFC180  }
0x365: {  	[tilespmem:s14], [sflag:$0x1] =	stream.indirect.gather [hbm4b:s4+s13], $0x80, s9, s13, $0xb8;
	[tilespmem:$0x1D880] =	vst v63  }
0x366: {  	_ =	swait.ge [sflag:s15], $0x3E80  }
0x367: {  	s25 =	sld [smem:$0x7FB]  }
0x368: {  	[sflag:s15] =	ssyncset.done $0x0  }
0x369: {  	[sflag:s15] =	ssyncadd.s32 $0xFFFFC180  }
0x36a: {  	[spmem:s2] =	stream.indirect.scatter.add.f32 [tilespmem:s14], [sflag:$0x3], $0x80, s25, s13, $0xb8;
	[tilespmem:$0x1D880] =	vst v63  }
0x36b: {  	_ =	swait.ge [sflag:s19], $0x3E80  }
0x36c: {  	[sflag:s19] =	ssyncset.done $0x0  }
0x36d: {  	[sflag:s19] =	ssyncadd.s32 $0xFFFFC180  }
0x36e: {  	[tilespmem:s16], [sflag:$0x2] =	stream.indirect.gather [hbm4b:s4+s13], $0x80, s20, s13, $0xb8;
	[tilespmem:$0x1D880] =	vst v63  }
0x36f: {  	_ =	swait.ge [sflag:s17], $0x3E80  }
0x370: {  	[sflag:s17] =	ssyncset.done $0x0  }
0x371: {  	[sflag:s17] =	ssyncadd.s32 $0xFFFFC180  }
0x372: {  	[spmem:s2] =	stream.indirect.scatter.add.f32 [tilespmem:s16], [sflag:$0x4], $0x80, s21, s13, $0xb8;
	[tilespmem:$0x1D880] =	vst v63  }
0x373: {  	_ =	swait.ge [sflag:s18], $0x3E80  }
0x374: {  	[sflag:s18] =	ssyncset.done $0x0  }
0x375: {  	[sflag:s18] =	ssyncadd.s32 $0xFFFFC180  }
0x376: {  	[tilespmem:s14], [sflag:$0x1] =	stream.indirect.gather [hbm4b:s4+s13], $0x80, s22, s13, $0xb8;
	[tilespmem:$0x1D880] =	vst v63  }
0x377: {  	_ =	swait.ge [sflag:s15], $0x3E80  }
0x378: {  	[sflag:s15] =	ssyncset.done $0x0  }
0x379: {  	[sflag:s15] =	ssyncadd.s32 $0xFFFFC180  }
0x37a: {  	[spmem:s2] =	stream.indirect.scatter.add.f32 [tilespmem:s14], [sflag:$0x3], $0x80, s23, s13, $0xb8;
	[tilespmem:$0x1D880] =	vst v63  }
0x37b: {  	_ =	swait.ge [sflag:s19], $0x3E80  }
0x37c: {  	[sflag:s19] =	ssyncset.done $0x0  }
0x37d: {  	[sflag:s19] =	ssyncadd.s32 $0xFFFFC180  }
0x37e: {  	[tilespmem:s16], [sflag:$0x2] =	stream.indirect.gather [hbm4b:s4+s13], $0x80, s24, s13, $0xb8;
	[tilespmem:$0x1D880] =	vst v63  }
0x37f: {  	_ =	swait.ge [sflag:s17], $0x3E80  }
0x380: {  	[sflag:s17] =	ssyncset.done $0x0  }
0x381: {  	[sflag:s17] =	ssyncadd.s32 $0xFFFFC180  }
0x382: {  	[spmem:s2] =	stream.indirect.scatter.add.f32 [tilespmem:s16], [sflag:$0x4], $0x80, s26, s13, $0xb8;
	[tilespmem:$0x1D880] =	vst v63  }
0x383: {  	_ =	swait.ge [sflag:s18], $0x3E80  }
0x384: {  	[sflag:s18] =	ssyncset.done $0x0  }
0x385: {  	[sflag:s18] =	ssyncadd.s32 $0xFFFFC180  }
0x386: {  	[tilespmem:s14], [sflag:$0x1] =	stream.indirect.gather [hbm4b:s4+s13], $0x80, s28, s13, $0xb8;
	[tilespmem:$0x1D880] =	vst v63  }
0x387: {  	_ =	swait.ge [sflag:s15], $0x3E80  }
0x388: {  	[sflag:s15] =	ssyncset.done $0x0  }
0x389: {  	[sflag:s15] =	ssyncadd.s32 $0xFFFFC180  }
0x38a: {  	[spmem:s2] =	stream.indirect.scatter.add.f32 [tilespmem:s14], [sflag:$0x3], $0x80, s29, s13, $0xb8;
	[tilespmem:$0x1D880] =	vst v63  }
0x38b: {  	_ =	swait.ge [sflag:s19], $0x3E80  }
0x38c: {  	[sflag:s19] =	ssyncset.done $0x0  }
0x38d: {  	[sflag:s19] =	ssyncadd.s32 $0xFFFFC180  }
0x38e: {  	[tilespmem:s16], [sflag:$0x2] =	stream.indirect.gather [hbm4b:s4+s13], $0x80, s30, s13, $0xb8;
	[tilespmem:$0x1D880] =	vst v63  }
0x38f: {  	_ =	swait.ge [sflag:s17], $0x3E80  }
0x390: {  	[sflag:s17] =	ssyncset.done $0x0  }
0x391: {  	[sflag:s17] =	ssyncadd.s32 $0xFFFFC180  }
0x392: {  	[spmem:s2] =	stream.indirect.scatter.add.f32 [tilespmem:s16], [sflag:$0x4], $0x80, s31, s13, $0xb8;
	[tilespmem:$0x1D880] =	vst v63  }
0x393: {  	_ =	swait.ge [sflag:s18], $0x3E80  }
0x394: {  	[sflag:s18] =	ssyncset.done $0x0  }
0x395: {  	[sflag:s18] =	ssyncadd.s32 $0xFFFFC180  }
0x396: {  	[tilespmem:s14], [sflag:$0x1] =	stream.indirect.gather [hbm4b:s4+s13], $0x80, s1, s13, $0xb8;
	[tilespmem:$0x1D880] =	vst v63  }
0x397: {  	_ =	swait.ge [sflag:s15], $0x3E80  }
0x398: {  	[sflag:s15] =	ssyncset.done $0x0  }
0x399: {  	[sflag:s15] =	ssyncadd.s32 $0xFFFFC180  }
0x39a: {  	[spmem:s2] =	stream.indirect.scatter.add.f32 [tilespmem:s14], [sflag:$0x3], $0x80, s0, s13, $0xb8;
	[tilespmem:$0x1D880] =	vst v63  }
0x39b: {  	_ =	swait.ge [sflag:s19], $0x3E80  }
0x39c: {  	[sflag:s19] =	ssyncset.done $0x0  }
0x39d: {  	[sflag:s19] =	ssyncadd.s32 $0xFFFFC180  }
0x39e: {  	[tilespmem:s16], [sflag:$0x2] =	stream.indirect.gather [hbm4b:s4+s13], $0x80, s5, s13, $0xb8;
	[tilespmem:$0x1D880] =	vst v63  }
0x39f: {  	_ =	swait.ge [sflag:s17], $0x3E80  }
0x3a0: {  	[sflag:s17] =	ssyncset.done $0x0  }
0x3a1: {  	[sflag:s17] =	ssyncadd.s32 $0xFFFFC180  }
0x3a2: {  	[spmem:s2] =	stream.indirect.scatter.add.f32 [tilespmem:s16], [sflag:$0x4], $0x80, s7, s13, $0xb8;
	[tilespmem:$0x1D880] =	vst v63  }
0x3a3: {  	_ =	swait.ge [sflag:s18], $0x3E80  }
0x3a4: {  	[sflag:s18] =	ssyncset.done $0x0  }
0x3a5: {  	[sflag:s18] =	ssyncadd.s32 $0xFFFFC180  }
0x3a6: {  	_ =	swait.ge [sflag:s19], $0x3E80  }
0x3a7: {  	[sflag:s19] =	ssyncset.done $0x0  }
0x3a8: {  	[sflag:s19] =	ssyncadd.s32 $0xFFFFC180  }
0x3a9: {  	[bflag:$0x0] =	sbarrier.arrive $0xFFFF  }
0x3aa: {  	s25 =	sld [smem:$0x7FD]  }
0x3ab: {  	s6 =	sld [smem:$0x7E9]  }
0x3ac: {  	s8 =	sld [smem:$0x7FC];
	_ =	sdelay $0x2  }
0x3ad: {  	[hbm:s6], [sflag:s25] =	dma.local @!p0 [spmem:s8], $0x3E80  }
0x3ae: {  	s6 =	simm.s32 @!p0 $0x5  }
0x3af: {  	_ =	swait.ge @!p0 [sflag:s6], $0x3E80  }
0x3b0: {  	s8 =	sld [smem:$0x7E0];
	_ =	sdelay $0x2  }
0x3b1: {  	s9 =	sadd.s32 $0x1, s8;
	s8 =	sld [smem:$0x7ED];
	_ =	sdelay $0x2  }
0x3b2: {  	p1 =	sne.s32 s9, s8  }
.Ltmp1:
0x3b3: {  	_ = 	snop;
	(pc) =	sbr.rel @p1 .LBB2_1-.Ltmp1, $3  }
0x3b4: {  	_ =	sdelay $0x1  }
0x3b5: {  	[sflag:s6] =	ssyncset.done @!p0 $0x0  }
0x3b6: {  	[sflag:s6] =	ssyncadd.s32 @!p0 $0xFFFFC180  }
0x3b7: {  	_ =	sfence.sel $0x180000  }
0x3b8: {  	[bflag:$0x0] =	sbarrier.arrive $0xFFFF  }
0x3b9: {  	_ =	strace $0x9000004A  }
0x3ba: {  	s0 =	stileid.u32;
	[bflag:$0x2] =	sbarrier.arrive $0xFFFF  }
0x3bb: {  	p0 =	sne.s32 s0, $0x0;
	s0 =	rddreg [dreg:$0x4]  }
0x3bc: {  	s0 =	sadd.s32 @!p0 $0x100000, s0  }
0x3bd: {  	[sflag:s0] =	ssyncadd.tile.s32 @!p0 $0x1;
	_ =	shalt  }
.Lfunc_end2:
_tile_overlayer_lowered:
.L_overlay_start_2:
0x3be: {  	(tag) =	ssettag $0x2  }
0x3bf: {  	s0 =	rddreg [dreg:$0x0];
	s2 =	stileid.u32  }
0x3c0: {  	s1 =	rddreg [dreg:$0x1];
	p0 =	sne.s32 s2, $0x0  }
0x3c1: {  	s3 =	rddreg [dreg:$0x2];
	[bflag:$0x3] =	sbarrier.arrive $0xFFFF;
	s2 =	simm.s32 @!p0 $0x1C05  }
0x3c2: {  	[timem:s3], [sflag:s2] =	dma.local @!p0 [hbm:s0], s1  }
0x3c3: {  	s0 =	simm.s32 @!p0 $0x5  }
0x3c4: {  	_ =	swait.ge @!p0 [sflag:s0], s1  }
0x3c5: {  	s1 =	ssub.s32 @!p0 $0x0, s1;
	[sflag:s0] =	ssyncset.done @!p0 $0x0  }
0x3c6: {  	[sflag:s0] =	ssyncadd.s32 @!p0 s1  }
0x3c7: {  	[bflag:$0x3] =	sbarrier.arrive $0xFFFF  }
0x3c8: {  	_ =	shalt  }

</sc_bundles>
